<compile_context>
chip_gen: v7x
topology: tpu7x:2x2x1
jax: 0.10.2.dev20260603
libtpu: 0.0.44.dev20260713+nightly
codegen_flags: <defaults>
</compile_context>

<pallas_src>
import functools

import jax
import jax.numpy as jnp
from jax import lax
from jax.experimental import pallas as pl
from jax.experimental.pallas import tpu as pltpu
from jax.experimental.pallas import tpu_sc as plsc

_NC = 2
_NS = 16
_K = 80


@functools.cache
def _sc_aggregate(n, d, e):
    nw = _NC * _NS
    ew = e // nw
    steps = ew // _K
    odd = steps % 2 == 1
    groups = (steps - 1) // 2 if odd else steps // 2
    rows_main = (n // _NS) & ~7
    tail_off = rows_main * _NS
    tail_len = n - tail_off
    mesh = plsc.VectorSubcoreMesh(core_axis_name="c", subcore_axis_name="s")

    @functools.partial(
        pl.kernel,
        mesh=mesh,
        out_type=jax.ShapeDtypeStruct((_NC, n, d), jnp.float32),
        scratch_types=[
            pltpu.VMEM_SHARED((n, d), jnp.float32),
            pltpu.VMEM((ew,), jnp.int32),
            pltpu.VMEM((steps, _K), jnp.int32),
            pltpu.VMEM((_K, d), jnp.float32),
            pltpu.VMEM((_K, d), jnp.float32),
            pltpu.SemaphoreType.DMA,
            pltpu.SemaphoreType.DMA,
            pltpu.SemaphoreType.DMA,
            pltpu.SemaphoreType.DMA,
        ],
    )
    def agg(h_hbm, src_hbm, dst_hbm, zeros_hbm, out_hbm,
            aggr_sm, srcb, dstb, r0, r1, sg0, sg1, ss0, ss1):
        c = lax.axis_index("c")
        s = lax.axis_index("s")
        w = c * _NS + s
        pltpu.sync_copy(
            zeros_hbm.at[pl.ds(s * rows_main, rows_main)],
            aggr_sm.at[pl.ds(s * rows_main, rows_main)],
        )
        if tail_len:
            @pl.when(s == _NS - 1)
            def _():
                pltpu.sync_copy(
                    zeros_hbm.at[pl.ds(tail_off, tail_len)],
                    aggr_sm.at[pl.ds(tail_off, tail_len)],
                )
        plsc.subcore_barrier()
        pltpu.sync_copy(src_hbm.at[w], srcb)
        pltpu.sync_copy(dst_hbm.at[w], dstb)

        def gather_start(j, r, sem):
            pltpu.async_copy(h_hbm.at[srcb.at[pl.ds(j * _K, _K)]], r, sem)

        def gather_wait(j, r, sem):
            pltpu.make_async_copy(
                h_hbm.at[srcb.at[pl.ds(j * _K, _K)]], r, sem).wait()

        def scatter_start(j, r, sem):
            pltpu.async_copy(r, aggr_sm.at[dstb.at[j]], sem, add=True)

        def scatter_wait(j, r, sem):
            pltpu.make_async_copy(r, aggr_sm.at[dstb.at[j]], sem).wait()

        gather_start(0, r0, sg0)

        def body(g, carry):
            j = 2 * g

            @pl.when(g > 0)
            def _():
                scatter_wait(j - 1, r1, ss1)
            gather_start(j + 1, r1, sg1)
            gather_wait(j, r0, sg0)
            scatter_start(j, r0, ss0)
            gather_wait(j + 1, r1, sg1)
            scatter_start(j + 1, r1, ss1)
            scatter_wait(j, r0, ss0)

            @pl.when(g < groups - 1)
            def _():
                gather_start(j + 2, r0, sg0)
            return carry

        lax.fori_loop(0, groups, body, 0)
        last = steps - 1
        if odd:
            gather_start(last, r0, sg0)
            scatter_wait(last - 1, r1, ss1)
            gather_wait(last, r0, sg0)
            scatter_start(last, r0, ss0)
            scatter_wait(last, r0, ss0)
        else:
            scatter_wait(last, r1, ss1)

        plsc.subcore_barrier()
        pltpu.sync_copy(
            aggr_sm.at[pl.ds(s * rows_main, rows_main)],
            out_hbm.at[c].at[pl.ds(s * rows_main, rows_main)],
        )
        if tail_len:
            @pl.when(s == _NS - 1)
            def _():
                pltpu.sync_copy(
                    aggr_sm.at[pl.ds(tail_off, tail_len)],
                    out_hbm.at[c].at[pl.ds(tail_off, tail_len)],
                )

    return agg


def _tc_layer_body(p_ref, h_ref, wr_ref, br_ref, wt_ref, g_ref, b_ref, o_ref):
    aggr = p_ref[0] + p_ref[1]
    h = h_ref[...]
    y = (jnp.dot(aggr, wr_ref[...], preferred_element_type=jnp.float32)
         + jnp.dot(h, wt_ref[...], preferred_element_type=jnp.float32)
         + br_ref[...])
    m = jnp.mean(y, axis=0, keepdims=True)
    v = jnp.mean((y - m) ** 2, axis=0, keepdims=True)
    o_ref[...] = jnp.maximum(
        g_ref[...] * (y - m) * lax.rsqrt(v + 1e-5) + b_ref[...], 0.0)


@functools.cache
def _tc_layer(n, d):
    return pl.pallas_call(
        _tc_layer_body,
        out_shape=jax.ShapeDtypeStruct((n, d), jnp.float32),
    )


def _tc_final_body(p_ref, h_ref, wr_ref, br_ref, wt_ref, g_ref, b_ref,
                   batch_ref, lw_ref, lb_ref, o_ref, *, num_graphs):
    aggr = p_ref[0] + p_ref[1]
    h = h_ref[...]
    y = (jnp.dot(aggr, wr_ref[...], preferred_element_type=jnp.float32)
         + jnp.dot(h, wt_ref[...], preferred_element_type=jnp.float32)
         + br_ref[...])
    m = jnp.mean(y, axis=0, keepdims=True)
    v = jnp.mean((y - m) ** 2, axis=0, keepdims=True)
    hlast = jnp.maximum(
        g_ref[...] * (y - m) * lax.rsqrt(v + 1e-5) + b_ref[...], 0.0)
    n = hlast.shape[0]
    seg = lax.broadcasted_iota(jnp.int32, (n, num_graphs), 1)
    onehot = (batch_ref[...] == seg).astype(jnp.float32)
    sums = lax.dot_general(onehot, hlast, (((0,), (0,)), ((), ())),
                           preferred_element_type=jnp.float32)
    counts = jnp.sum(onehot, axis=0, keepdims=True)
    pooled = sums / jnp.maximum(counts, 1.0).T
    o_ref[...] = (jnp.dot(pooled, lw_ref[...],
                          preferred_element_type=jnp.float32) + lb_ref[...])


@functools.cache
def _tc_final(num_graphs, num_classes):
    return pl.pallas_call(
        functools.partial(_tc_final_body, num_graphs=num_graphs),
        out_shape=jax.ShapeDtypeStruct((num_graphs, num_classes), jnp.float32),
    )


def kernel(x, edge_index, batch, W_rel, b_rel, W_root, gamma, beta, lin_W, lin_b):
    n, d = x.shape
    e = edge_index.shape[1]
    num_layers = W_rel.shape[0]
    num_graphs = 64
    num_classes = lin_W.shape[1]

    nw = _NC * _NS
    steps = e // (nw * _K)
    src = edge_index[0].reshape(nw, e // nw)
    dst = edge_index[1].reshape(nw, steps, _K)
    zeros = jnp.zeros((n, d), jnp.float32)
    batch2d = batch.reshape(n, 1)
    agg = _sc_aggregate(n, d, e)
    layer = _tc_layer(n, d)
    final = _tc_final(num_graphs, num_classes)

    h = x
    for i in range(num_layers):
        partials = agg(h, src, dst, zeros)
        args = (partials, h, W_rel[i], b_rel[i].reshape(1, d), W_root[i],
                gamma[i].reshape(1, d), beta[i].reshape(1, d))
        if i < num_layers - 1:
            h = layer(*args)
        else:
            out = final(*args, batch2d, lin_W, lin_b.reshape(1, num_classes))
    return out

# --- scband reference (transcript-rebuilt; emitter-appended) ---
"""Pipeline reference for scband-gnn-2911987826770 (READ-ONLY COPY).

The authoritative reference and input builder live on the scoring server;
editing this copy changes nothing except your own understanding.
"""

import jax, jax.numpy as jnp
import numpy as np

N = 10000
E = 320000
D = 128
C = 16
G = 64
L = 5  # conv1, conv2, conv3 + num_layers=2 extra GraphConv layers, all 128->128


def setup_inputs(seed: int = 0):
    key = jax.random.key(seed)
    ks = jax.random.split(key, 12)
    x = jax.random.normal(ks[0], (N, D), dtype=jnp.float32)
    edge_index = jax.random.randint(ks[1], (2, E), 0, N, dtype=jnp.int32)
    batch = jnp.sort(jax.random.randint(ks[2], (N,), 0, G, dtype=jnp.int32))
    W_rel = jax.random.normal(ks[3], (L, D, D), dtype=jnp.float32) * 0.05
    b_rel = jax.random.normal(ks[4], (L, D), dtype=jnp.float32) * 0.05
    W_root = jax.random.normal(ks[5], (L, D, D), dtype=jnp.float32) * 0.05
    gamma = jnp.ones((L, D), dtype=jnp.float32)
    beta = jnp.zeros((L, D), dtype=jnp.float32)
    lin_W = jax.random.normal(ks[6], (D, C), dtype=jnp.float32) * 0.05
    lin_b = jnp.zeros((C,), dtype=jnp.float32)
    return {"x": x, "edge_index": edge_index, "batch": batch,
            "W_rel": W_rel, "b_rel": b_rel, "W_root": W_root,
            "gamma": gamma, "beta": beta, "lin_W": lin_W, "lin_b": lin_b}


def _graph_conv(h, src, dst, W_rel_i, b_rel_i, W_root_i):
    # PyG GraphConv: out_i = lin_rel(sum_{j in N(i)} x_j) + lin_root(x_i)
    aggr = jnp.zeros_like(h).at[dst].add(h[src])
    return aggr @ W_rel_i + b_rel_i + h @ W_root_i


def _bn(h, g, b):
    # BatchNorm1d in training mode: batch statistics, biased variance
    m = h.mean(axis=0)
    v = h.var(axis=0)
    return g * (h - m) / jnp.sqrt(v + 1e-5) + b


def reference(x, edge_index, batch, W_rel, b_rel, W_root, gamma, beta, lin_W, lin_b):
    src = edge_index[0]
    dst = edge_index[1]
    h = x
    for i in range(L):
        h = _graph_conv(h, src, dst, W_rel[i], b_rel[i], W_root[i])
        h = _bn(h, gamma[i], beta[i])
        h = jax.nn.relu(h)
    sums = jax.ops.segment_sum(h, batch, num_segments=G)
    counts = jax.ops.segment_sum(jnp.ones((h.shape[0],), dtype=h.dtype), batch, num_segments=G)
    pooled = sums / jnp.clip(counts, 1.0)[:, None]
    return pooled @ lin_W + lin_b

if __name__ == "__main__":
    import jax
    _d = setup_inputs()
    print(jax.jit(kernel)(*tuple(_d.values())))

</pallas_src>

<mosaic_0001>
#map = affine_map<(d0, d1) -> (0, 0)>
#map1 = affine_map<(d0, d1) -> (0, 0, 0)>
module attributes {stable_mosaic.version = 14 : i64} {
  func.func @agg(%arg0: i32, %arg1: i32, %arg2: memref<10000x128xf32, #tpu.memory_space<hbm>>, %arg3: memref<32x10000xi32, #tpu.memory_space<hbm>>, %arg4: memref<32x125x80xi32, #tpu.memory_space<hbm>>, %arg5: memref<10000x128xf32, #tpu.memory_space<hbm>>, %arg6: memref<2x10000x128xf32, #tpu.memory_space<hbm>>, %arg7: memref<10000x128xf32, #tpu.memory_space<vmem_shared>>, %arg8: memref<10000xi32, #tpu.memory_space<vmem>>, %arg9: memref<125x80xi32, #tpu.memory_space<vmem>>, %arg10: memref<80x128xf32, #tpu.memory_space<vmem>>, %arg11: memref<80x128xf32, #tpu.memory_space<vmem>>, %arg12: memref<!tpu.dma_semaphore, #tpu.memory_space<semaphore_mem>>, %arg13: memref<!tpu.dma_semaphore, #tpu.memory_space<semaphore_mem>>, %arg14: memref<!tpu.dma_semaphore, #tpu.memory_space<semaphore_mem>>, %arg15: memref<!tpu.dma_semaphore, #tpu.memory_space<semaphore_mem>>) attributes {dimension_semantics = [#tpu.dimension_semantics<core_parallel>, #tpu.dimension_semantics<subcore_parallel>], iteration_bounds = array<i64: 2, 16>, scalar_prefetch = 0 : i64, scratch_operands = 9 : i64, tpu.core_type = #tpu.core_type<sc_vector_subcore>, window_params = [{transform_indices = #map}, {transform_indices = #map}, {transform_indices = #map1}, {transform_indices = #map}, {transform_indices = #map1}]} {
    %mul3A = arith.constant 16 : i32
    %mul3A_0 = arith.muli %arg0, %mul3A : i32
    %add3A = arith.addi %mul3A_0, %arg1 : i32
    %mul3A_1 = arith.constant 624 : i32
    %mul3A_2 = arith.muli %arg1, %mul3A_1 : i32
    %mul3A_3 = arith.constant 624 : i32
    %mul3A_4 = arith.muli %arg1, %mul3A_3 : i32
    "tpu.region"() ({
      %run_scoped3A = tpu.sem_alloc : memref<!tpu.dma_semaphore, #tpu.memory_space<semaphore_mem>>
      %dma_start3A_56 = arith.constant 0 : i32
      %dma_start3A_57 = tpu.memref_slice %arg7[%mul3A_4, %dma_start3A_56] : memref<10000x128xf32, #tpu.memory_space<vmem_shared>> -> memref<624x128xf32, #tpu.memory_space<vmem_shared>>
      %dma_start3A_58 = arith.constant 0 : i32
      %dma_start3A_59 = tpu.memref_slice %arg5[%mul3A_2, %dma_start3A_58] : memref<10000x128xf32, #tpu.memory_space<hbm>> -> memref<624x128xf32, #tpu.memory_space<hbm>>
      tpu.enqueue_dma source(%dma_start3A_59 : memref<624x128xf32, #tpu.memory_space<hbm>>) target(%dma_start3A_57 : memref<624x128xf32, #tpu.memory_space<vmem_shared>>) target_semaphore(%run_scoped3A : memref<!tpu.dma_semaphore, #tpu.memory_space<semaphore_mem>>)
      %dma_wait3A_60 = arith.constant 0 : i32
      %dma_wait3A_61 = tpu.memref_slice %arg7[%mul3A_4, %dma_wait3A_60] : memref<10000x128xf32, #tpu.memory_space<vmem_shared>> -> memref<624x128xf32, #tpu.memory_space<vmem_shared>>
      %dma_wait3A_62 = arith.constant 0 : i32
      %dma_wait3A_63 = tpu.memref_slice %arg5[%mul3A_2, %dma_wait3A_62] : memref<10000x128xf32, #tpu.memory_space<hbm>> -> memref<624x128xf32, #tpu.memory_space<hbm>>
      tpu.wait_dma2 semaphore(%run_scoped3A : memref<!tpu.dma_semaphore, #tpu.memory_space<semaphore_mem>>) src(%dma_wait3A_63 : memref<624x128xf32, #tpu.memory_space<hbm>>) dst(%dma_wait3A_61 : memref<624x128xf32, #tpu.memory_space<vmem_shared>>)
      tpu.yield
    }) : () -> ()
    %eq3A = arith.constant 15 : i32
    %eq3A_5 = arith.cmpi eq, %arg1, %eq3A : i32
    %convert_element_type3A = arith.extui %eq3A_5 : i1 to i32
    %cond3A = arith.constant 0 : i32
    %cond3A_6 = arith.cmpi ne, %convert_element_type3A, %cond3A : i32
    scf.if %cond3A_6 {
      "tpu.region"() ({
        %run_scoped3A = tpu.sem_alloc : memref<!tpu.dma_semaphore, #tpu.memory_space<semaphore_mem>>
        %dma_start3A_56 = arith.constant 9984 : i32
        %dma_start3A_57 = arith.constant 0 : i32
        %dma_start3A_58 = tpu.memref_slice %arg7[%dma_start3A_56, %dma_start3A_57] : memref<10000x128xf32, #tpu.memory_space<vmem_shared>> -> memref<16x128xf32, #tpu.memory_space<vmem_shared>>
        %dma_start3A_59 = arith.constant 9984 : i32
        %dma_start3A_60 = arith.constant 0 : i32
        %dma_start3A_61 = tpu.memref_slice %arg5[%dma_start3A_59, %dma_start3A_60] : memref<10000x128xf32, #tpu.memory_space<hbm>> -> memref<16x128xf32, #tpu.memory_space<hbm>>
        tpu.enqueue_dma source(%dma_start3A_61 : memref<16x128xf32, #tpu.memory_space<hbm>>) target(%dma_start3A_58 : memref<16x128xf32, #tpu.memory_space<vmem_shared>>) target_semaphore(%run_scoped3A : memref<!tpu.dma_semaphore, #tpu.memory_space<semaphore_mem>>)
        %dma_wait3A_62 = arith.constant 9984 : i32
        %dma_wait3A_63 = arith.constant 0 : i32
        %dma_wait3A_64 = tpu.memref_slice %arg7[%dma_wait3A_62, %dma_wait3A_63] : memref<10000x128xf32, #tpu.memory_space<vmem_shared>> -> memref<16x128xf32, #tpu.memory_space<vmem_shared>>
        %dma_wait3A_65 = arith.constant 9984 : i32
        %dma_wait3A_66 = arith.constant 0 : i32
        %dma_wait3A_67 = tpu.memref_slice %arg5[%dma_wait3A_65, %dma_wait3A_66] : memref<10000x128xf32, #tpu.memory_space<hbm>> -> memref<16x128xf32, #tpu.memory_space<hbm>>
        tpu.wait_dma2 semaphore(%run_scoped3A : memref<!tpu.dma_semaphore, #tpu.memory_space<semaphore_mem>>) src(%dma_wait3A_67 : memref<16x128xf32, #tpu.memory_space<hbm>>) dst(%dma_wait3A_64 : memref<16x128xf32, #tpu.memory_space<vmem_shared>>)
        tpu.yield
      }) : () -> ()
    } else {
    }
    %barrier3A = arith.constant 0 : index
    tpu.barrier barrier_id(%barrier3A)
    "tpu.region"() ({
      %run_scoped3A = tpu.sem_alloc : memref<!tpu.dma_semaphore, #tpu.memory_space<semaphore_mem>>
      %dma_start3A_56 = arith.constant 0 : i32
      %dma_start3A_57 = tpu.memref_slice %arg3[%add3A, %dma_start3A_56] : memref<32x10000xi32, #tpu.memory_space<hbm>> -> memref<1x10000xi32, #tpu.memory_space<hbm>>
      %dma_start3A_58 = tpu.memref_squeeze %dma_start3A_57 : memref<1x10000xi32, #tpu.memory_space<hbm>> -> memref<10000xi32, #tpu.memory_space<hbm>>
      %dma_start3A_59 = arith.constant 0 : i32
      %dma_start3A_60 = tpu.memref_slice %arg3[%add3A, %dma_start3A_59] : memref<32x10000xi32, #tpu.memory_space<hbm>> -> memref<1x10000xi32, #tpu.memory_space<hbm>>
      %dma_start3A_61 = tpu.memref_squeeze %dma_start3A_60 : memref<1x10000xi32, #tpu.memory_space<hbm>> -> memref<10000xi32, #tpu.memory_space<hbm>>
      tpu.enqueue_dma source(%dma_start3A_61 : memref<10000xi32, #tpu.memory_space<hbm>>) target(%arg8 : memref<10000xi32, #tpu.memory_space<vmem>>) target_semaphore(%run_scoped3A : memref<!tpu.dma_semaphore, #tpu.memory_space<semaphore_mem>>)
      %dma_wait3A_62 = arith.constant 0 : i32
      %dma_wait3A_63 = tpu.memref_slice %arg3[%add3A, %dma_wait3A_62] : memref<32x10000xi32, #tpu.memory_space<hbm>> -> memref<1x10000xi32, #tpu.memory_space<hbm>>
      %dma_wait3A_64 = tpu.memref_squeeze %dma_wait3A_63 : memref<1x10000xi32, #tpu.memory_space<hbm>> -> memref<10000xi32, #tpu.memory_space<hbm>>
      %dma_wait3A_65 = arith.constant 0 : i32
      %dma_wait3A_66 = tpu.memref_slice %arg3[%add3A, %dma_wait3A_65] : memref<32x10000xi32, #tpu.memory_space<hbm>> -> memref<1x10000xi32, #tpu.memory_space<hbm>>
      %dma_wait3A_67 = tpu.memref_squeeze %dma_wait3A_66 : memref<1x10000xi32, #tpu.memory_space<hbm>> -> memref<10000xi32, #tpu.memory_space<hbm>>
      tpu.wait_dma2 semaphore(%run_scoped3A : memref<!tpu.dma_semaphore, #tpu.memory_space<semaphore_mem>>) src(%dma_wait3A_67 : memref<10000xi32, #tpu.memory_space<hbm>>) dst(%arg8 : memref<10000xi32, #tpu.memory_space<vmem>>)
      tpu.yield
    }) : () -> ()
    "tpu.region"() ({
      %run_scoped3A = tpu.sem_alloc : memref<!tpu.dma_semaphore, #tpu.memory_space<semaphore_mem>>
      %dma_start3A_56 = arith.constant 0 : i32
      %dma_start3A_57 = arith.constant 0 : i32
      %dma_start3A_58 = tpu.memref_slice %arg4[%add3A, %dma_start3A_56, %dma_start3A_57] : memref<32x125x80xi32, #tpu.memory_space<hbm>> -> memref<1x125x80xi32, #tpu.memory_space<hbm>>
      %dma_start3A_59 = tpu.memref_squeeze %dma_start3A_58 : memref<1x125x80xi32, #tpu.memory_space<hbm>> -> memref<125x80xi32, #tpu.memory_space<hbm>>
      %dma_start3A_60 = arith.constant 0 : i32
      %dma_start3A_61 = arith.constant 0 : i32
      %dma_start3A_62 = tpu.memref_slice %arg4[%add3A, %dma_start3A_60, %dma_start3A_61] : memref<32x125x80xi32, #tpu.memory_space<hbm>> -> memref<1x125x80xi32, #tpu.memory_space<hbm>>
      %dma_start3A_63 = tpu.memref_squeeze %dma_start3A_62 : memref<1x125x80xi32, #tpu.memory_space<hbm>> -> memref<125x80xi32, #tpu.memory_space<hbm>>
      tpu.enqueue_dma source(%dma_start3A_63 : memref<125x80xi32, #tpu.memory_space<hbm>>) target(%arg9 : memref<125x80xi32, #tpu.memory_space<vmem>>) target_semaphore(%run_scoped3A : memref<!tpu.dma_semaphore, #tpu.memory_space<semaphore_mem>>)
      %dma_wait3A_64 = arith.constant 0 : i32
      %dma_wait3A_65 = arith.constant 0 : i32
      %dma_wait3A_66 = tpu.memref_slice %arg4[%add3A, %dma_wait3A_64, %dma_wait3A_65] : memref<32x125x80xi32, #tpu.memory_space<hbm>> -> memref<1x125x80xi32, #tpu.memory_space<hbm>>
      %dma_wait3A_67 = tpu.memref_squeeze %dma_wait3A_66 : memref<1x125x80xi32, #tpu.memory_space<hbm>> -> memref<125x80xi32, #tpu.memory_space<hbm>>
      %dma_wait3A_68 = arith.constant 0 : i32
      %dma_wait3A_69 = arith.constant 0 : i32
      %dma_wait3A_70 = tpu.memref_slice %arg4[%add3A, %dma_wait3A_68, %dma_wait3A_69] : memref<32x125x80xi32, #tpu.memory_space<hbm>> -> memref<1x125x80xi32, #tpu.memory_space<hbm>>
      %dma_wait3A_71 = tpu.memref_squeeze %dma_wait3A_70 : memref<1x125x80xi32, #tpu.memory_space<hbm>> -> memref<125x80xi32, #tpu.memory_space<hbm>>
      tpu.wait_dma2 semaphore(%run_scoped3A : memref<!tpu.dma_semaphore, #tpu.memory_space<semaphore_mem>>) src(%dma_wait3A_71 : memref<125x80xi32, #tpu.memory_space<hbm>>) dst(%arg9 : memref<125x80xi32, #tpu.memory_space<vmem>>)
      tpu.yield
    }) : () -> ()
    %dma_start3A = arith.constant 0 : i32
    %dma_start3A_7 = tpu.memref_slice %arg8[%dma_start3A] : memref<10000xi32, #tpu.memory_space<vmem>> -> memref<80xi32, #tpu.memory_space<vmem>>
    %dma_start3A_8 = arith.constant 0 : i32
    %dma_start3A_9 = arith.constant 0 : i32
    %dma_start3A_10 = tpu.memref_slice %arg2[%dma_start3A_8, %dma_start3A_9] : memref<10000x128xf32, #tpu.memory_space<hbm>> -> memref<10000x128xf32, #tpu.memory_space<hbm>>
    tpu.enqueue_indirect_dma source(%dma_start3A_10 : memref<10000x128xf32, #tpu.memory_space<hbm>>) target(%arg10 : memref<80x128xf32, #tpu.memory_space<vmem>>) offsets(%dma_start3A_7 : memref<80xi32, #tpu.memory_space<vmem>>) semaphore(%arg12 : memref<!tpu.dma_semaphore, #tpu.memory_space<semaphore_mem>>)
    %scan3A = arith.constant 0 : i32
    %scan3A_11 = arith.constant 0 : i32
    %scan3A_12 = arith.constant 62 : i32
    %scan3A_13 = arith.addi %scan3A_11, %scan3A_12 : i32
    %scan3A_14 = arith.constant 1 : i32
    scf.for %scan3A_56 = %scan3A_11 to %scan3A_13 step %scan3A_14  : i32 {
      %mul3A_57 = arith.constant 2 : i32
      %mul3A_58 = arith.muli %mul3A_57, %scan3A_56 : i32
      %gt3A = arith.constant 0 : i32
      %gt3A_59 = arith.cmpi sgt, %scan3A_56, %gt3A : i32
      %convert_element_type3A_60 = arith.extui %gt3A_59 : i1 to i32
      %cond3A_61 = arith.constant 0 : i32
      %cond3A_62 = arith.cmpi ne, %convert_element_type3A_60, %cond3A_61 : i32
      scf.if %cond3A_62 {
        %sub3A = arith.constant 1 : i32
        %sub3A_109 = arith.subi %mul3A_58, %sub3A : i32
        %dma_wait3A_110 = arith.constant 0 : i32
        %dma_wait3A_111 = tpu.memref_slice %arg9[%sub3A_109, %dma_wait3A_110] : memref<125x80xi32, #tpu.memory_space<vmem>> -> memref<1x80xi32, #tpu.memory_space<vmem>>
        %dma_wait3A_112 = tpu.memref_squeeze %dma_wait3A_111 : memref<1x80xi32, #tpu.memory_space<vmem>> -> memref<80xi32, #tpu.memory_space<vmem>>
        %dma_wait3A_113 = arith.constant 0 : i32
        %dma_wait3A_114 = arith.constant 0 : i32
        %dma_wait3A_115 = tpu.memref_slice %arg7[%dma_wait3A_113, %dma_wait3A_114] : memref<10000x128xf32, #tpu.memory_space<vmem_shared>> -> memref<10000x128xf32, #tpu.memory_space<vmem_shared>>
        tpu.wait_indirect_dma semaphore(%arg15 : memref<!tpu.dma_semaphore, #tpu.memory_space<semaphore_mem>>) src(%arg11 : memref<80x128xf32, #tpu.memory_space<vmem>>) dst(%dma_wait3A_115 : memref<10000x128xf32, #tpu.memory_space<vmem_shared>>)
      } else {
      }
      %add3A_63 = arith.constant 1 : i32
      %add3A_64 = arith.addi %mul3A_58, %add3A_63 : i32
      %mul3A_65 = arith.constant 80 : i32
      %mul3A_66 = arith.muli %add3A_64, %mul3A_65 : i32
      %dma_start3A_67 = tpu.memref_slice %arg8[%mul3A_66] : memref<10000xi32, #tpu.memory_space<vmem>> -> memref<80xi32, #tpu.memory_space<vmem>>
      %dma_start3A_68 = arith.constant 0 : i32
      %dma_start3A_69 = arith.constant 0 : i32
      %dma_start3A_70 = tpu.memref_slice %arg2[%dma_start3A_68, %dma_start3A_69] : memref<10000x128xf32, #tpu.memory_space<hbm>> -> memref<10000x128xf32, #tpu.memory_space<hbm>>
      tpu.enqueue_indirect_dma source(%dma_start3A_70 : memref<10000x128xf32, #tpu.memory_space<hbm>>) target(%arg11 : memref<80x128xf32, #tpu.memory_space<vmem>>) offsets(%dma_start3A_67 : memref<80xi32, #tpu.memory_space<vmem>>) semaphore(%arg13 : memref<!tpu.dma_semaphore, #tpu.memory_space<semaphore_mem>>)
      %mul3A_71 = arith.constant 80 : i32
      %mul3A_72 = arith.muli %mul3A_58, %mul3A_71 : i32
      %dma_wait3A_73 = tpu.memref_slice %arg8[%mul3A_72] : memref<10000xi32, #tpu.memory_space<vmem>> -> memref<80xi32, #tpu.memory_space<vmem>>
      %dma_wait3A_74 = arith.constant 0 : i32
      %dma_wait3A_75 = arith.constant 0 : i32
      %dma_wait3A_76 = tpu.memref_slice %arg2[%dma_wait3A_74, %dma_wait3A_75] : memref<10000x128xf32, #tpu.memory_space<hbm>> -> memref<10000x128xf32, #tpu.memory_space<hbm>>
      tpu.wait_indirect_dma semaphore(%arg12 : memref<!tpu.dma_semaphore, #tpu.memory_space<semaphore_mem>>) src(%dma_wait3A_76 : memref<10000x128xf32, #tpu.memory_space<hbm>>) dst(%arg10 : memref<80x128xf32, #tpu.memory_space<vmem>>)
      %dma_start3A_77 = arith.constant 0 : i32
      %dma_start3A_78 = tpu.memref_slice %arg9[%mul3A_58, %dma_start3A_77] : memref<125x80xi32, #tpu.memory_space<vmem>> -> memref<1x80xi32, #tpu.memory_space<vmem>>
      %dma_start3A_79 = tpu.memref_squeeze %dma_start3A_78 : memref<1x80xi32, #tpu.memory_space<vmem>> -> memref<80xi32, #tpu.memory_space<vmem>>
      %dma_start3A_80 = arith.constant 0 : i32
      %dma_start3A_81 = arith.constant 0 : i32
      %dma_start3A_82 = tpu.memref_slice %arg7[%dma_start3A_80, %dma_start3A_81] : memref<10000x128xf32, #tpu.memory_space<vmem_shared>> -> memref<10000x128xf32, #tpu.memory_space<vmem_shared>>
      tpu.enqueue_indirect_dma source(%arg10 : memref<80x128xf32, #tpu.memory_space<vmem>>) target(%dma_start3A_82 : memref<10000x128xf32, #tpu.memory_space<vmem_shared>>) offsets(%dma_start3A_79 : memref<80xi32, #tpu.memory_space<vmem>>) semaphore(%arg14 : memref<!tpu.dma_semaphore, #tpu.memory_space<semaphore_mem>>) {add = true}
      %add3A_83 = arith.constant 1 : i32
      %add3A_84 = arith.addi %mul3A_58, %add3A_83 : i32
      %mul3A_85 = arith.constant 80 : i32
      %mul3A_86 = arith.muli %add3A_84, %mul3A_85 : i32
      %dma_wait3A_87 = tpu.memref_slice %arg8[%mul3A_86] : memref<10000xi32, #tpu.memory_space<vmem>> -> memref<80xi32, #tpu.memory_space<vmem>>
      %dma_wait3A_88 = arith.constant 0 : i32
      %dma_wait3A_89 = arith.constant 0 : i32
      %dma_wait3A_90 = tpu.memref_slice %arg2[%dma_wait3A_88, %dma_wait3A_89] : memref<10000x128xf32, #tpu.memory_space<hbm>> -> memref<10000x128xf32, #tpu.memory_space<hbm>>
      tpu.wait_indirect_dma semaphore(%arg13 : memref<!tpu.dma_semaphore, #tpu.memory_space<semaphore_mem>>) src(%dma_wait3A_90 : memref<10000x128xf32, #tpu.memory_space<hbm>>) dst(%arg11 : memref<80x128xf32, #tpu.memory_space<vmem>>)
      %add3A_91 = arith.constant 1 : i32
      %add3A_92 = arith.addi %mul3A_58, %add3A_91 : i32
      %dma_start3A_93 = arith.constant 0 : i32
      %dma_start3A_94 = tpu.memref_slice %arg9[%add3A_92, %dma_start3A_93] : memref<125x80xi32, #tpu.memory_space<vmem>> -> memref<1x80xi32, #tpu.memory_space<vmem>>
      %dma_start3A_95 = tpu.memref_squeeze %dma_start3A_94 : memref<1x80xi32, #tpu.memory_space<vmem>> -> memref<80xi32, #tpu.memory_space<vmem>>
      %dma_start3A_96 = arith.constant 0 : i32
      %dma_start3A_97 = arith.constant 0 : i32
      %dma_start3A_98 = tpu.memref_slice %arg7[%dma_start3A_96, %dma_start3A_97] : memref<10000x128xf32, #tpu.memory_space<vmem_shared>> -> memref<10000x128xf32, #tpu.memory_space<vmem_shared>>
      tpu.enqueue_indirect_dma source(%arg11 : memref<80x128xf32, #tpu.memory_space<vmem>>) target(%dma_start3A_98 : memref<10000x128xf32, #tpu.memory_space<vmem_shared>>) offsets(%dma_start3A_95 : memref<80xi32, #tpu.memory_space<vmem>>) semaphore(%arg15 : memref<!tpu.dma_semaphore, #tpu.memory_space<semaphore_mem>>) {add = true}
      %dma_wait3A_99 = arith.constant 0 : i32
      %dma_wait3A_100 = tpu.memref_slice %arg9[%mul3A_58, %dma_wait3A_99] : memref<125x80xi32, #tpu.memory_space<vmem>> -> memref<1x80xi32, #tpu.memory_space<vmem>>
      %dma_wait3A_101 = tpu.memref_squeeze %dma_wait3A_100 : memref<1x80xi32, #tpu.memory_space<vmem>> -> memref<80xi32, #tpu.memory_space<vmem>>
      %dma_wait3A_102 = arith.constant 0 : i32
      %dma_wait3A_103 = arith.constant 0 : i32
      %dma_wait3A_104 = tpu.memref_slice %arg7[%dma_wait3A_102, %dma_wait3A_103] : memref<10000x128xf32, #tpu.memory_space<vmem_shared>> -> memref<10000x128xf32, #tpu.memory_space<vmem_shared>>
      tpu.wait_indirect_dma semaphore(%arg14 : memref<!tpu.dma_semaphore, #tpu.memory_space<semaphore_mem>>) src(%arg10 : memref<80x128xf32, #tpu.memory_space<vmem>>) dst(%dma_wait3A_104 : memref<10000x128xf32, #tpu.memory_space<vmem_shared>>)
      %lt3A = arith.constant 61 : i32
      %lt3A_105 = arith.cmpi slt, %scan3A_56, %lt3A : i32
      %convert_element_type3A_106 = arith.extui %lt3A_105 : i1 to i32
      %cond3A_107 = arith.constant 0 : i32
      %cond3A_108 = arith.cmpi ne, %convert_element_type3A_106, %cond3A_107 : i32
      scf.if %cond3A_108 {
        %add3A_109 = arith.constant 2 : i32
        %add3A_110 = arith.addi %mul3A_58, %add3A_109 : i32
        %mul3A_111 = arith.constant 80 : i32
        %mul3A_112 = arith.muli %add3A_110, %mul3A_111 : i32
        %dma_start3A_113 = tpu.memref_slice %arg8[%mul3A_112] : memref<10000xi32, #tpu.memory_space<vmem>> -> memref<80xi32, #tpu.memory_space<vmem>>
        %dma_start3A_114 = arith.constant 0 : i32
        %dma_start3A_115 = arith.constant 0 : i32
        %dma_start3A_116 = tpu.memref_slice %arg2[%dma_start3A_114, %dma_start3A_115] : memref<10000x128xf32, #tpu.memory_space<hbm>> -> memref<10000x128xf32, #tpu.memory_space<hbm>>
        tpu.enqueue_indirect_dma source(%dma_start3A_116 : memref<10000x128xf32, #tpu.memory_space<hbm>>) target(%arg10 : memref<80x128xf32, #tpu.memory_space<vmem>>) offsets(%dma_start3A_113 : memref<80xi32, #tpu.memory_space<vmem>>) semaphore(%arg12 : memref<!tpu.dma_semaphore, #tpu.memory_space<semaphore_mem>>)
      } else {
      }
    }
    %scan3A_15 = arith.constant 62 : i32
    %dma_start3A_16 = arith.constant 9920 : i32
    %dma_start3A_17 = tpu.memref_slice %arg8[%dma_start3A_16] : memref<10000xi32, #tpu.memory_space<vmem>> -> memref<80xi32, #tpu.memory_space<vmem>>
    %dma_start3A_18 = arith.constant 0 : i32
    %dma_start3A_19 = arith.constant 0 : i32
    %dma_start3A_20 = tpu.memref_slice %arg2[%dma_start3A_18, %dma_start3A_19] : memref<10000x128xf32, #tpu.memory_space<hbm>> -> memref<10000x128xf32, #tpu.memory_space<hbm>>
    tpu.enqueue_indirect_dma source(%dma_start3A_20 : memref<10000x128xf32, #tpu.memory_space<hbm>>) target(%arg10 : memref<80x128xf32, #tpu.memory_space<vmem>>) offsets(%dma_start3A_17 : memref<80xi32, #tpu.memory_space<vmem>>) semaphore(%arg12 : memref<!tpu.dma_semaphore, #tpu.memory_space<semaphore_mem>>)
    %dma_wait3A = arith.constant 123 : i32
    %dma_wait3A_21 = arith.constant 0 : i32
    %dma_wait3A_22 = tpu.memref_slice %arg9[%dma_wait3A, %dma_wait3A_21] : memref<125x80xi32, #tpu.memory_space<vmem>> -> memref<1x80xi32, #tpu.memory_space<vmem>>
    %dma_wait3A_23 = tpu.memref_squeeze %dma_wait3A_22 : memref<1x80xi32, #tpu.memory_space<vmem>> -> memref<80xi32, #tpu.memory_space<vmem>>
    %dma_wait3A_24 = arith.constant 0 : i32
    %dma_wait3A_25 = arith.constant 0 : i32
    %dma_wait3A_26 = tpu.memref_slice %arg7[%dma_wait3A_24, %dma_wait3A_25] : memref<10000x128xf32, #tpu.memory_space<vmem_shared>> -> memref<10000x128xf32, #tpu.memory_space<vmem_shared>>
    tpu.wait_indirect_dma semaphore(%arg15 : memref<!tpu.dma_semaphore, #tpu.memory_space<semaphore_mem>>) src(%arg11 : memref<80x128xf32, #tpu.memory_space<vmem>>) dst(%dma_wait3A_26 : memref<10000x128xf32, #tpu.memory_space<vmem_shared>>)
    %dma_wait3A_27 = arith.constant 9920 : i32
    %dma_wait3A_28 = tpu.memref_slice %arg8[%dma_wait3A_27] : memref<10000xi32, #tpu.memory_space<vmem>> -> memref<80xi32, #tpu.memory_space<vmem>>
    %dma_wait3A_29 = arith.constant 0 : i32
    %dma_wait3A_30 = arith.constant 0 : i32
    %dma_wait3A_31 = tpu.memref_slice %arg2[%dma_wait3A_29, %dma_wait3A_30] : memref<10000x128xf32, #tpu.memory_space<hbm>> -> memref<10000x128xf32, #tpu.memory_space<hbm>>
    tpu.wait_indirect_dma semaphore(%arg12 : memref<!tpu.dma_semaphore, #tpu.memory_space<semaphore_mem>>) src(%dma_wait3A_31 : memref<10000x128xf32, #tpu.memory_space<hbm>>) dst(%arg10 : memref<80x128xf32, #tpu.memory_space<vmem>>)
    %dma_start3A_32 = arith.constant 124 : i32
    %dma_start3A_33 = arith.constant 0 : i32
    %dma_start3A_34 = tpu.memref_slice %arg9[%dma_start3A_32, %dma_start3A_33] : memref<125x80xi32, #tpu.memory_space<vmem>> -> memref<1x80xi32, #tpu.memory_space<vmem>>
    %dma_start3A_35 = tpu.memref_squeeze %dma_start3A_34 : memref<1x80xi32, #tpu.memory_space<vmem>> -> memref<80xi32, #tpu.memory_space<vmem>>
    %dma_start3A_36 = arith.constant 0 : i32
    %dma_start3A_37 = arith.constant 0 : i32
    %dma_start3A_38 = tpu.memref_slice %arg7[%dma_start3A_36, %dma_start3A_37] : memref<10000x128xf32, #tpu.memory_space<vmem_shared>> -> memref<10000x128xf32, #tpu.memory_space<vmem_shared>>
    tpu.enqueue_indirect_dma source(%arg10 : memref<80x128xf32, #tpu.memory_space<vmem>>) target(%dma_start3A_38 : memref<10000x128xf32, #tpu.memory_space<vmem_shared>>) offsets(%dma_start3A_35 : memref<80xi32, #tpu.memory_space<vmem>>) semaphore(%arg14 : memref<!tpu.dma_semaphore, #tpu.memory_space<semaphore_mem>>) {add = true}
    %dma_wait3A_39 = arith.constant 124 : i32
    %dma_wait3A_40 = arith.constant 0 : i32
    %dma_wait3A_41 = tpu.memref_slice %arg9[%dma_wait3A_39, %dma_wait3A_40] : memref<125x80xi32, #tpu.memory_space<vmem>> -> memref<1x80xi32, #tpu.memory_space<vmem>>
    %dma_wait3A_42 = tpu.memref_squeeze %dma_wait3A_41 : memref<1x80xi32, #tpu.memory_space<vmem>> -> memref<80xi32, #tpu.memory_space<vmem>>
    %dma_wait3A_43 = arith.constant 0 : i32
    %dma_wait3A_44 = arith.constant 0 : i32
    %dma_wait3A_45 = tpu.memref_slice %arg7[%dma_wait3A_43, %dma_wait3A_44] : memref<10000x128xf32, #tpu.memory_space<vmem_shared>> -> memref<10000x128xf32, #tpu.memory_space<vmem_shared>>
    tpu.wait_indirect_dma semaphore(%arg14 : memref<!tpu.dma_semaphore, #tpu.memory_space<semaphore_mem>>) src(%arg10 : memref<80x128xf32, #tpu.memory_space<vmem>>) dst(%dma_wait3A_45 : memref<10000x128xf32, #tpu.memory_space<vmem_shared>>)
    %barrier3A_46 = arith.constant 0 : index
    tpu.barrier barrier_id(%barrier3A_46)
    %mul3A_47 = arith.constant 624 : i32
    %mul3A_48 = arith.muli %arg1, %mul3A_47 : i32
    %mul3A_49 = arith.constant 624 : i32
    %mul3A_50 = arith.muli %arg1, %mul3A_49 : i32
    "tpu.region"() ({
      %run_scoped3A = tpu.sem_alloc : memref<!tpu.dma_semaphore, #tpu.memory_space<semaphore_mem>>
      %dma_start3A_56 = arith.constant 0 : i32
      %dma_start3A_57 = arith.constant 0 : i32
      %dma_start3A_58 = tpu.memref_slice %arg6[%arg0, %dma_start3A_56, %dma_start3A_57] : memref<2x10000x128xf32, #tpu.memory_space<hbm>> -> memref<1x10000x128xf32, #tpu.memory_space<hbm>>
      %dma_start3A_59 = tpu.memref_squeeze %dma_start3A_58 : memref<1x10000x128xf32, #tpu.memory_space<hbm>> -> memref<10000x128xf32, #tpu.memory_space<hbm>>
      %dma_start3A_60 = arith.constant 0 : i32
      %dma_start3A_61 = tpu.memref_slice %dma_start3A_59[%mul3A_50, %dma_start3A_60] : memref<10000x128xf32, #tpu.memory_space<hbm>> -> memref<624x128xf32, #tpu.memory_space<hbm>>
      %dma_start3A_62 = arith.constant 0 : i32
      %dma_start3A_63 = tpu.memref_slice %arg7[%mul3A_48, %dma_start3A_62] : memref<10000x128xf32, #tpu.memory_space<vmem_shared>> -> memref<624x128xf32, #tpu.memory_space<vmem_shared>>
      tpu.enqueue_dma source(%dma_start3A_63 : memref<624x128xf32, #tpu.memory_space<vmem_shared>>) target(%dma_start3A_61 : memref<624x128xf32, #tpu.memory_space<hbm>>) target_semaphore(%run_scoped3A : memref<!tpu.dma_semaphore, #tpu.memory_space<semaphore_mem>>)
      %dma_wait3A_64 = arith.constant 0 : i32
      %dma_wait3A_65 = arith.constant 0 : i32
      %dma_wait3A_66 = tpu.memref_slice %arg6[%arg0, %dma_wait3A_64, %dma_wait3A_65] : memref<2x10000x128xf32, #tpu.memory_space<hbm>> -> memref<1x10000x128xf32, #tpu.memory_space<hbm>>
      %dma_wait3A_67 = tpu.memref_squeeze %dma_wait3A_66 : memref<1x10000x128xf32, #tpu.memory_space<hbm>> -> memref<10000x128xf32, #tpu.memory_space<hbm>>
      %dma_wait3A_68 = arith.constant 0 : i32
      %dma_wait3A_69 = tpu.memref_slice %dma_wait3A_67[%mul3A_50, %dma_wait3A_68] : memref<10000x128xf32, #tpu.memory_space<hbm>> -> memref<624x128xf32, #tpu.memory_space<hbm>>
      %dma_wait3A_70 = arith.constant 0 : i32
      %dma_wait3A_71 = tpu.memref_slice %arg7[%mul3A_48, %dma_wait3A_70] : memref<10000x128xf32, #tpu.memory_space<vmem_shared>> -> memref<624x128xf32, #tpu.memory_space<vmem_shared>>
      tpu.wait_dma2 semaphore(%run_scoped3A : memref<!tpu.dma_semaphore, #tpu.memory_space<semaphore_mem>>) src(%dma_wait3A_71 : memref<624x128xf32, #tpu.memory_space<vmem_shared>>) dst(%dma_wait3A_69 : memref<624x128xf32, #tpu.memory_space<hbm>>)
      tpu.yield
    }) : () -> ()
    %eq3A_51 = arith.constant 15 : i32
    %eq3A_52 = arith.cmpi eq, %arg1, %eq3A_51 : i32
    %convert_element_type3A_53 = arith.extui %eq3A_52 : i1 to i32
    %cond3A_54 = arith.constant 0 : i32
    %cond3A_55 = arith.cmpi ne, %convert_element_type3A_53, %cond3A_54 : i32
    scf.if %cond3A_55 {
      "tpu.region"() ({
        %run_scoped3A = tpu.sem_alloc : memref<!tpu.dma_semaphore, #tpu.memory_space<semaphore_mem>>
        %dma_start3A_56 = arith.constant 0 : i32
        %dma_start3A_57 = arith.constant 0 : i32
        %dma_start3A_58 = tpu.memref_slice %arg6[%arg0, %dma_start3A_56, %dma_start3A_57] : memref<2x10000x128xf32, #tpu.memory_space<hbm>> -> memref<1x10000x128xf32, #tpu.memory_space<hbm>>
        %dma_start3A_59 = tpu.memref_squeeze %dma_start3A_58 : memref<1x10000x128xf32, #tpu.memory_space<hbm>> -> memref<10000x128xf32, #tpu.memory_space<hbm>>
        %dma_start3A_60 = arith.constant 9984 : i32
        %dma_start3A_61 = arith.constant 0 : i32
        %dma_start3A_62 = tpu.memref_slice %dma_start3A_59[%dma_start3A_60, %dma_start3A_61] : memref<10000x128xf32, #tpu.memory_space<hbm>> -> memref<16x128xf32, #tpu.memory_space<hbm>>
        %dma_start3A_63 = arith.constant 9984 : i32
        %dma_start3A_64 = arith.constant 0 : i32
        %dma_start3A_65 = tpu.memref_slice %arg7[%dma_start3A_63, %dma_start3A_64] : memref<10000x128xf32, #tpu.memory_space<vmem_shared>> -> memref<16x128xf32, #tpu.memory_space<vmem_shared>>
        tpu.enqueue_dma source(%dma_start3A_65 : memref<16x128xf32, #tpu.memory_space<vmem_shared>>) target(%dma_start3A_62 : memref<16x128xf32, #tpu.memory_space<hbm>>) target_semaphore(%run_scoped3A : memref<!tpu.dma_semaphore, #tpu.memory_space<semaphore_mem>>)
        %dma_wait3A_66 = arith.constant 0 : i32
        %dma_wait3A_67 = arith.constant 0 : i32
        %dma_wait3A_68 = tpu.memref_slice %arg6[%arg0, %dma_wait3A_66, %dma_wait3A_67] : memref<2x10000x128xf32, #tpu.memory_space<hbm>> -> memref<1x10000x128xf32, #tpu.memory_space<hbm>>
        %dma_wait3A_69 = tpu.memref_squeeze %dma_wait3A_68 : memref<1x10000x128xf32, #tpu.memory_space<hbm>> -> memref<10000x128xf32, #tpu.memory_space<hbm>>
        %dma_wait3A_70 = arith.constant 9984 : i32
        %dma_wait3A_71 = arith.constant 0 : i32
        %dma_wait3A_72 = tpu.memref_slice %dma_wait3A_69[%dma_wait3A_70, %dma_wait3A_71] : memref<10000x128xf32, #tpu.memory_space<hbm>> -> memref<16x128xf32, #tpu.memory_space<hbm>>
        %dma_wait3A_73 = arith.constant 9984 : i32
        %dma_wait3A_74 = arith.constant 0 : i32
        %dma_wait3A_75 = tpu.memref_slice %arg7[%dma_wait3A_73, %dma_wait3A_74] : memref<10000x128xf32, #tpu.memory_space<vmem_shared>> -> memref<16x128xf32, #tpu.memory_space<vmem_shared>>
        tpu.wait_dma2 semaphore(%run_scoped3A : memref<!tpu.dma_semaphore, #tpu.memory_space<semaphore_mem>>) src(%dma_wait3A_75 : memref<16x128xf32, #tpu.memory_space<vmem_shared>>) dst(%dma_wait3A_72 : memref<16x128xf32, #tpu.memory_space<hbm>>)
        tpu.yield
      }) : () -> ()
    } else {
    }
    return
  }
}

#map = affine_map<(d0, d1) -> (0, 0)>
#map1 = affine_map<(d0, d1) -> (0, 0, 0)>
module attributes {stable_mosaic.version = 14 : i64} {
  func.func @agg(%arg0: i32, %arg1: i32, %arg2: memref<10000x128xf32, #tpu.memory_space<hbm>>, %arg3: memref<32x10000xi32, #tpu.memory_space<hbm>>, %arg4: memref<32x125x80xi32, #tpu.memory_space<hbm>>, %arg5: memref<10000x128xf32, #tpu.memory_space<hbm>>, %arg6: memref<2x10000x128xf32, #tpu.memory_space<hbm>>, %arg7: memref<10000x128xf32, #tpu.memory_space<vmem_shared>>, %arg8: memref<10000xi32, #tpu.memory_space<vmem>>, %arg9: memref<125x80xi32, #tpu.memory_space<vmem>>, %arg10: memref<80x128xf32, #tpu.memory_space<vmem>>, %arg11: memref<80x128xf32, #tpu.memory_space<vmem>>, %arg12: memref<!tpu.dma_semaphore, #tpu.memory_space<semaphore_mem>>, %arg13: memref<!tpu.dma_semaphore, #tpu.memory_space<semaphore_mem>>, %arg14: memref<!tpu.dma_semaphore, #tpu.memory_space<semaphore_mem>>, %arg15: memref<!tpu.dma_semaphore, #tpu.memory_space<semaphore_mem>>) attributes {dimension_semantics = [#tpu.dimension_semantics<core_parallel>, #tpu.dimension_semantics<subcore_parallel>], iteration_bounds = array<i64: 2, 16>, scalar_prefetch = 0 : i64, scratch_operands = 9 : i64, tpu.core_type = #tpu.core_type<sc_vector_subcore>, window_params = [{transform_indices = #map}, {transform_indices = #map}, {transform_indices = #map1}, {transform_indices = #map}, {transform_indices = #map1}]} {
    %mul3A = arith.constant 16 : i32
    %mul3A_0 = arith.muli %arg0, %mul3A : i32
    %add3A = arith.addi %mul3A_0, %arg1 : i32
    %mul3A_1 = arith.constant 624 : i32
    %mul3A_2 = arith.muli %arg1, %mul3A_1 : i32
    %mul3A_3 = arith.constant 624 : i32
    %mul3A_4 = arith.muli %arg1, %mul3A_3 : i32
    "tpu.region"() ({
      %run_scoped3A = tpu.sem_alloc : memref<!tpu.dma_semaphore, #tpu.memory_space<semaphore_mem>>
      %dma_start3A_56 = arith.constant 0 : i32
      %dma_start3A_57 = tpu.memref_slice %arg7[%mul3A_4, %dma_start3A_56] : memref<10000x128xf32, #tpu.memory_space<vmem_shared>> -> memref<624x128xf32, #tpu.memory_space<vmem_shared>>
      %dma_start3A_58 = arith.constant 0 : i32
      %dma_start3A_59 = tpu.memref_slice %arg5[%mul3A_2, %dma_start3A_58] : memref<10000x128xf32, #tpu.memory_space<hbm>> -> memref<624x128xf32, #tpu.memory_space<hbm>>
      tpu.enqueue_dma source(%dma_start3A_59 : memref<624x128xf32, #tpu.memory_space<hbm>>) target(%dma_start3A_57 : memref<624x128xf32, #tpu.memory_space<vmem_shared>>) target_semaphore(%run_scoped3A : memref<!tpu.dma_semaphore, #tpu.memory_space<semaphore_mem>>)
      %dma_wait3A_60 = arith.constant 0 : i32
      %dma_wait3A_61 = tpu.memref_slice %arg7[%mul3A_4, %dma_wait3A_60] : memref<10000x128xf32, #tpu.memory_space<vmem_shared>> -> memref<624x128xf32, #tpu.memory_space<vmem_shared>>
      %dma_wait3A_62 = arith.constant 0 : i32
      %dma_wait3A_63 = tpu.memref_slice %arg5[%mul3A_2, %dma_wait3A_62] : memref<10000x128xf32, #tpu.memory_space<hbm>> -> memref<624x128xf32, #tpu.memory_space<hbm>>
      tpu.wait_dma2 semaphore(%run_scoped3A : memref<!tpu.dma_semaphore, #tpu.memory_space<semaphore_mem>>) src(%dma_wait3A_63 : memref<624x128xf32, #tpu.memory_space<hbm>>) dst(%dma_wait3A_61 : memref<624x128xf32, #tpu.memory_space<vmem_shared>>)
      tpu.yield
    }) : () -> ()
    %eq3A = arith.constant 15 : i32
    %eq3A_5 = arith.cmpi eq, %arg1, %eq3A : i32
    %convert_element_type3A = arith.extui %eq3A_5 : i1 to i32
    %cond3A = arith.constant 0 : i32
    %cond3A_6 = arith.cmpi ne, %convert_element_type3A, %cond3A : i32
    scf.if %cond3A_6 {
      "tpu.region"() ({
        %run_scoped3A = tpu.sem_alloc : memref<!tpu.dma_semaphore, #tpu.memory_space<semaphore_mem>>
        %dma_start3A_56 = arith.constant 9984 : i32
        %dma_start3A_57 = arith.constant 0 : i32
        %dma_start3A_58 = tpu.memref_slice %arg7[%dma_start3A_56, %dma_start3A_57] : memref<10000x128xf32, #tpu.memory_space<vmem_shared>> -> memref<16x128xf32, #tpu.memory_space<vmem_shared>>
        %dma_start3A_59 = arith.constant 9984 : i32
        %dma_start3A_60 = arith.constant 0 : i32
        %dma_start3A_61 = tpu.memref_slice %arg5[%dma_start3A_59, %dma_start3A_60] : memref<10000x128xf32, #tpu.memory_space<hbm>> -> memref<16x128xf32, #tpu.memory_space<hbm>>
        tpu.enqueue_dma source(%dma_start3A_61 : memref<16x128xf32, #tpu.memory_space<hbm>>) target(%dma_start3A_58 : memref<16x128xf32, #tpu.memory_space<vmem_shared>>) target_semaphore(%run_scoped3A : memref<!tpu.dma_semaphore, #tpu.memory_space<semaphore_mem>>)
        %dma_wait3A_62 = arith.constant 9984 : i32
        %dma_wait3A_63 = arith.constant 0 : i32
        %dma_wait3A_64 = tpu.memref_slice %arg7[%dma_wait3A_62, %dma_wait3A_63] : memref<10000x128xf32, #tpu.memory_space<vmem_shared>> -> memref<16x128xf32, #tpu.memory_space<vmem_shared>>
        %dma_wait3A_65 = arith.constant 9984 : i32
        %dma_wait3A_66 = arith.constant 0 : i32
        %dma_wait3A_67 = tpu.memref_slice %arg5[%dma_wait3A_65, %dma_wait3A_66] : memref<10000x128xf32, #tpu.memory_space<hbm>> -> memref<16x128xf32, #tpu.memory_space<hbm>>
        tpu.wait_dma2 semaphore(%run_scoped3A : memref<!tpu.dma_semaphore, #tpu.memory_space<semaphore_mem>>) src(%dma_wait3A_67 : memref<16x128xf32, #tpu.memory_space<hbm>>) dst(%dma_wait3A_64 : memref<16x128xf32, #tpu.memory_space<vmem_shared>>)
        tpu.yield
      }) : () -> ()
    } else {
    }
    %barrier3A = arith.constant 0 : index
    tpu.barrier barrier_id(%barrier3A)
    "tpu.region"() ({
      %run_scoped3A = tpu.sem_alloc : memref<!tpu.dma_semaphore, #tpu.memory_space<semaphore_mem>>
      %dma_start3A_56 = arith.constant 0 : i32
      %dma_start3A_57 = tpu.memref_slice %arg3[%add3A, %dma_start3A_56] : memref<32x10000xi32, #tpu.memory_space<hbm>> -> memref<1x10000xi32, #tpu.memory_space<hbm>>
      %dma_start3A_58 = tpu.memref_squeeze %dma_start3A_57 : memref<1x10000xi32, #tpu.memory_space<hbm>> -> memref<10000xi32, #tpu.memory_space<hbm>>
      %dma_start3A_59 = arith.constant 0 : i32
      %dma_start3A_60 = tpu.memref_slice %arg3[%add3A, %dma_start3A_59] : memref<32x10000xi32, #tpu.memory_space<hbm>> -> memref<1x10000xi32, #tpu.memory_space<hbm>>
      %dma_start3A_61 = tpu.memref_squeeze %dma_start3A_60 : memref<1x10000xi32, #tpu.memory_space<hbm>> -> memref<10000xi32, #tpu.memory_space<hbm>>
      tpu.enqueue_dma source(%dma_start3A_61 : memref<10000xi32, #tpu.memory_space<hbm>>) target(%arg8 : memref<10000xi32, #tpu.memory_space<vmem>>) target_semaphore(%run_scoped3A : memref<!tpu.dma_semaphore, #tpu.memory_space<semaphore_mem>>)
      %dma_wait3A_62 = arith.constant 0 : i32
      %dma_wait3A_63 = tpu.memref_slice %arg3[%add3A, %dma_wait3A_62] : memref<32x10000xi32, #tpu.memory_space<hbm>> -> memref<1x10000xi32, #tpu.memory_space<hbm>>
      %dma_wait3A_64 = tpu.memref_squeeze %dma_wait3A_63 : memref<1x10000xi32, #tpu.memory_space<hbm>> -> memref<10000xi32, #tpu.memory_space<hbm>>
      %dma_wait3A_65 = arith.constant 0 : i32
      %dma_wait3A_66 = tpu.memref_slice %arg3[%add3A, %dma_wait3A_65] : memref<32x10000xi32, #tpu.memory_space<hbm>> -> memref<1x10000xi32, #tpu.memory_space<hbm>>
      %dma_wait3A_67 = tpu.memref_squeeze %dma_wait3A_66 : memref<1x10000xi32, #tpu.memory_space<hbm>> -> memref<10000xi32, #tpu.memory_space<hbm>>
      tpu.wait_dma2 semaphore(%run_scoped3A : memref<!tpu.dma_semaphore, #tpu.memory_space<semaphore_mem>>) src(%dma_wait3A_67 : memref<10000xi32, #tpu.memory_space<hbm>>) dst(%arg8 : memref<10000xi32, #tpu.memory_space<vmem>>)
      tpu.yield
    }) : () -> ()
    "tpu.region"() ({
      %run_scoped3A = tpu.sem_alloc : memref<!tpu.dma_semaphore, #tpu.memory_space<semaphore_mem>>
      %dma_start3A_56 = arith.constant 0 : i32
      %dma_start3A_57 = arith.constant 0 : i32
      %dma_start3A_58 = tpu.memref_slice %arg4[%add3A, %dma_start3A_56, %dma_start3A_57] : memref<32x125x80xi32, #tpu.memory_space<hbm>> -> memref<1x125x80xi32, #tpu.memory_space<hbm>>
      %dma_start3A_59 = tpu.memref_squeeze %dma_start3A_58 : memref<1x125x80xi32, #tpu.memory_space<hbm>> -> memref<125x80xi32, #tpu.memory_space<hbm>>
      %dma_start3A_60 = arith.constant 0 : i32
      %dma_start3A_61 = arith.constant 0 : i32
      %dma_start3A_62 = tpu.memref_slice %arg4[%add3A, %dma_start3A_60, %dma_start3A_61] : memref<32x125x80xi32, #tpu.memory_space<hbm>> -> memref<1x125x80xi32, #tpu.memory_space<hbm>>
      %dma_start3A_63 = tpu.memref_squeeze %dma_start3A_62 : memref<1x125x80xi32, #tpu.memory_space<hbm>> -> memref<125x80xi32, #tpu.memory_space<hbm>>
      tpu.enqueue_dma source(%dma_start3A_63 : memref<125x80xi32, #tpu.memory_space<hbm>>) target(%arg9 : memref<125x80xi32, #tpu.memory_space<vmem>>) target_semaphore(%run_scoped3A : memref<!tpu.dma_semaphore, #tpu.memory_space<semaphore_mem>>)
      %dma_wait3A_64 = arith.constant 0 : i32
      %dma_wait3A_65 = arith.constant 0 : i32
      %dma_wait3A_66 = tpu.memref_slice %arg4[%add3A, %dma_wait3A_64, %dma_wait3A_65] : memref<32x125x80xi32, #tpu.memory_space<hbm>> -> memref<1x125x80xi32, #tpu.memory_space<hbm>>
      %dma_wait3A_67 = tpu.memref_squeeze %dma_wait3A_66 : memref<1x125x80xi32, #tpu.memory_space<hbm>> -> memref<125x80xi32, #tpu.memory_space<hbm>>
      %dma_wait3A_68 = arith.constant 0 : i32
      %dma_wait3A_69 = arith.constant 0 : i32
      %dma_wait3A_70 = tpu.memref_slice %arg4[%add3A, %dma_wait3A_68, %dma_wait3A_69] : memref<32x125x80xi32, #tpu.memory_space<hbm>> -> memref<1x125x80xi32, #tpu.memory_space<hbm>>
      %dma_wait3A_71 = tpu.memref_squeeze %dma_wait3A_70 : memref<1x125x80xi32, #tpu.memory_space<hbm>> -> memref<125x80xi32, #tpu.memory_space<hbm>>
      tpu.wait_dma2 semaphore(%run_scoped3A : memref<!tpu.dma_semaphore, #tpu.memory_space<semaphore_mem>>) src(%dma_wait3A_71 : memref<125x80xi32, #tpu.memory_space<hbm>>) dst(%arg9 : memref<125x80xi32, #tpu.memory_space<vmem>>)
      tpu.yield
    }) : () -> ()
    %dma_start3A = arith.constant 0 : i32
    %dma_start3A_7 = tpu.memref_slice %arg8[%dma_start3A] : memref<10000xi32, #tpu.memory_space<vmem>> -> memref<80xi32, #tpu.memory_space<vmem>>
    %dma_start3A_8 = arith.constant 0 : i32
    %dma_start3A_9 = arith.constant 0 : i32
    %dma_start3A_10 = tpu.memref_slice %arg2[%dma_start3A_8, %dma_start3A_9] : memref<10000x128xf32, #tpu.memory_space<hbm>> -> memref<10000x128xf32, #tpu.memory_space<hbm>>
    tpu.enqueue_indirect_dma source(%dma_start3A_10 : memref<10000x128xf32, #tpu.memory_space<hbm>>) target(%arg10 : memref<80x128xf32, #tpu.memory_space<vmem>>) offsets(%dma_start3A_7 : memref<80xi32, #tpu.memory_space<vmem>>) semaphore(%arg12 : memref<!tpu.dma_semaphore, #tpu.memory_space<semaphore_mem>>)
    %scan3A = arith.constant 0 : i32
    %scan3A_11 = arith.constant 0 : i32
    %scan3A_12 = arith.constant 62 : i32
    %scan3A_13 = arith.addi %scan3A_11, %scan3A_12 : i32
    %scan3A_14 = arith.constant 1 : i32
    scf.for %scan3A_56 = %scan3A_11 to %scan3A_13 step %scan3A_14  : i32 {
      %mul3A_57 = arith.constant 2 : i32
      %mul3A_58 = arith.muli %mul3A_57, %scan3A_56 : i32
      %gt3A = arith.constant 0 : i32
      %gt3A_59 = arith.cmpi sgt, %scan3A_56, %gt3A : i32
      %convert_element_type3A_60 = arith.extui %gt3A_59 : i1 to i32
      %cond3A_61 = arith.constant 0 : i32
      %cond3A_62 = arith.cmpi ne, %convert_element_type3A_60, %cond3A_61 : i32
      scf.if %cond3A_62 {
        %sub3A = arith.constant 1 : i32
        %sub3A_109 = arith.subi %mul3A_58, %sub3A : i32
        %dma_wait3A_110 = arith.constant 0 : i32
        %dma_wait3A_111 = tpu.memref_slice %arg9[%sub3A_109, %dma_wait3A_110] : memref<125x80xi32, #tpu.memory_space<vmem>> -> memref<1x80xi32, #tpu.memory_space<vmem>>
        %dma_wait3A_112 = tpu.memref_squeeze %dma_wait3A_111 : memref<1x80xi32, #tpu.memory_space<vmem>> -> memref<80xi32, #tpu.memory_space<vmem>>
        %dma_wait3A_113 = arith.constant 0 : i32
        %dma_wait3A_114 = arith.constant 0 : i32
        %dma_wait3A_115 = tpu.memref_slice %arg7[%dma_wait3A_113, %dma_wait3A_114] : memref<10000x128xf32, #tpu.memory_space<vmem_shared>> -> memref<10000x128xf32, #tpu.memory_space<vmem_shared>>
        tpu.wait_indirect_dma semaphore(%arg15 : memref<!tpu.dma_semaphore, #tpu.memory_space<semaphore_mem>>) src(%arg11 : memref<80x128xf32, #tpu.memory_space<vmem>>) dst(%dma_wait3A_115 : memref<10000x128xf32, #tpu.memory_space<vmem_shared>>)
      } else {
      }
      %add3A_63 = arith.constant 1 : i32
      %add3A_64 = arith.addi %mul3A_58, %add3A_63 : i32
      %mul3A_65 = arith.constant 80 : i32
      %mul3A_66 = arith.muli %add3A_64, %mul3A_65 : i32
      %dma_start3A_67 = tpu.memref_slice %arg8[%mul3A_66] : memref<10000xi32, #tpu.memory_space<vmem>> -> memref<80xi32, #tpu.memory_space<vmem>>
      %dma_start3A_68 = arith.constant 0 : i32
      %dma_start3A_69 = arith.constant 0 : i32
      %dma_start3A_70 = tpu.memref_slice %arg2[%dma_start3A_68, %dma_start3A_69] : memref<10000x128xf32, #tpu.memory_space<hbm>> -> memref<10000x128xf32, #tpu.memory_space<hbm>>
      tpu.enqueue_indirect_dma source(%dma_start3A_70 : memref<10000x128xf32, #tpu.memory_space<hbm>>) target(%arg11 : memref<80x128xf32, #tpu.memory_space<vmem>>) offsets(%dma_start3A_67 : memref<80xi32, #tpu.memory_space<vmem>>) semaphore(%arg13 : memref<!tpu.dma_semaphore, #tpu.memory_space<semaphore_mem>>)
      %mul3A_71 = arith.constant 80 : i32
      %mul3A_72 = arith.muli %mul3A_58, %mul3A_71 : i32
      %dma_wait3A_73 = tpu.memref_slice %arg8[%mul3A_72] : memref<10000xi32, #tpu.memory_space<vmem>> -> memref<80xi32, #tpu.memory_space<vmem>>
      %dma_wait3A_74 = arith.constant 0 : i32
      %dma_wait3A_75 = arith.constant 0 : i32
      %dma_wait3A_76 = tpu.memref_slice %arg2[%dma_wait3A_74, %dma_wait3A_75] : memref<10000x128xf32, #tpu.memory_space<hbm>> -> memref<10000x128xf32, #tpu.memory_space<hbm>>
      tpu.wait_indirect_dma semaphore(%arg12 : memref<!tpu.dma_semaphore, #tpu.memory_space<semaphore_mem>>) src(%dma_wait3A_76 : memref<10000x128xf32, #tpu.memory_space<hbm>>) dst(%arg10 : memref<80x128xf32, #tpu.memory_space<vmem>>)
      %dma_start3A_77 = arith.constant 0 : i32
      %dma_start3A_78 = tpu.memref_slice %arg9[%mul3A_58, %dma_start3A_77] : memref<125x80xi32, #tpu.memory_space<vmem>> -> memref<1x80xi32, #tpu.memory_space<vmem>>
      %dma_start3A_79 = tpu.memref_squeeze %dma_start3A_78 : memref<1x80xi32, #tpu.memory_space<vmem>> -> memref<80xi32, #tpu.memory_space<vmem>>
      %dma_start3A_80 = arith.constant 0 : i32
      %dma_start3A_81 = arith.constant 0 : i32
      %dma_start3A_82 = tpu.memref_slice %arg7[%dma_start3A_80, %dma_start3A_81] : memref<10000x128xf32, #tpu.memory_space<vmem_shared>> -> memref<10000x128xf32, #tpu.memory_space<vmem_shared>>
      tpu.enqueue_indirect_dma source(%arg10 : memref<80x128xf32, #tpu.memory_space<vmem>>) target(%dma_start3A_82 : memref<10000x128xf32, #tpu.memory_space<vmem_shared>>) offsets(%dma_start3A_79 : memref<80xi32, #tpu.memory_space<vmem>>) semaphore(%arg14 : memref<!tpu.dma_semaphore, #tpu.memory_space<semaphore_mem>>) {add = true}
      %add3A_83 = arith.constant 1 : i32
      %add3A_84 = arith.addi %mul3A_58, %add3A_83 : i32
      %mul3A_85 = arith.constant 80 : i32
      %mul3A_86 = arith.muli %add3A_84, %mul3A_85 : i32
      %dma_wait3A_87 = tpu.memref_slice %arg8[%mul3A_86] : memref<10000xi32, #tpu.memory_space<vmem>> -> memref<80xi32, #tpu.memory_space<vmem>>
      %dma_wait3A_88 = arith.constant 0 : i32
      %dma_wait3A_89 = arith.constant 0 : i32
      %dma_wait3A_90 = tpu.memref_slice %arg2[%dma_wait3A_88, %dma_wait3A_89] : memref<10000x128xf32, #tpu.memory_space<hbm>> -> memref<10000x128xf32, #tpu.memory_space<hbm>>
      tpu.wait_indirect_dma semaphore(%arg13 : memref<!tpu.dma_semaphore, #tpu.memory_space<semaphore_mem>>) src(%dma_wait3A_90 : memref<10000x128xf32, #tpu.memory_space<hbm>>) dst(%arg11 : memref<80x128xf32, #tpu.memory_space<vmem>>)
      %add3A_91 = arith.constant 1 : i32
      %add3A_92 = arith.addi %mul3A_58, %add3A_91 : i32
      %dma_start3A_93 = arith.constant 0 : i32
      %dma_start3A_94 = tpu.memref_slice %arg9[%add3A_92, %dma_start3A_93] : memref<125x80xi32, #tpu.memory_space<vmem>> -> memref<1x80xi32, #tpu.memory_space<vmem>>
      %dma_start3A_95 = tpu.memref_squeeze %dma_start3A_94 : memref<1x80xi32, #tpu.memory_space<vmem>> -> memref<80xi32, #tpu.memory_space<vmem>>
      %dma_start3A_96 = arith.constant 0 : i32
      %dma_start3A_97 = arith.constant 0 : i32
      %dma_start3A_98 = tpu.memref_slice %arg7[%dma_start3A_96, %dma_start3A_97] : memref<10000x128xf32, #tpu.memory_space<vmem_shared>> -> memref<10000x128xf32, #tpu.memory_space<vmem_shared>>
      tpu.enqueue_indirect_dma source(%arg11 : memref<80x128xf32, #tpu.memory_space<vmem>>) target(%dma_start3A_98 : memref<10000x128xf32, #tpu.memory_space<vmem_shared>>) offsets(%dma_start3A_95 : memref<80xi32, #tpu.memory_space<vmem>>) semaphore(%arg15 : memref<!tpu.dma_semaphore, #tpu.memory_space<semaphore_mem>>) {add = true}
      %dma_wait3A_99 = arith.constant 0 : i32
      %dma_wait3A_100 = tpu.memref_slice %arg9[%mul3A_58, %dma_wait3A_99] : memref<125x80xi32, #tpu.memory_space<vmem>> -> memref<1x80xi32, #tpu.memory_space<vmem>>
      %dma_wait3A_101 = tpu.memref_squeeze %dma_wait3A_100 : memref<1x80xi32, #tpu.memory_space<vmem>> -> memref<80xi32, #tpu.memory_space<vmem>>
      %dma_wait3A_102 = arith.constant 0 : i32
      %dma_wait3A_103 = arith.constant 0 : i32
      %dma_wait3A_104 = tpu.memref_slice %arg7[%dma_wait3A_102, %dma_wait3A_103] : memref<10000x128xf32, #tpu.memory_space<vmem_shared>> -> memref<10000x128xf32, #tpu.memory_space<vmem_shared>>
      tpu.wait_indirect_dma semaphore(%arg14 : memref<!tpu.dma_semaphore, #tpu.memory_space<semaphore_mem>>) src(%arg10 : memref<80x128xf32, #tpu.memory_space<vmem>>) dst(%dma_wait3A_104 : memref<10000x128xf32, #tpu.memory_space<vmem_shared>>)
      %lt3A = arith.constant 61 : i32
      %lt3A_105 = arith.cmpi slt, %scan3A_56, %lt3A : i32
      %convert_element_type3A_106 = arith.extui %lt3A_105 : i1 to i32
      %cond3A_107 = arith.constant 0 : i32
      %cond3A_108 = arith.cmpi ne, %convert_element_type3A_106, %cond3A_107 : i32
      scf.if %cond3A_108 {
        %add3A_109 = arith.constant 2 : i32
        %add3A_110 = arith.addi %mul3A_58, %add3A_109 : i32
        %mul3A_111 = arith.constant 80 : i32
        %mul3A_112 = arith.muli %add3A_110, %mul3A_111 : i32
        %dma_start3A_113 = tpu.memref_slice %arg8[%mul3A_112] : memref<10000xi32, #tpu.memory_space<vmem>> -> memref<80xi32, #tpu.memory_space<vmem>>
        %dma_start3A_114 = arith.constant 0 : i32
        %dma_start3A_115 = arith.constant 0 : i32
        %dma_start3A_116 = tpu.memref_slice %arg2[%dma_start3A_114, %dma_start3A_115] : memref<10000x128xf32, #tpu.memory_space<hbm>> -> memref<10000x128xf32, #tpu.memory_space<hbm>>
        tpu.enqueue_indirect_dma source(%dma_start3A_116 : memref<10000x128xf32, #tpu.memory_space<hbm>>) target(%arg10 : memref<80x128xf32, #tpu.memory_space<vmem>>) offsets(%dma_start3A_113 : memref<80xi32, #tpu.memory_space<vmem>>) semaphore(%arg12 : memref<!tpu.dma_semaphore, #tpu.memory_space<semaphore_mem>>)
      } else {
      }
    }
    %scan3A_15 = arith.constant 62 : i32
    %dma_start3A_16 = arith.constant 9920 : i32
    %dma_start3A_17 = tpu.memref_slice %arg8[%dma_start3A_16] : memref<10000xi32, #tpu.memory_space<vmem>> -> memref<80xi32, #tpu.memory_space<vmem>>
    %dma_start3A_18 = arith.constant 0 : i32
    %dma_start3A_19 = arith.constant 0 : i32
    %dma_start3A_20 = tpu.memref_slice %arg2[%dma_start3A_18, %dma_start3A_19] : memref<10000x128xf32, #tpu.memory_space<hbm>> -> memref<10000x128xf32, #tpu.memory_space<hbm>>
    tpu.enqueue_indirect_dma source(%dma_start3A_20 : memref<10000x128xf32, #tpu.memory_space<hbm>>) target(%arg10 : memref<80x128xf32, #tpu.memory_space<vmem>>) offsets(%dma_start3A_17 : memref<80xi32, #tpu.memory_space<vmem>>) semaphore(%arg12 : memref<!tpu.dma_semaphore, #tpu.memory_space<semaphore_mem>>)
    %dma_wait3A = arith.constant 123 : i32
    %dma_wait3A_21 = arith.constant 0 : i32
    %dma_wait3A_22 = tpu.memref_slice %arg9[%dma_wait3A, %dma_wait3A_21] : memref<125x80xi32, #tpu.memory_space<vmem>> -> memref<1x80xi32, #tpu.memory_space<vmem>>
    %dma_wait3A_23 = tpu.memref_squeeze %dma_wait3A_22 : memref<1x80xi32, #tpu.memory_space<vmem>> -> memref<80xi32, #tpu.memory_space<vmem>>
    %dma_wait3A_24 = arith.constant 0 : i32
    %dma_wait3A_25 = arith.constant 0 : i32
    %dma_wait3A_26 = tpu.memref_slice %arg7[%dma_wait3A_24, %dma_wait3A_25] : memref<10000x128xf32, #tpu.memory_space<vmem_shared>> -> memref<10000x128xf32, #tpu.memory_space<vmem_shared>>
    tpu.wait_indirect_dma semaphore(%arg15 : memref<!tpu.dma_semaphore, #tpu.memory_space<semaphore_mem>>) src(%arg11 : memref<80x128xf32, #tpu.memory_space<vmem>>) dst(%dma_wait3A_26 : memref<10000x128xf32, #tpu.memory_space<vmem_shared>>)
    %dma_wait3A_27 = arith.constant 9920 : i32
    %dma_wait3A_28 = tpu.memref_slice %arg8[%dma_wait3A_27] : memref<10000xi32, #tpu.memory_space<vmem>> -> memref<80xi32, #tpu.memory_space<vmem>>
    %dma_wait3A_29 = arith.constant 0 : i32
    %dma_wait3A_30 = arith.constant 0 : i32
    %dma_wait3A_31 = tpu.memref_slice %arg2[%dma_wait3A_29, %dma_wait3A_30] : memref<10000x128xf32, #tpu.memory_space<hbm>> -> memref<10000x128xf32, #tpu.memory_space<hbm>>
    tpu.wait_indirect_dma semaphore(%arg12 : memref<!tpu.dma_semaphore, #tpu.memory_space<semaphore_mem>>) src(%dma_wait3A_31 : memref<10000x128xf32, #tpu.memory_space<hbm>>) dst(%arg10 : memref<80x128xf32, #tpu.memory_space<vmem>>)
    %dma_start3A_32 = arith.constant 124 : i32
    %dma_start3A_33 = arith.constant 0 : i32
    %dma_start3A_34 = tpu.memref_slice %arg9[%dma_start3A_32, %dma_start3A_33] : memref<125x80xi32, #tpu.memory_space<vmem>> -> memref<1x80xi32, #tpu.memory_space<vmem>>
    %dma_start3A_35 = tpu.memref_squeeze %dma_start3A_34 : memref<1x80xi32, #tpu.memory_space<vmem>> -> memref<80xi32, #tpu.memory_space<vmem>>
    %dma_start3A_36 = arith.constant 0 : i32
    %dma_start3A_37 = arith.constant 0 : i32
    %dma_start3A_38 = tpu.memref_slice %arg7[%dma_start3A_36, %dma_start3A_37] : memref<10000x128xf32, #tpu.memory_space<vmem_shared>> -> memref<10000x128xf32, #tpu.memory_space<vmem_shared>>
    tpu.enqueue_indirect_dma source(%arg10 : memref<80x128xf32, #tpu.memory_space<vmem>>) target(%dma_start3A_38 : memref<10000x128xf32, #tpu.memory_space<vmem_shared>>) offsets(%dma_start3A_35 : memref<80xi32, #tpu.memory_space<vmem>>) semaphore(%arg14 : memref<!tpu.dma_semaphore, #tpu.memory_space<semaphore_mem>>) {add = true}
    %dma_wait3A_39 = arith.constant 124 : i32
    %dma_wait3A_40 = arith.constant 0 : i32
    %dma_wait3A_41 = tpu.memref_slice %arg9[%dma_wait3A_39, %dma_wait3A_40] : memref<125x80xi32, #tpu.memory_space<vmem>> -> memref<1x80xi32, #tpu.memory_space<vmem>>
    %dma_wait3A_42 = tpu.memref_squeeze %dma_wait3A_41 : memref<1x80xi32, #tpu.memory_space<vmem>> -> memref<80xi32, #tpu.memory_space<vmem>>
    %dma_wait3A_43 = arith.constant 0 : i32
    %dma_wait3A_44 = arith.constant 0 : i32
    %dma_wait3A_45 = tpu.memref_slice %arg7[%dma_wait3A_43, %dma_wait3A_44] : memref<10000x128xf32, #tpu.memory_space<vmem_shared>> -> memref<10000x128xf32, #tpu.memory_space<vmem_shared>>
    tpu.wait_indirect_dma semaphore(%arg14 : memref<!tpu.dma_semaphore, #tpu.memory_space<semaphore_mem>>) src(%arg10 : memref<80x128xf32, #tpu.memory_space<vmem>>) dst(%dma_wait3A_45 : memref<10000x128xf32, #tpu.memory_space<vmem_shared>>)
    %barrier3A_46 = arith.constant 0 : index
    tpu.barrier barrier_id(%barrier3A_46)
    %mul3A_47 = arith.constant 624 : i32
    %mul3A_48 = arith.muli %arg1, %mul3A_47 : i32
    %mul3A_49 = arith.constant 624 : i32
    %mul3A_50 = arith.muli %arg1, %mul3A_49 : i32
    "tpu.region"() ({
      %run_scoped3A = tpu.sem_alloc : memref<!tpu.dma_semaphore, #tpu.memory_space<semaphore_mem>>
      %dma_start3A_56 = arith.constant 0 : i32
      %dma_start3A_57 = arith.constant 0 : i32
      %dma_start3A_58 = tpu.memref_slice %arg6[%arg0, %dma_start3A_56, %dma_start3A_57] : memref<2x10000x128xf32, #tpu.memory_space<hbm>> -> memref<1x10000x128xf32, #tpu.memory_space<hbm>>
      %dma_start3A_59 = tpu.memref_squeeze %dma_start3A_58 : memref<1x10000x128xf32, #tpu.memory_space<hbm>> -> memref<10000x128xf32, #tpu.memory_space<hbm>>
      %dma_start3A_60 = arith.constant 0 : i32
      %dma_start3A_61 = tpu.memref_slice %dma_start3A_59[%mul3A_50, %dma_start3A_60] : memref<10000x128xf32, #tpu.memory_space<hbm>> -> memref<624x128xf32, #tpu.memory_space<hbm>>
      %dma_start3A_62 = arith.constant 0 : i32
      %dma_start3A_63 = tpu.memref_slice %arg7[%mul3A_48, %dma_start3A_62] : memref<10000x128xf32, #tpu.memory_space<vmem_shared>> -> memref<624x128xf32, #tpu.memory_space<vmem_shared>>
      tpu.enqueue_dma source(%dma_start3A_63 : memref<624x128xf32, #tpu.memory_space<vmem_shared>>) target(%dma_start3A_61 : memref<624x128xf32, #tpu.memory_space<hbm>>) target_semaphore(%run_scoped3A : memref<!tpu.dma_semaphore, #tpu.memory_space<semaphore_mem>>)
      %dma_wait3A_64 = arith.constant 0 : i32
      %dma_wait3A_65 = arith.constant 0 : i32
      %dma_wait3A_66 = tpu.memref_slice %arg6[%arg0, %dma_wait3A_64, %dma_wait3A_65] : memref<2x10000x128xf32, #tpu.memory_space<hbm>> -> memref<1x10000x128xf32, #tpu.memory_space<hbm>>
      %dma_wait3A_67 = tpu.memref_squeeze %dma_wait3A_66 : memref<1x10000x128xf32, #tpu.memory_space<hbm>> -> memref<10000x128xf32, #tpu.memory_space<hbm>>
      %dma_wait3A_68 = arith.constant 0 : i32
      %dma_wait3A_69 = tpu.memref_slice %dma_wait3A_67[%mul3A_50, %dma_wait3A_68] : memref<10000x128xf32, #tpu.memory_space<hbm>> -> memref<624x128xf32, #tpu.memory_space<hbm>>
      %dma_wait3A_70 = arith.constant 0 : i32
      %dma_wait3A_71 = tpu.memref_slice %arg7[%mul3A_48, %dma_wait3A_70] : memref<10000x128xf32, #tpu.memory_space<vmem_shared>> -> memref<624x128xf32, #tpu.memory_space<vmem_shared>>
      tpu.wait_dma2 semaphore(%run_scoped3A : memref<!tpu.dma_semaphore, #tpu.memory_space<semaphore_mem>>) src(%dma_wait3A_71 : memref<624x128xf32, #tpu.memory_space<vmem_shared>>) dst(%dma_wait3A_69 : memref<624x128xf32, #tpu.memory_space<hbm>>)
      tpu.yield
    }) : () -> ()
    %eq3A_51 = arith.constant 15 : i32
    %eq3A_52 = arith.cmpi eq, %arg1, %eq3A_51 : i32
    %convert_element_type3A_53 = arith.extui %eq3A_52 : i1 to i32
    %cond3A_54 = arith.constant 0 : i32
    %cond3A_55 = arith.cmpi ne, %convert_element_type3A_53, %cond3A_54 : i32
    scf.if %cond3A_55 {
      "tpu.region"() ({
        %run_scoped3A = tpu.sem_alloc : memref<!tpu.dma_semaphore, #tpu.memory_space<semaphore_mem>>
        %dma_start3A_56 = arith.constant 0 : i32
        %dma_start3A_57 = arith.constant 0 : i32
        %dma_start3A_58 = tpu.memref_slice %arg6[%arg0, %dma_start3A_56, %dma_start3A_57] : memref<2x10000x128xf32, #tpu.memory_space<hbm>> -> memref<1x10000x128xf32, #tpu.memory_space<hbm>>
        %dma_start3A_59 = tpu.memref_squeeze %dma_start3A_58 : memref<1x10000x128xf32, #tpu.memory_space<hbm>> -> memref<10000x128xf32, #tpu.memory_space<hbm>>
        %dma_start3A_60 = arith.constant 9984 : i32
        %dma_start3A_61 = arith.constant 0 : i32
        %dma_start3A_62 = tpu.memref_slice %dma_start3A_59[%dma_start3A_60, %dma_start3A_61] : memref<10000x128xf32, #tpu.memory_space<hbm>> -> memref<16x128xf32, #tpu.memory_space<hbm>>
        %dma_start3A_63 = arith.constant 9984 : i32
        %dma_start3A_64 = arith.constant 0 : i32
        %dma_start3A_65 = tpu.memref_slice %arg7[%dma_start3A_63, %dma_start3A_64] : memref<10000x128xf32, #tpu.memory_space<vmem_shared>> -> memref<16x128xf32, #tpu.memory_space<vmem_shared>>
        tpu.enqueue_dma source(%dma_start3A_65 : memref<16x128xf32, #tpu.memory_space<vmem_shared>>) target(%dma_start3A_62 : memref<16x128xf32, #tpu.memory_space<hbm>>) target_semaphore(%run_scoped3A : memref<!tpu.dma_semaphore, #tpu.memory_space<semaphore_mem>>)
        %dma_wait3A_66 = arith.constant 0 : i32
        %dma_wait3A_67 = arith.constant 0 : i32
        %dma_wait3A_68 = tpu.memref_slice %arg6[%arg0, %dma_wait3A_66, %dma_wait3A_67] : memref<2x10000x128xf32, #tpu.memory_space<hbm>> -> memref<1x10000x128xf32, #tpu.memory_space<hbm>>
        %dma_wait3A_69 = tpu.memref_squeeze %dma_wait3A_68 : memref<1x10000x128xf32, #tpu.memory_space<hbm>> -> memref<10000x128xf32, #tpu.memory_space<hbm>>
        %dma_wait3A_70 = arith.constant 9984 : i32
        %dma_wait3A_71 = arith.constant 0 : i32
        %dma_wait3A_72 = tpu.memref_slice %dma_wait3A_69[%dma_wait3A_70, %dma_wait3A_71] : memref<10000x128xf32, #tpu.memory_space<hbm>> -> memref<16x128xf32, #tpu.memory_space<hbm>>
        %dma_wait3A_73 = arith.constant 9984 : i32
        %dma_wait3A_74 = arith.constant 0 : i32
        %dma_wait3A_75 = tpu.memref_slice %arg7[%dma_wait3A_73, %dma_wait3A_74] : memref<10000x128xf32, #tpu.memory_space<vmem_shared>> -> memref<16x128xf32, #tpu.memory_space<vmem_shared>>
        tpu.wait_dma2 semaphore(%run_scoped3A : memref<!tpu.dma_semaphore, #tpu.memory_space<semaphore_mem>>) src(%dma_wait3A_75 : memref<16x128xf32, #tpu.memory_space<vmem_shared>>) dst(%dma_wait3A_72 : memref<16x128xf32, #tpu.memory_space<hbm>>)
        tpu.yield
      }) : () -> ()
    } else {
    }
    return
  }
}

#map = affine_map<(d0, d1) -> (0, 0)>
#map1 = affine_map<(d0, d1) -> (0, 0, 0)>
module attributes {stable_mosaic.version = 14 : i64} {
  func.func @agg(%arg0: i32, %arg1: i32, %arg2: memref<10000x128xf32, #tpu.memory_space<hbm>>, %arg3: memref<32x10000xi32, #tpu.memory_space<hbm>>, %arg4: memref<32x125x80xi32, #tpu.memory_space<hbm>>, %arg5: memref<10000x128xf32, #tpu.memory_space<hbm>>, %arg6: memref<2x10000x128xf32, #tpu.memory_space<hbm>>, %arg7: memref<10000x128xf32, #tpu.memory_space<vmem_shared>>, %arg8: memref<10000xi32, #tpu.memory_space<vmem>>, %arg9: memref<125x80xi32, #tpu.memory_space<vmem>>, %arg10: memref<80x128xf32, #tpu.memory_space<vmem>>, %arg11: memref<80x128xf32, #tpu.memory_space<vmem>>, %arg12: memref<!tpu.dma_semaphore, #tpu.memory_space<semaphore_mem>>, %arg13: memref<!tpu.dma_semaphore, #tpu.memory_space<semaphore_mem>>, %arg14: memref<!tpu.dma_semaphore, #tpu.memory_space<semaphore_mem>>, %arg15: memref<!tpu.dma_semaphore, #tpu.memory_space<semaphore_mem>>) attributes {dimension_semantics = [#tpu.dimension_semantics<core_parallel>, #tpu.dimension_semantics<subcore_parallel>], iteration_bounds = array<i64: 2, 16>, scalar_prefetch = 0 : i64, scratch_operands = 9 : i64, tpu.core_type = #tpu.core_type<sc_vector_subcore>, window_params = [{transform_indices = #map}, {transform_indices = #map}, {transform_indices = #map1}, {transform_indices = #map}, {transform_indices = #map1}]} {
    %mul3A = arith.constant 16 : i32
    %mul3A_0 = arith.muli %arg0, %mul3A : i32
    %add3A = arith.addi %mul3A_0, %arg1 : i32
    %mul3A_1 = arith.constant 624 : i32
    %mul3A_2 = arith.muli %arg1, %mul3A_1 : i32
    %mul3A_3 = arith.constant 624 : i32
    %mul3A_4 = arith.muli %arg1, %mul3A_3 : i32
    "tpu.region"() ({
      %run_scoped3A = tpu.sem_alloc : memref<!tpu.dma_semaphore, #tpu.memory_space<semaphore_mem>>
      %dma_start3A_56 = arith.constant 0 : i32
      %dma_start3A_57 = tpu.memref_slice %arg7[%mul3A_4, %dma_start3A_56] : memref<10000x128xf32, #tpu.memory_space<vmem_shared>> -> memref<624x128xf32, #tpu.memory_space<vmem_shared>>
      %dma_start3A_58 = arith.constant 0 : i32
      %dma_start3A_59 = tpu.memref_slice %arg5[%mul3A_2, %dma_start3A_58] : memref<10000x128xf32, #tpu.memory_space<hbm>> -> memref<624x128xf32, #tpu.memory_space<hbm>>
      tpu.enqueue_dma source(%dma_start3A_59 : memref<624x128xf32, #tpu.memory_space<hbm>>) target(%dma_start3A_57 : memref<624x128xf32, #tpu.memory_space<vmem_shared>>) target_semaphore(%run_scoped3A : memref<!tpu.dma_semaphore, #tpu.memory_space<semaphore_mem>>)
      %dma_wait3A_60 = arith.constant 0 : i32
      %dma_wait3A_61 = tpu.memref_slice %arg7[%mul3A_4, %dma_wait3A_60] : memref<10000x128xf32, #tpu.memory_space<vmem_shared>> -> memref<624x128xf32, #tpu.memory_space<vmem_shared>>
      %dma_wait3A_62 = arith.constant 0 : i32
      %dma_wait3A_63 = tpu.memref_slice %arg5[%mul3A_2, %dma_wait3A_62] : memref<10000x128xf32, #tpu.memory_space<hbm>> -> memref<624x128xf32, #tpu.memory_space<hbm>>
      tpu.wait_dma2 semaphore(%run_scoped3A : memref<!tpu.dma_semaphore, #tpu.memory_space<semaphore_mem>>) src(%dma_wait3A_63 : memref<624x128xf32, #tpu.memory_space<hbm>>) dst(%dma_wait3A_61 : memref<624x128xf32, #tpu.memory_space<vmem_shared>>)
      tpu.yield
    }) : () -> ()
    %eq3A = arith.constant 15 : i32
    %eq3A_5 = arith.cmpi eq, %arg1, %eq3A : i32
    %convert_element_type3A = arith.extui %eq3A_5 : i1 to i32
    %cond3A = arith.constant 0 : i32
    %cond3A_6 = arith.cmpi ne, %convert_element_type3A, %cond3A : i32
    scf.if %cond3A_6 {
      "tpu.region"() ({
        %run_scoped3A = tpu.sem_alloc : memref<!tpu.dma_semaphore, #tpu.memory_space<semaphore_mem>>
        %dma_start3A_56 = arith.constant 9984 : i32
        %dma_start3A_57 = arith.constant 0 : i32
        %dma_start3A_58 = tpu.memref_slice %arg7[%dma_start3A_56, %dma_start3A_57] : memref<10000x128xf32, #tpu.memory_space<vmem_shared>> -> memref<16x128xf32, #tpu.memory_space<vmem_shared>>
        %dma_start3A_59 = arith.constant 9984 : i32
        %dma_start3A_60 = arith.constant 0 : i32
        %dma_start3A_61 = tpu.memref_slice %arg5[%dma_start3A_59, %dma_start3A_60] : memref<10000x128xf32, #tpu.memory_space<hbm>> -> memref<16x128xf32, #tpu.memory_space<hbm>>
        tpu.enqueue_dma source(%dma_start3A_61 : memref<16x128xf32, #tpu.memory_space<hbm>>) target(%dma_start3A_58 : memref<16x128xf32, #tpu.memory_space<vmem_shared>>) target_semaphore(%run_scoped3A : memref<!tpu.dma_semaphore, #tpu.memory_space<semaphore_mem>>)
        %dma_wait3A_62 = arith.constant 9984 : i32
        %dma_wait3A_63 = arith.constant 0 : i32
        %dma_wait3A_64 = tpu.memref_slice %arg7[%dma_wait3A_62, %dma_wait3A_63] : memref<10000x128xf32, #tpu.memory_space<vmem_shared>> -> memref<16x128xf32, #tpu.memory_space<vmem_shared>>
        %dma_wait3A_65 = arith.constant 9984 : i32
        %dma_wait3A_66 = arith.constant 0 : i32
        %dma_wait3A_67 = tpu.memref_slice %arg5[%dma_wait3A_65, %dma_wait3A_66] : memref<10000x128xf32, #tpu.memory_space<hbm>> -> memref<16x128xf32, #tpu.memory_space<hbm>>
        tpu.wait_dma2 semaphore(%run_scoped3A : memref<!tpu.dma_semaphore, #tpu.memory_space<semaphore_mem>>) src(%dma_wait3A_67 : memref<16x128xf32, #tpu.memory_space<hbm>>) dst(%dma_wait3A_64 : memref<16x128xf32, #tpu.memory_space<vmem_shared>>)
        tpu.yield
      }) : () -> ()
    } else {
    }
    %barrier3A = arith.constant 0 : index
    tpu.barrier barrier_id(%barrier3A)
    "tpu.region"() ({
      %run_scoped3A = tpu.sem_alloc : memref<!tpu.dma_semaphore, #tpu.memory_space<semaphore_mem>>
      %dma_start3A_56 = arith.constant 0 : i32
      %dma_start3A_57 = tpu.memref_slice %arg3[%add3A, %dma_start3A_56] : memref<32x10000xi32, #tpu.memory_space<hbm>> -> memref<1x10000xi32, #tpu.memory_space<hbm>>
      %dma_start3A_58 = tpu.memref_squeeze %dma_start3A_57 : memref<1x10000xi32, #tpu.memory_space<hbm>> -> memref<10000xi32, #tpu.memory_space<hbm>>
      %dma_start3A_59 = arith.constant 0 : i32
      %dma_start3A_60 = tpu.memref_slice %arg3[%add3A, %dma_start3A_59] : memref<32x10000xi32, #tpu.memory_space<hbm>> -> memref<1x10000xi32, #tpu.memory_space<hbm>>
      %dma_start3A_61 = tpu.memref_squeeze %dma_start3A_60 : memref<1x10000xi32, #tpu.memory_space<hbm>> -> memref<10000xi32, #tpu.memory_space<hbm>>
      tpu.enqueue_dma source(%dma_start3A_61 : memref<10000xi32, #tpu.memory_space<hbm>>) target(%arg8 : memref<10000xi32, #tpu.memory_space<vmem>>) target_semaphore(%run_scoped3A : memref<!tpu.dma_semaphore, #tpu.memory_space<semaphore_mem>>)
      %dma_wait3A_62 = arith.constant 0 : i32
      %dma_wait3A_63 = tpu.memref_slice %arg3[%add3A, %dma_wait3A_62] : memref<32x10000xi32, #tpu.memory_space<hbm>> -> memref<1x10000xi32, #tpu.memory_space<hbm>>
      %dma_wait3A_64 = tpu.memref_squeeze %dma_wait3A_63 : memref<1x10000xi32, #tpu.memory_space<hbm>> -> memref<10000xi32, #tpu.memory_space<hbm>>
      %dma_wait3A_65 = arith.constant 0 : i32
      %dma_wait3A_66 = tpu.memref_slice %arg3[%add3A, %dma_wait3A_65] : memref<32x10000xi32, #tpu.memory_space<hbm>> -> memref<1x10000xi32, #tpu.memory_space<hbm>>
      %dma_wait3A_67 = tpu.memref_squeeze %dma_wait3A_66 : memref<1x10000xi32, #tpu.memory_space<hbm>> -> memref<10000xi32, #tpu.memory_space<hbm>>
      tpu.wait_dma2 semaphore(%run_scoped3A : memref<!tpu.dma_semaphore, #tpu.memory_space<semaphore_mem>>) src(%dma_wait3A_67 : memref<10000xi32, #tpu.memory_space<hbm>>) dst(%arg8 : memref<10000xi32, #tpu.memory_space<vmem>>)
      tpu.yield
    }) : () -> ()
    "tpu.region"() ({
      %run_scoped3A = tpu.sem_alloc : memref<!tpu.dma_semaphore, #tpu.memory_space<semaphore_mem>>
      %dma_start3A_56 = arith.constant 0 : i32
      %dma_start3A_57 = arith.constant 0 : i32
      %dma_start3A_58 = tpu.memref_slice %arg4[%add3A, %dma_start3A_56, %dma_start3A_57] : memref<32x125x80xi32, #tpu.memory_space<hbm>> -> memref<1x125x80xi32, #tpu.memory_space<hbm>>
      %dma_start3A_59 = tpu.memref_squeeze %dma_start3A_58 : memref<1x125x80xi32, #tpu.memory_space<hbm>> -> memref<125x80xi32, #tpu.memory_space<hbm>>
      %dma_start3A_60 = arith.constant 0 : i32
      %dma_start3A_61 = arith.constant 0 : i32
      %dma_start3A_62 = tpu.memref_slice %arg4[%add3A, %dma_start3A_60, %dma_start3A_61] : memref<32x125x80xi32, #tpu.memory_space<hbm>> -> memref<1x125x80xi32, #tpu.memory_space<hbm>>
      %dma_start3A_63 = tpu.memref_squeeze %dma_start3A_62 : memref<1x125x80xi32, #tpu.memory_space<hbm>> -> memref<125x80xi32, #tpu.memory_space<hbm>>
      tpu.enqueue_dma source(%dma_start3A_63 : memref<125x80xi32, #tpu.memory_space<hbm>>) target(%arg9 : memref<125x80xi32, #tpu.memory_space<vmem>>) target_semaphore(%run_scoped3A : memref<!tpu.dma_semaphore, #tpu.memory_space<semaphore_mem>>)
      %dma_wait3A_64 = arith.constant 0 : i32
      %dma_wait3A_65 = arith.constant 0 : i32
      %dma_wait3A_66 = tpu.memref_slice %arg4[%add3A, %dma_wait3A_64, %dma_wait3A_65] : memref<32x125x80xi32, #tpu.memory_space<hbm>> -> memref<1x125x80xi32, #tpu.memory_space<hbm>>
      %dma_wait3A_67 = tpu.memref_squeeze %dma_wait3A_66 : memref<1x125x80xi32, #tpu.memory_space<hbm>> -> memref<125x80xi32, #tpu.memory_space<hbm>>
      %dma_wait3A_68 = arith.constant 0 : i32
      %dma_wait3A_69 = arith.constant 0 : i32
      %dma_wait3A_70 = tpu.memref_slice %arg4[%add3A, %dma_wait3A_68, %dma_wait3A_69] : memref<32x125x80xi32, #tpu.memory_space<hbm>> -> memref<1x125x80xi32, #tpu.memory_space<hbm>>
      %dma_wait3A_71 = tpu.memref_squeeze %dma_wait3A_70 : memref<1x125x80xi32, #tpu.memory_space<hbm>> -> memref<125x80xi32, #tpu.memory_space<hbm>>
      tpu.wait_dma2 semaphore(%run_scoped3A : memref<!tpu.dma_semaphore, #tpu.memory_space<semaphore_mem>>) src(%dma_wait3A_71 : memref<125x80xi32, #tpu.memory_space<hbm>>) dst(%arg9 : memref<125x80xi32, #tpu.memory_space<vmem>>)
      tpu.yield
    }) : () -> ()
    %dma_start3A = arith.constant 0 : i32
    %dma_start3A_7 = tpu.memref_slice %arg8[%dma_start3A] : memref<10000xi32, #tpu.memory_space<vmem>> -> memref<80xi32, #tpu.memory_space<vmem>>
    %dma_start3A_8 = arith.constant 0 : i32
    %dma_start3A_9 = arith.constant 0 : i32
    %dma_start3A_10 = tpu.memref_slice %arg2[%dma_start3A_8, %dma_start3A_9] : memref<10000x128xf32, #tpu.memory_space<hbm>> -> memref<10000x128xf32, #tpu.memory_space<hbm>>
    tpu.enqueue_indirect_dma source(%dma_start3A_10 : memref<10000x128xf32, #tpu.memory_space<hbm>>) target(%arg10 : memref<80x128xf32, #tpu.memory_space<vmem>>) offsets(%dma_start3A_7 : memref<80xi32, #tpu.memory_space<vmem>>) semaphore(%arg12 : memref<!tpu.dma_semaphore, #tpu.memory_space<semaphore_mem>>)
    %scan3A = arith.constant 0 : i32
    %scan3A_11 = arith.constant 0 : i32
    %scan3A_12 = arith.constant 62 : i32
    %scan3A_13 = arith.addi %scan3A_11, %scan3A_12 : i32
    %scan3A_14 = arith.constant 1 : i32
    scf.for %scan3A_56 = %scan3A_11 to %scan3A_13 step %scan3A_14  : i32 {
      %mul3A_57 = arith.constant 2 : i32
      %mul3A_58 = arith.muli %mul3A_57, %scan3A_56 : i32
      %gt3A = arith.constant 0 : i32
      %gt3A_59 = arith.cmpi sgt, %scan3A_56, %gt3A : i32
      %convert_element_type3A_60 = arith.extui %gt3A_59 : i1 to i32
      %cond3A_61 = arith.constant 0 : i32
      %cond3A_62 = arith.cmpi ne, %convert_element_type3A_60, %cond3A_61 : i32
      scf.if %cond3A_62 {
        %sub3A = arith.constant 1 : i32
        %sub3A_109 = arith.subi %mul3A_58, %sub3A : i32
        %dma_wait3A_110 = arith.constant 0 : i32
        %dma_wait3A_111 = tpu.memref_slice %arg9[%sub3A_109, %dma_wait3A_110] : memref<125x80xi32, #tpu.memory_space<vmem>> -> memref<1x80xi32, #tpu.memory_space<vmem>>
        %dma_wait3A_112 = tpu.memref_squeeze %dma_wait3A_111 : memref<1x80xi32, #tpu.memory_space<vmem>> -> memref<80xi32, #tpu.memory_space<vmem>>
        %dma_wait3A_113 = arith.constant 0 : i32
        %dma_wait3A_114 = arith.constant 0 : i32
        %dma_wait3A_115 = tpu.memref_slice %arg7[%dma_wait3A_113, %dma_wait3A_114] : memref<10000x128xf32, #tpu.memory_space<vmem_shared>> -> memref<10000x128xf32, #tpu.memory_space<vmem_shared>>
        tpu.wait_indirect_dma semaphore(%arg15 : memref<!tpu.dma_semaphore, #tpu.memory_space<semaphore_mem>>) src(%arg11 : memref<80x128xf32, #tpu.memory_space<vmem>>) dst(%dma_wait3A_115 : memref<10000x128xf32, #tpu.memory_space<vmem_shared>>)
      } else {
      }
      %add3A_63 = arith.constant 1 : i32
      %add3A_64 = arith.addi %mul3A_58, %add3A_63 : i32
      %mul3A_65 = arith.constant 80 : i32
      %mul3A_66 = arith.muli %add3A_64, %mul3A_65 : i32
      %dma_start3A_67 = tpu.memref_slice %arg8[%mul3A_66] : memref<10000xi32, #tpu.memory_space<vmem>> -> memref<80xi32, #tpu.memory_space<vmem>>
      %dma_start3A_68 = arith.constant 0 : i32
      %dma_start3A_69 = arith.constant 0 : i32
      %dma_start3A_70 = tpu.memref_slice %arg2[%dma_start3A_68, %dma_start3A_69] : memref<10000x128xf32, #tpu.memory_space<hbm>> -> memref<10000x128xf32, #tpu.memory_space<hbm>>
      tpu.enqueue_indirect_dma source(%dma_start3A_70 : memref<10000x128xf32, #tpu.memory_space<hbm>>) target(%arg11 : memref<80x128xf32, #tpu.memory_space<vmem>>) offsets(%dma_start3A_67 : memref<80xi32, #tpu.memory_space<vmem>>) semaphore(%arg13 : memref<!tpu.dma_semaphore, #tpu.memory_space<semaphore_mem>>)
      %mul3A_71 = arith.constant 80 : i32
      %mul3A_72 = arith.muli %mul3A_58, %mul3A_71 : i32
      %dma_wait3A_73 = tpu.memref_slice %arg8[%mul3A_72] : memref<10000xi32, #tpu.memory_space<vmem>> -> memref<80xi32, #tpu.memory_space<vmem>>
      %dma_wait3A_74 = arith.constant 0 : i32
      %dma_wait3A_75 = arith.constant 0 : i32
      %dma_wait3A_76 = tpu.memref_slice %arg2[%dma_wait3A_74, %dma_wait3A_75] : memref<10000x128xf32, #tpu.memory_space<hbm>> -> memref<10000x128xf32, #tpu.memory_space<hbm>>
      tpu.wait_indirect_dma semaphore(%arg12 : memref<!tpu.dma_semaphore, #tpu.memory_space<semaphore_mem>>) src(%dma_wait3A_76 : memref<10000x128xf32, #tpu.memory_space<hbm>>) dst(%arg10 : memref<80x128xf32, #tpu.memory_space<vmem>>)
      %dma_start3A_77 = arith.constant 0 : i32
      %dma_start3A_78 = tpu.memref_slice %arg9[%mul3A_58, %dma_start3A_77] : memref<125x80xi32, #tpu.memory_space<vmem>> -> memref<1x80xi32, #tpu.memory_space<vmem>>
      %dma_start3A_79 = tpu.memref_squeeze %dma_start3A_78 : memref<1x80xi32, #tpu.memory_space<vmem>> -> memref<80xi32, #tpu.memory_space<vmem>>
      %dma_start3A_80 = arith.constant 0 : i32
      %dma_start3A_81 = arith.constant 0 : i32
      %dma_start3A_82 = tpu.memref_slice %arg7[%dma_start3A_80, %dma_start3A_81] : memref<10000x128xf32, #tpu.memory_space<vmem_shared>> -> memref<10000x128xf32, #tpu.memory_space<vmem_shared>>
      tpu.enqueue_indirect_dma source(%arg10 : memref<80x128xf32, #tpu.memory_space<vmem>>) target(%dma_start3A_82 : memref<10000x128xf32, #tpu.memory_space<vmem_shared>>) offsets(%dma_start3A_79 : memref<80xi32, #tpu.memory_space<vmem>>) semaphore(%arg14 : memref<!tpu.dma_semaphore, #tpu.memory_space<semaphore_mem>>) {add = true}
      %add3A_83 = arith.constant 1 : i32
      %add3A_84 = arith.addi %mul3A_58, %add3A_83 : i32
      %mul3A_85 = arith.constant 80 : i32
      %mul3A_86 = arith.muli %add3A_84, %mul3A_85 : i32
      %dma_wait3A_87 = tpu.memref_slice %arg8[%mul3A_86] : memref<10000xi32, #tpu.memory_space<vmem>> -> memref<80xi32, #tpu.memory_space<vmem>>
      %dma_wait3A_88 = arith.constant 0 : i32
      %dma_wait3A_89 = arith.constant 0 : i32
      %dma_wait3A_90 = tpu.memref_slice %arg2[%dma_wait3A_88, %dma_wait3A_89] : memref<10000x128xf32, #tpu.memory_space<hbm>> -> memref<10000x128xf32, #tpu.memory_space<hbm>>
      tpu.wait_indirect_dma semaphore(%arg13 : memref<!tpu.dma_semaphore, #tpu.memory_space<semaphore_mem>>) src(%dma_wait3A_90 : memref<10000x128xf32, #tpu.memory_space<hbm>>) dst(%arg11 : memref<80x128xf32, #tpu.memory_space<vmem>>)
      %add3A_91 = arith.constant 1 : i32
      %add3A_92 = arith.addi %mul3A_58, %add3A_91 : i32
      %dma_start3A_93 = arith.constant 0 : i32
      %dma_start3A_94 = tpu.memref_slice %arg9[%add3A_92, %dma_start3A_93] : memref<125x80xi32, #tpu.memory_space<vmem>> -> memref<1x80xi32, #tpu.memory_space<vmem>>
      %dma_start3A_95 = tpu.memref_squeeze %dma_start3A_94 : memref<1x80xi32, #tpu.memory_space<vmem>> -> memref<80xi32, #tpu.memory_space<vmem>>
      %dma_start3A_96 = arith.constant 0 : i32
      %dma_start3A_97 = arith.constant 0 : i32
      %dma_start3A_98 = tpu.memref_slice %arg7[%dma_start3A_96, %dma_start3A_97] : memref<10000x128xf32, #tpu.memory_space<vmem_shared>> -> memref<10000x128xf32, #tpu.memory_space<vmem_shared>>
      tpu.enqueue_indirect_dma source(%arg11 : memref<80x128xf32, #tpu.memory_space<vmem>>) target(%dma_start3A_98 : memref<10000x128xf32, #tpu.memory_space<vmem_shared>>) offsets(%dma_start3A_95 : memref<80xi32, #tpu.memory_space<vmem>>) semaphore(%arg15 : memref<!tpu.dma_semaphore, #tpu.memory_space<semaphore_mem>>) {add = true}
      %dma_wait3A_99 = arith.constant 0 : i32
      %dma_wait3A_100 = tpu.memref_slice %arg9[%mul3A_58, %dma_wait3A_99] : memref<125x80xi32, #tpu.memory_space<vmem>> -> memref<1x80xi32, #tpu.memory_space<vmem>>
      %dma_wait3A_101 = tpu.memref_squeeze %dma_wait3A_100 : memref<1x80xi32, #tpu.memory_space<vmem>> -> memref<80xi32, #tpu.memory_space<vmem>>
      %dma_wait3A_102 = arith.constant 0 : i32
      %dma_wait3A_103 = arith.constant 0 : i32
      %dma_wait3A_104 = tpu.memref_slice %arg7[%dma_wait3A_102, %dma_wait3A_103] : memref<10000x128xf32, #tpu.memory_space<vmem_shared>> -> memref<10000x128xf32, #tpu.memory_space<vmem_shared>>
      tpu.wait_indirect_dma semaphore(%arg14 : memref<!tpu.dma_semaphore, #tpu.memory_space<semaphore_mem>>) src(%arg10 : memref<80x128xf32, #tpu.memory_space<vmem>>) dst(%dma_wait3A_104 : memref<10000x128xf32, #tpu.memory_space<vmem_shared>>)
      %lt3A = arith.constant 61 : i32
      %lt3A_105 = arith.cmpi slt, %scan3A_56, %lt3A : i32
      %convert_element_type3A_106 = arith.extui %lt3A_105 : i1 to i32
      %cond3A_107 = arith.constant 0 : i32
      %cond3A_108 = arith.cmpi ne, %convert_element_type3A_106, %cond3A_107 : i32
      scf.if %cond3A_108 {
        %add3A_109 = arith.constant 2 : i32
        %add3A_110 = arith.addi %mul3A_58, %add3A_109 : i32
        %mul3A_111 = arith.constant 80 : i32
        %mul3A_112 = arith.muli %add3A_110, %mul3A_111 : i32
        %dma_start3A_113 = tpu.memref_slice %arg8[%mul3A_112] : memref<10000xi32, #tpu.memory_space<vmem>> -> memref<80xi32, #tpu.memory_space<vmem>>
        %dma_start3A_114 = arith.constant 0 : i32
        %dma_start3A_115 = arith.constant 0 : i32
        %dma_start3A_116 = tpu.memref_slice %arg2[%dma_start3A_114, %dma_start3A_115] : memref<10000x128xf32, #tpu.memory_space<hbm>> -> memref<10000x128xf32, #tpu.memory_space<hbm>>
        tpu.enqueue_indirect_dma source(%dma_start3A_116 : memref<10000x128xf32, #tpu.memory_space<hbm>>) target(%arg10 : memref<80x128xf32, #tpu.memory_space<vmem>>) offsets(%dma_start3A_113 : memref<80xi32, #tpu.memory_space<vmem>>) semaphore(%arg12 : memref<!tpu.dma_semaphore, #tpu.memory_space<semaphore_mem>>)
      } else {
      }
    }
    %scan3A_15 = arith.constant 62 : i32
    %dma_start3A_16 = arith.constant 9920 : i32
    %dma_start3A_17 = tpu.memref_slice %arg8[%dma_start3A_16] : memref<10000xi32, #tpu.memory_space<vmem>> -> memref<80xi32, #tpu.memory_space<vmem>>
    %dma_start3A_18 = arith.constant 0 : i32
    %dma_start3A_19 = arith.constant 0 : i32
    %dma_start3A_20 = tpu.memref_slice %arg2[%dma_start3A_18, %dma_start3A_19] : memref<10000x128xf32, #tpu.memory_space<hbm>> -> memref<10000x128xf32, #tpu.memory_space<hbm>>
    tpu.enqueue_indirect_dma source(%dma_start3A_20 : memref<10000x128xf32, #tpu.memory_space<hbm>>) target(%arg10 : memref<80x128xf32, #tpu.memory_space<vmem>>) offsets(%dma_start3A_17 : memref<80xi32, #tpu.memory_space<vmem>>) semaphore(%arg12 : memref<!tpu.dma_semaphore, #tpu.memory_space<semaphore_mem>>)
    %dma_wait3A = arith.constant 123 : i32
    %dma_wait3A_21 = arith.constant 0 : i32
    %dma_wait3A_22 = tpu.memref_slice %arg9[%dma_wait3A, %dma_wait3A_21] : memref<125x80xi32, #tpu.memory_space<vmem>> -> memref<1x80xi32, #tpu.memory_space<vmem>>
    %dma_wait3A_23 = tpu.memref_squeeze %dma_wait3A_22 : memref<1x80xi32, #tpu.memory_space<vmem>> -> memref<80xi32, #tpu.memory_space<vmem>>
    %dma_wait3A_24 = arith.constant 0 : i32
    %dma_wait3A_25 = arith.constant 0 : i32
    %dma_wait3A_26 = tpu.memref_slice %arg7[%dma_wait3A_24, %dma_wait3A_25] : memref<10000x128xf32, #tpu.memory_space<vmem_shared>> -> memref<10000x128xf32, #tpu.memory_space<vmem_shared>>
    tpu.wait_indirect_dma semaphore(%arg15 : memref<!tpu.dma_semaphore, #tpu.memory_space<semaphore_mem>>) src(%arg11 : memref<80x128xf32, #tpu.memory_space<vmem>>) dst(%dma_wait3A_26 : memref<10000x128xf32, #tpu.memory_space<vmem_shared>>)
    %dma_wait3A_27 = arith.constant 9920 : i32
    %dma_wait3A_28 = tpu.memref_slice %arg8[%dma_wait3A_27] : memref<10000xi32, #tpu.memory_space<vmem>> -> memref<80xi32, #tpu.memory_space<vmem>>
    %dma_wait3A_29 = arith.constant 0 : i32
    %dma_wait3A_30 = arith.constant 0 : i32
    %dma_wait3A_31 = tpu.memref_slice %arg2[%dma_wait3A_29, %dma_wait3A_30] : memref<10000x128xf32, #tpu.memory_space<hbm>> -> memref<10000x128xf32, #tpu.memory_space<hbm>>
    tpu.wait_indirect_dma semaphore(%arg12 : memref<!tpu.dma_semaphore, #tpu.memory_space<semaphore_mem>>) src(%dma_wait3A_31 : memref<10000x128xf32, #tpu.memory_space<hbm>>) dst(%arg10 : memref<80x128xf32, #tpu.memory_space<vmem>>)
    %dma_start3A_32 = arith.constant 124 : i32
    %dma_start3A_33 = arith.constant 0 : i32
    %dma_start3A_34 = tpu.memref_slice %arg9[%dma_start3A_32, %dma_start3A_33] : memref<125x80xi32, #tpu.memory_space<vmem>> -> memref<1x80xi32, #tpu.memory_space<vmem>>
    %dma_start3A_35 = tpu.memref_squeeze %dma_start3A_34 : memref<1x80xi32, #tpu.memory_space<vmem>> -> memref<80xi32, #tpu.memory_space<vmem>>
    %dma_start3A_36 = arith.constant 0 : i32
    %dma_start3A_37 = arith.constant 0 : i32
    %dma_start3A_38 = tpu.memref_slice %arg7[%dma_start3A_36, %dma_start3A_37] : memref<10000x128xf32, #tpu.memory_space<vmem_shared>> -> memref<10000x128xf32, #tpu.memory_space<vmem_shared>>
    tpu.enqueue_indirect_dma source(%arg10 : memref<80x128xf32, #tpu.memory_space<vmem>>) target(%dma_start3A_38 : memref<10000x128xf32, #tpu.memory_space<vmem_shared>>) offsets(%dma_start3A_35 : memref<80xi32, #tpu.memory_space<vmem>>) semaphore(%arg14 : memref<!tpu.dma_semaphore, #tpu.memory_space<semaphore_mem>>) {add = true}
    %dma_wait3A_39 = arith.constant 124 : i32
    %dma_wait3A_40 = arith.constant 0 : i32
    %dma_wait3A_41 = tpu.memref_slice %arg9[%dma_wait3A_39, %dma_wait3A_40] : memref<125x80xi32, #tpu.memory_space<vmem>> -> memref<1x80xi32, #tpu.memory_space<vmem>>
    %dma_wait3A_42 = tpu.memref_squeeze %dma_wait3A_41 : memref<1x80xi32, #tpu.memory_space<vmem>> -> memref<80xi32, #tpu.memory_space<vmem>>
    %dma_wait3A_43 = arith.constant 0 : i32
    %dma_wait3A_44 = arith.constant 0 : i32
    %dma_wait3A_45 = tpu.memref_slice %arg7[%dma_wait3A_43, %dma_wait3A_44] : memref<10000x128xf32, #tpu.memory_space<vmem_shared>> -> memref<10000x128xf32, #tpu.memory_space<vmem_shared>>
    tpu.wait_indirect_dma semaphore(%arg14 : memref<!tpu.dma_semaphore, #tpu.memory_space<semaphore_mem>>) src(%arg10 : memref<80x128xf32, #tpu.memory_space<vmem>>) dst(%dma_wait3A_45 : memref<10000x128xf32, #tpu.memory_space<vmem_shared>>)
    %barrier3A_46 = arith.constant 0 : index
    tpu.barrier barrier_id(%barrier3A_46)
    %mul3A_47 = arith.constant 624 : i32
    %mul3A_48 = arith.muli %arg1, %mul3A_47 : i32
    %mul3A_49 = arith.constant 624 : i32
    %mul3A_50 = arith.muli %arg1, %mul3A_49 : i32
    "tpu.region"() ({
      %run_scoped3A = tpu.sem_alloc : memref<!tpu.dma_semaphore, #tpu.memory_space<semaphore_mem>>
      %dma_start3A_56 = arith.constant 0 : i32
      %dma_start3A_57 = arith.constant 0 : i32
      %dma_start3A_58 = tpu.memref_slice %arg6[%arg0, %dma_start3A_56, %dma_start3A_57] : memref<2x10000x128xf32, #tpu.memory_space<hbm>> -> memref<1x10000x128xf32, #tpu.memory_space<hbm>>
      %dma_start3A_59 = tpu.memref_squeeze %dma_start3A_58 : memref<1x10000x128xf32, #tpu.memory_space<hbm>> -> memref<10000x128xf32, #tpu.memory_space<hbm>>
      %dma_start3A_60 = arith.constant 0 : i32
      %dma_start3A_61 = tpu.memref_slice %dma_start3A_59[%mul3A_50, %dma_start3A_60] : memref<10000x128xf32, #tpu.memory_space<hbm>> -> memref<624x128xf32, #tpu.memory_space<hbm>>
      %dma_start3A_62 = arith.constant 0 : i32
      %dma_start3A_63 = tpu.memref_slice %arg7[%mul3A_48, %dma_start3A_62] : memref<10000x128xf32, #tpu.memory_space<vmem_shared>> -> memref<624x128xf32, #tpu.memory_space<vmem_shared>>
      tpu.enqueue_dma source(%dma_start3A_63 : memref<624x128xf32, #tpu.memory_space<vmem_shared>>) target(%dma_start3A_61 : memref<624x128xf32, #tpu.memory_space<hbm>>) target_semaphore(%run_scoped3A : memref<!tpu.dma_semaphore, #tpu.memory_space<semaphore_mem>>)
      %dma_wait3A_64 = arith.constant 0 : i32
      %dma_wait3A_65 = arith.constant 0 : i32
      %dma_wait3A_66 = tpu.memref_slice %arg6[%arg0, %dma_wait3A_64, %dma_wait3A_65] : memref<2x10000x128xf32, #tpu.memory_space<hbm>> -> memref<1x10000x128xf32, #tpu.memory_space<hbm>>
      %dma_wait3A_67 = tpu.memref_squeeze %dma_wait3A_66 : memref<1x10000x128xf32, #tpu.memory_space<hbm>> -> memref<10000x128xf32, #tpu.memory_space<hbm>>
      %dma_wait3A_68 = arith.constant 0 : i32
      %dma_wait3A_69 = tpu.memref_slice %dma_wait3A_67[%mul3A_50, %dma_wait3A_68] : memref<10000x128xf32, #tpu.memory_space<hbm>> -> memref<624x128xf32, #tpu.memory_space<hbm>>
      %dma_wait3A_70 = arith.constant 0 : i32
      %dma_wait3A_71 = tpu.memref_slice %arg7[%mul3A_48, %dma_wait3A_70] : memref<10000x128xf32, #tpu.memory_space<vmem_shared>> -> memref<624x128xf32, #tpu.memory_space<vmem_shared>>
      tpu.wait_dma2 semaphore(%run_scoped3A : memref<!tpu.dma_semaphore, #tpu.memory_space<semaphore_mem>>) src(%dma_wait3A_71 : memref<624x128xf32, #tpu.memory_space<vmem_shared>>) dst(%dma_wait3A_69 : memref<624x128xf32, #tpu.memory_space<hbm>>)
      tpu.yield
    }) : () -> ()
    %eq3A_51 = arith.constant 15 : i32
    %eq3A_52 = arith.cmpi eq, %arg1, %eq3A_51 : i32
    %convert_element_type3A_53 = arith.extui %eq3A_52 : i1 to i32
    %cond3A_54 = arith.constant 0 : i32
    %cond3A_55 = arith.cmpi ne, %convert_element_type3A_53, %cond3A_54 : i32
    scf.if %cond3A_55 {
      "tpu.region"() ({
        %run_scoped3A = tpu.sem_alloc : memref<!tpu.dma_semaphore, #tpu.memory_space<semaphore_mem>>
        %dma_start3A_56 = arith.constant 0 : i32
        %dma_start3A_57 = arith.constant 0 : i32
        %dma_start3A_58 = tpu.memref_slice %arg6[%arg0, %dma_start3A_56, %dma_start3A_57] : memref<2x10000x128xf32, #tpu.memory_space<hbm>> -> memref<1x10000x128xf32, #tpu.memory_space<hbm>>
        %dma_start3A_59 = tpu.memref_squeeze %dma_start3A_58 : memref<1x10000x128xf32, #tpu.memory_space<hbm>> -> memref<10000x128xf32, #tpu.memory_space<hbm>>
        %dma_start3A_60 = arith.constant 9984 : i32
        %dma_start3A_61 = arith.constant 0 : i32
        %dma_start3A_62 = tpu.memref_slice %dma_start3A_59[%dma_start3A_60, %dma_start3A_61] : memref<10000x128xf32, #tpu.memory_space<hbm>> -> memref<16x128xf32, #tpu.memory_space<hbm>>
        %dma_start3A_63 = arith.constant 9984 : i32
        %dma_start3A_64 = arith.constant 0 : i32
        %dma_start3A_65 = tpu.memref_slice %arg7[%dma_start3A_63, %dma_start3A_64] : memref<10000x128xf32, #tpu.memory_space<vmem_shared>> -> memref<16x128xf32, #tpu.memory_space<vmem_shared>>
        tpu.enqueue_dma source(%dma_start3A_65 : memref<16x128xf32, #tpu.memory_space<vmem_shared>>) target(%dma_start3A_62 : memref<16x128xf32, #tpu.memory_space<hbm>>) target_semaphore(%run_scoped3A : memref<!tpu.dma_semaphore, #tpu.memory_space<semaphore_mem>>)
        %dma_wait3A_66 = arith.constant 0 : i32
        %dma_wait3A_67 = arith.constant 0 : i32
        %dma_wait3A_68 = tpu.memref_slice %arg6[%arg0, %dma_wait3A_66, %dma_wait3A_67] : memref<2x10000x128xf32, #tpu.memory_space<hbm>> -> memref<1x10000x128xf32, #tpu.memory_space<hbm>>
        %dma_wait3A_69 = tpu.memref_squeeze %dma_wait3A_68 : memref<1x10000x128xf32, #tpu.memory_space<hbm>> -> memref<10000x128xf32, #tpu.memory_space<hbm>>
        %dma_wait3A_70 = arith.constant 9984 : i32
        %dma_wait3A_71 = arith.constant 0 : i32
        %dma_wait3A_72 = tpu.memref_slice %dma_wait3A_69[%dma_wait3A_70, %dma_wait3A_71] : memref<10000x128xf32, #tpu.memory_space<hbm>> -> memref<16x128xf32, #tpu.memory_space<hbm>>
        %dma_wait3A_73 = arith.constant 9984 : i32
        %dma_wait3A_74 = arith.constant 0 : i32
        %dma_wait3A_75 = tpu.memref_slice %arg7[%dma_wait3A_73, %dma_wait3A_74] : memref<10000x128xf32, #tpu.memory_space<vmem_shared>> -> memref<16x128xf32, #tpu.memory_space<vmem_shared>>
        tpu.wait_dma2 semaphore(%run_scoped3A : memref<!tpu.dma_semaphore, #tpu.memory_space<semaphore_mem>>) src(%dma_wait3A_75 : memref<16x128xf32, #tpu.memory_space<vmem_shared>>) dst(%dma_wait3A_72 : memref<16x128xf32, #tpu.memory_space<hbm>>)
        tpu.yield
      }) : () -> ()
    } else {
    }
    return
  }
}

#map = affine_map<(d0, d1) -> (0, 0)>
#map1 = affine_map<(d0, d1) -> (0, 0, 0)>
module attributes {stable_mosaic.version = 14 : i64} {
  func.func @agg(%arg0: i32, %arg1: i32, %arg2: memref<10000x128xf32, #tpu.memory_space<hbm>>, %arg3: memref<32x10000xi32, #tpu.memory_space<hbm>>, %arg4: memref<32x125x80xi32, #tpu.memory_space<hbm>>, %arg5: memref<10000x128xf32, #tpu.memory_space<hbm>>, %arg6: memref<2x10000x128xf32, #tpu.memory_space<hbm>>, %arg7: memref<10000x128xf32, #tpu.memory_space<vmem_shared>>, %arg8: memref<10000xi32, #tpu.memory_space<vmem>>, %arg9: memref<125x80xi32, #tpu.memory_space<vmem>>, %arg10: memref<80x128xf32, #tpu.memory_space<vmem>>, %arg11: memref<80x128xf32, #tpu.memory_space<vmem>>, %arg12: memref<!tpu.dma_semaphore, #tpu.memory_space<semaphore_mem>>, %arg13: memref<!tpu.dma_semaphore, #tpu.memory_space<semaphore_mem>>, %arg14: memref<!tpu.dma_semaphore, #tpu.memory_space<semaphore_mem>>, %arg15: memref<!tpu.dma_semaphore, #tpu.memory_space<semaphore_mem>>) attributes {dimension_semantics = [#tpu.dimension_semantics<core_parallel>, #tpu.dimension_semantics<subcore_parallel>], iteration_bounds = array<i64: 2, 16>, scalar_prefetch = 0 : i64, scratch_operands = 9 : i64, tpu.core_type = #tpu.core_type<sc_vector_subcore>, window_params = [{transform_indices = #map}, {transform_indices = #map}, {transform_indices = #map1}, {transform_indices = #map}, {transform_indices = #map1}]} {
    %mul3A = arith.constant 16 : i32
    %mul3A_0 = arith.muli %arg0, %mul3A : i32
    %add3A = arith.addi %mul3A_0, %arg1 : i32
    %mul3A_1 = arith.constant 624 : i32
    %mul3A_2 = arith.muli %arg1, %mul3A_1 : i32
    %mul3A_3 = arith.constant 624 : i32
    %mul3A_4 = arith.muli %arg1, %mul3A_3 : i32
    "tpu.region"() ({
      %run_scoped3A = tpu.sem_alloc : memref<!tpu.dma_semaphore, #tpu.memory_space<semaphore_mem>>
      %dma_start3A_56 = arith.constant 0 : i32
      %dma_start3A_57 = tpu.memref_slice %arg7[%mul3A_4, %dma_start3A_56] : memref<10000x128xf32, #tpu.memory_space<vmem_shared>> -> memref<624x128xf32, #tpu.memory_space<vmem_shared>>
      %dma_start3A_58 = arith.constant 0 : i32
      %dma_start3A_59 = tpu.memref_slice %arg5[%mul3A_2, %dma_start3A_58] : memref<10000x128xf32, #tpu.memory_space<hbm>> -> memref<624x128xf32, #tpu.memory_space<hbm>>
      tpu.enqueue_dma source(%dma_start3A_59 : memref<624x128xf32, #tpu.memory_space<hbm>>) target(%dma_start3A_57 : memref<624x128xf32, #tpu.memory_space<vmem_shared>>) target_semaphore(%run_scoped3A : memref<!tpu.dma_semaphore, #tpu.memory_space<semaphore_mem>>)
      %dma_wait3A_60 = arith.constant 0 : i32
      %dma_wait3A_61 = tpu.memref_slice %arg7[%mul3A_4, %dma_wait3A_60] : memref<10000x128xf32, #tpu.memory_space<vmem_shared>> -> memref<624x128xf32, #tpu.memory_space<vmem_shared>>
      %dma_wait3A_62 = arith.constant 0 : i32
      %dma_wait3A_63 = tpu.memref_slice %arg5[%mul3A_2, %dma_wait3A_62] : memref<10000x128xf32, #tpu.memory_space<hbm>> -> memref<624x128xf32, #tpu.memory_space<hbm>>
      tpu.wait_dma2 semaphore(%run_scoped3A : memref<!tpu.dma_semaphore, #tpu.memory_space<semaphore_mem>>) src(%dma_wait3A_63 : memref<624x128xf32, #tpu.memory_space<hbm>>) dst(%dma_wait3A_61 : memref<624x128xf32, #tpu.memory_space<vmem_shared>>)
      tpu.yield
    }) : () -> ()
    %eq3A = arith.constant 15 : i32
    %eq3A_5 = arith.cmpi eq, %arg1, %eq3A : i32
    %convert_element_type3A = arith.extui %eq3A_5 : i1 to i32
    %cond3A = arith.constant 0 : i32
    %cond3A_6 = arith.cmpi ne, %convert_element_type3A, %cond3A : i32
    scf.if %cond3A_6 {
      "tpu.region"() ({
        %run_scoped3A = tpu.sem_alloc : memref<!tpu.dma_semaphore, #tpu.memory_space<semaphore_mem>>
        %dma_start3A_56 = arith.constant 9984 : i32
        %dma_start3A_57 = arith.constant 0 : i32
        %dma_start3A_58 = tpu.memref_slice %arg7[%dma_start3A_56, %dma_start3A_57] : memref<10000x128xf32, #tpu.memory_space<vmem_shared>> -> memref<16x128xf32, #tpu.memory_space<vmem_shared>>
        %dma_start3A_59 = arith.constant 9984 : i32
        %dma_start3A_60 = arith.constant 0 : i32
        %dma_start3A_61 = tpu.memref_slice %arg5[%dma_start3A_59, %dma_start3A_60] : memref<10000x128xf32, #tpu.memory_space<hbm>> -> memref<16x128xf32, #tpu.memory_space<hbm>>
        tpu.enqueue_dma source(%dma_start3A_61 : memref<16x128xf32, #tpu.memory_space<hbm>>) target(%dma_start3A_58 : memref<16x128xf32, #tpu.memory_space<vmem_shared>>) target_semaphore(%run_scoped3A : memref<!tpu.dma_semaphore, #tpu.memory_space<semaphore_mem>>)
        %dma_wait3A_62 = arith.constant 9984 : i32
        %dma_wait3A_63 = arith.constant 0 : i32
        %dma_wait3A_64 = tpu.memref_slice %arg7[%dma_wait3A_62, %dma_wait3A_63] : memref<10000x128xf32, #tpu.memory_space<vmem_shared>> -> memref<16x128xf32, #tpu.memory_space<vmem_shared>>
        %dma_wait3A_65 = arith.constant 9984 : i32
        %dma_wait3A_66 = arith.constant 0 : i32
        %dma_wait3A_67 = tpu.memref_slice %arg5[%dma_wait3A_65, %dma_wait3A_66] : memref<10000x128xf32, #tpu.memory_space<hbm>> -> memref<16x128xf32, #tpu.memory_space<hbm>>
        tpu.wait_dma2 semaphore(%run_scoped3A : memref<!tpu.dma_semaphore, #tpu.memory_space<semaphore_mem>>) src(%dma_wait3A_67 : memref<16x128xf32, #tpu.memory_space<hbm>>) dst(%dma_wait3A_64 : memref<16x128xf32, #tpu.memory_space<vmem_shared>>)
        tpu.yield
      }) : () -> ()
    } else {
    }
    %barrier3A = arith.constant 0 : index
    tpu.barrier barrier_id(%barrier3A)
    "tpu.region"() ({
      %run_scoped3A = tpu.sem_alloc : memref<!tpu.dma_semaphore, #tpu.memory_space<semaphore_mem>>
      %dma_start3A_56 = arith.constant 0 : i32
      %dma_start3A_57 = tpu.memref_slice %arg3[%add3A, %dma_start3A_56] : memref<32x10000xi32, #tpu.memory_space<hbm>> -> memref<1x10000xi32, #tpu.memory_space<hbm>>
      %dma_start3A_58 = tpu.memref_squeeze %dma_start3A_57 : memref<1x10000xi32, #tpu.memory_space<hbm>> -> memref<10000xi32, #tpu.memory_space<hbm>>
      %dma_start3A_59 = arith.constant 0 : i32
      %dma_start3A_60 = tpu.memref_slice %arg3[%add3A, %dma_start3A_59] : memref<32x10000xi32, #tpu.memory_space<hbm>> -> memref<1x10000xi32, #tpu.memory_space<hbm>>
      %dma_start3A_61 = tpu.memref_squeeze %dma_start3A_60 : memref<1x10000xi32, #tpu.memory_space<hbm>> -> memref<10000xi32, #tpu.memory_space<hbm>>
      tpu.enqueue_dma source(%dma_start3A_61 : memref<10000xi32, #tpu.memory_space<hbm>>) target(%arg8 : memref<10000xi32, #tpu.memory_space<vmem>>) target_semaphore(%run_scoped3A : memref<!tpu.dma_semaphore, #tpu.memory_space<semaphore_mem>>)
      %dma_wait3A_62 = arith.constant 0 : i32
      %dma_wait3A_63 = tpu.memref_slice %arg3[%add3A, %dma_wait3A_62] : memref<32x10000xi32, #tpu.memory_space<hbm>> -> memref<1x10000xi32, #tpu.memory_space<hbm>>
      %dma_wait3A_64 = tpu.memref_squeeze %dma_wait3A_63 : memref<1x10000xi32, #tpu.memory_space<hbm>> -> memref<10000xi32, #tpu.memory_space<hbm>>
      %dma_wait3A_65 = arith.constant 0 : i32
      %dma_wait3A_66 = tpu.memref_slice %arg3[%add3A, %dma_wait3A_65] : memref<32x10000xi32, #tpu.memory_space<hbm>> -> memref<1x10000xi32, #tpu.memory_space<hbm>>
      %dma_wait3A_67 = tpu.memref_squeeze %dma_wait3A_66 : memref<1x10000xi32, #tpu.memory_space<hbm>> -> memref<10000xi32, #tpu.memory_space<hbm>>
      tpu.wait_dma2 semaphore(%run_scoped3A : memref<!tpu.dma_semaphore, #tpu.memory_space<semaphore_mem>>) src(%dma_wait3A_67 : memref<10000xi32, #tpu.memory_space<hbm>>) dst(%arg8 : memref<10000xi32, #tpu.memory_space<vmem>>)
      tpu.yield
    }) : () -> ()
    "tpu.region"() ({
      %run_scoped3A = tpu.sem_alloc : memref<!tpu.dma_semaphore, #tpu.memory_space<semaphore_mem>>
      %dma_start3A_56 = arith.constant 0 : i32
      %dma_start3A_57 = arith.constant 0 : i32
      %dma_start3A_58 = tpu.memref_slice %arg4[%add3A, %dma_start3A_56, %dma_start3A_57] : memref<32x125x80xi32, #tpu.memory_space<hbm>> -> memref<1x125x80xi32, #tpu.memory_space<hbm>>
      %dma_start3A_59 = tpu.memref_squeeze %dma_start3A_58 : memref<1x125x80xi32, #tpu.memory_space<hbm>> -> memref<125x80xi32, #tpu.memory_space<hbm>>
      %dma_start3A_60 = arith.constant 0 : i32
      %dma_start3A_61 = arith.constant 0 : i32
      %dma_start3A_62 = tpu.memref_slice %arg4[%add3A, %dma_start3A_60, %dma_start3A_61] : memref<32x125x80xi32, #tpu.memory_space<hbm>> -> memref<1x125x80xi32, #tpu.memory_space<hbm>>
      %dma_start3A_63 = tpu.memref_squeeze %dma_start3A_62 : memref<1x125x80xi32, #tpu.memory_space<hbm>> -> memref<125x80xi32, #tpu.memory_space<hbm>>
      tpu.enqueue_dma source(%dma_start3A_63 : memref<125x80xi32, #tpu.memory_space<hbm>>) target(%arg9 : memref<125x80xi32, #tpu.memory_space<vmem>>) target_semaphore(%run_scoped3A : memref<!tpu.dma_semaphore, #tpu.memory_space<semaphore_mem>>)
      %dma_wait3A_64 = arith.constant 0 : i32
      %dma_wait3A_65 = arith.constant 0 : i32
      %dma_wait3A_66 = tpu.memref_slice %arg4[%add3A, %dma_wait3A_64, %dma_wait3A_65] : memref<32x125x80xi32, #tpu.memory_space<hbm>> -> memref<1x125x80xi32, #tpu.memory_space<hbm>>
      %dma_wait3A_67 = tpu.memref_squeeze %dma_wait3A_66 : memref<1x125x80xi32, #tpu.memory_space<hbm>> -> memref<125x80xi32, #tpu.memory_space<hbm>>
      %dma_wait3A_68 = arith.constant 0 : i32
      %dma_wait3A_69 = arith.constant 0 : i32
      %dma_wait3A_70 = tpu.memref_slice %arg4[%add3A, %dma_wait3A_68, %dma_wait3A_69] : memref<32x125x80xi32, #tpu.memory_space<hbm>> -> memref<1x125x80xi32, #tpu.memory_space<hbm>>
      %dma_wait3A_71 = tpu.memref_squeeze %dma_wait3A_70 : memref<1x125x80xi32, #tpu.memory_space<hbm>> -> memref<125x80xi32, #tpu.memory_space<hbm>>
      tpu.wait_dma2 semaphore(%run_scoped3A : memref<!tpu.dma_semaphore, #tpu.memory_space<semaphore_mem>>) src(%dma_wait3A_71 : memref<125x80xi32, #tpu.memory_space<hbm>>) dst(%arg9 : memref<125x80xi32, #tpu.memory_space<vmem>>)
      tpu.yield
    }) : () -> ()
    %dma_start3A = arith.constant 0 : i32
    %dma_start3A_7 = tpu.memref_slice %arg8[%dma_start3A] : memref<10000xi32, #tpu.memory_space<vmem>> -> memref<80xi32, #tpu.memory_space<vmem>>
    %dma_start3A_8 = arith.constant 0 : i32
    %dma_start3A_9 = arith.constant 0 : i32
    %dma_start3A_10 = tpu.memref_slice %arg2[%dma_start3A_8, %dma_start3A_9] : memref<10000x128xf32, #tpu.memory_space<hbm>> -> memref<10000x128xf32, #tpu.memory_space<hbm>>
    tpu.enqueue_indirect_dma source(%dma_start3A_10 : memref<10000x128xf32, #tpu.memory_space<hbm>>) target(%arg10 : memref<80x128xf32, #tpu.memory_space<vmem>>) offsets(%dma_start3A_7 : memref<80xi32, #tpu.memory_space<vmem>>) semaphore(%arg12 : memref<!tpu.dma_semaphore, #tpu.memory_space<semaphore_mem>>)
    %scan3A = arith.constant 0 : i32
    %scan3A_11 = arith.constant 0 : i32
    %scan3A_12 = arith.constant 62 : i32
    %scan3A_13 = arith.addi %scan3A_11, %scan3A_12 : i32
    %scan3A_14 = arith.constant 1 : i32
    scf.for %scan3A_56 = %scan3A_11 to %scan3A_13 step %scan3A_14  : i32 {
      %mul3A_57 = arith.constant 2 : i32
      %mul3A_58 = arith.muli %mul3A_57, %scan3A_56 : i32
      %gt3A = arith.constant 0 : i32
      %gt3A_59 = arith.cmpi sgt, %scan3A_56, %gt3A : i32
      %convert_element_type3A_60 = arith.extui %gt3A_59 : i1 to i32
      %cond3A_61 = arith.constant 0 : i32
      %cond3A_62 = arith.cmpi ne, %convert_element_type3A_60, %cond3A_61 : i32
      scf.if %cond3A_62 {
        %sub3A = arith.constant 1 : i32
        %sub3A_109 = arith.subi %mul3A_58, %sub3A : i32
        %dma_wait3A_110 = arith.constant 0 : i32
        %dma_wait3A_111 = tpu.memref_slice %arg9[%sub3A_109, %dma_wait3A_110] : memref<125x80xi32, #tpu.memory_space<vmem>> -> memref<1x80xi32, #tpu.memory_space<vmem>>
        %dma_wait3A_112 = tpu.memref_squeeze %dma_wait3A_111 : memref<1x80xi32, #tpu.memory_space<vmem>> -> memref<80xi32, #tpu.memory_space<vmem>>
        %dma_wait3A_113 = arith.constant 0 : i32
        %dma_wait3A_114 = arith.constant 0 : i32
        %dma_wait3A_115 = tpu.memref_slice %arg7[%dma_wait3A_113, %dma_wait3A_114] : memref<10000x128xf32, #tpu.memory_space<vmem_shared>> -> memref<10000x128xf32, #tpu.memory_space<vmem_shared>>
        tpu.wait_indirect_dma semaphore(%arg15 : memref<!tpu.dma_semaphore, #tpu.memory_space<semaphore_mem>>) src(%arg11 : memref<80x128xf32, #tpu.memory_space<vmem>>) dst(%dma_wait3A_115 : memref<10000x128xf32, #tpu.memory_space<vmem_shared>>)
      } else {
      }
      %add3A_63 = arith.constant 1 : i32
      %add3A_64 = arith.addi %mul3A_58, %add3A_63 : i32
      %mul3A_65 = arith.constant 80 : i32
      %mul3A_66 = arith.muli %add3A_64, %mul3A_65 : i32
      %dma_start3A_67 = tpu.memref_slice %arg8[%mul3A_66] : memref<10000xi32, #tpu.memory_space<vmem>> -> memref<80xi32, #tpu.memory_space<vmem>>
      %dma_start3A_68 = arith.constant 0 : i32
      %dma_start3A_69 = arith.constant 0 : i32
      %dma_start3A_70 = tpu.memref_slice %arg2[%dma_start3A_68, %dma_start3A_69] : memref<10000x128xf32, #tpu.memory_space<hbm>> -> memref<10000x128xf32, #tpu.memory_space<hbm>>
      tpu.enqueue_indirect_dma source(%dma_start3A_70 : memref<10000x128xf32, #tpu.memory_space<hbm>>) target(%arg11 : memref<80x128xf32, #tpu.memory_space<vmem>>) offsets(%dma_start3A_67 : memref<80xi32, #tpu.memory_space<vmem>>) semaphore(%arg13 : memref<!tpu.dma_semaphore, #tpu.memory_space<semaphore_mem>>)
      %mul3A_71 = arith.constant 80 : i32
      %mul3A_72 = arith.muli %mul3A_58, %mul3A_71 : i32
      %dma_wait3A_73 = tpu.memref_slice %arg8[%mul3A_72] : memref<10000xi32, #tpu.memory_space<vmem>> -> memref<80xi32, #tpu.memory_space<vmem>>
      %dma_wait3A_74 = arith.constant 0 : i32
      %dma_wait3A_75 = arith.constant 0 : i32
      %dma_wait3A_76 = tpu.memref_slice %arg2[%dma_wait3A_74, %dma_wait3A_75] : memref<10000x128xf32, #tpu.memory_space<hbm>> -> memref<10000x128xf32, #tpu.memory_space<hbm>>
      tpu.wait_indirect_dma semaphore(%arg12 : memref<!tpu.dma_semaphore, #tpu.memory_space<semaphore_mem>>) src(%dma_wait3A_76 : memref<10000x128xf32, #tpu.memory_space<hbm>>) dst(%arg10 : memref<80x128xf32, #tpu.memory_space<vmem>>)
      %dma_start3A_77 = arith.constant 0 : i32
      %dma_start3A_78 = tpu.memref_slice %arg9[%mul3A_58, %dma_start3A_77] : memref<125x80xi32, #tpu.memory_space<vmem>> -> memref<1x80xi32, #tpu.memory_space<vmem>>
      %dma_start3A_79 = tpu.memref_squeeze %dma_start3A_78 : memref<1x80xi32, #tpu.memory_space<vmem>> -> memref<80xi32, #tpu.memory_space<vmem>>
      %dma_start3A_80 = arith.constant 0 : i32
      %dma_start3A_81 = arith.constant 0 : i32
      %dma_start3A_82 = tpu.memref_slice %arg7[%dma_start3A_80, %dma_start3A_81] : memref<10000x128xf32, #tpu.memory_space<vmem_shared>> -> memref<10000x128xf32, #tpu.memory_space<vmem_shared>>
      tpu.enqueue_indirect_dma source(%arg10 : memref<80x128xf32, #tpu.memory_space<vmem>>) target(%dma_start3A_82 : memref<10000x128xf32, #tpu.memory_space<vmem_shared>>) offsets(%dma_start3A_79 : memref<80xi32, #tpu.memory_space<vmem>>) semaphore(%arg14 : memref<!tpu.dma_semaphore, #tpu.memory_space<semaphore_mem>>) {add = true}
      %add3A_83 = arith.constant 1 : i32
      %add3A_84 = arith.addi %mul3A_58, %add3A_83 : i32
      %mul3A_85 = arith.constant 80 : i32
      %mul3A_86 = arith.muli %add3A_84, %mul3A_85 : i32
      %dma_wait3A_87 = tpu.memref_slice %arg8[%mul3A_86] : memref<10000xi32, #tpu.memory_space<vmem>> -> memref<80xi32, #tpu.memory_space<vmem>>
      %dma_wait3A_88 = arith.constant 0 : i32
      %dma_wait3A_89 = arith.constant 0 : i32
      %dma_wait3A_90 = tpu.memref_slice %arg2[%dma_wait3A_88, %dma_wait3A_89] : memref<10000x128xf32, #tpu.memory_space<hbm>> -> memref<10000x128xf32, #tpu.memory_space<hbm>>
      tpu.wait_indirect_dma semaphore(%arg13 : memref<!tpu.dma_semaphore, #tpu.memory_space<semaphore_mem>>) src(%dma_wait3A_90 : memref<10000x128xf32, #tpu.memory_space<hbm>>) dst(%arg11 : memref<80x128xf32, #tpu.memory_space<vmem>>)
      %add3A_91 = arith.constant 1 : i32
      %add3A_92 = arith.addi %mul3A_58, %add3A_91 : i32
      %dma_start3A_93 = arith.constant 0 : i32
      %dma_start3A_94 = tpu.memref_slice %arg9[%add3A_92, %dma_start3A_93] : memref<125x80xi32, #tpu.memory_space<vmem>> -> memref<1x80xi32, #tpu.memory_space<vmem>>
      %dma_start3A_95 = tpu.memref_squeeze %dma_start3A_94 : memref<1x80xi32, #tpu.memory_space<vmem>> -> memref<80xi32, #tpu.memory_space<vmem>>
      %dma_start3A_96 = arith.constant 0 : i32
      %dma_start3A_97 = arith.constant 0 : i32
      %dma_start3A_98 = tpu.memref_slice %arg7[%dma_start3A_96, %dma_start3A_97] : memref<10000x128xf32, #tpu.memory_space<vmem_shared>> -> memref<10000x128xf32, #tpu.memory_space<vmem_shared>>
      tpu.enqueue_indirect_dma source(%arg11 : memref<80x128xf32, #tpu.memory_space<vmem>>) target(%dma_start3A_98 : memref<10000x128xf32, #tpu.memory_space<vmem_shared>>) offsets(%dma_start3A_95 : memref<80xi32, #tpu.memory_space<vmem>>) semaphore(%arg15 : memref<!tpu.dma_semaphore, #tpu.memory_space<semaphore_mem>>) {add = true}
      %dma_wait3A_99 = arith.constant 0 : i32
      %dma_wait3A_100 = tpu.memref_slice %arg9[%mul3A_58, %dma_wait3A_99] : memref<125x80xi32, #tpu.memory_space<vmem>> -> memref<1x80xi32, #tpu.memory_space<vmem>>
      %dma_wait3A_101 = tpu.memref_squeeze %dma_wait3A_100 : memref<1x80xi32, #tpu.memory_space<vmem>> -> memref<80xi32, #tpu.memory_space<vmem>>
      %dma_wait3A_102 = arith.constant 0 : i32
      %dma_wait3A_103 = arith.constant 0 : i32
      %dma_wait3A_104 = tpu.memref_slice %arg7[%dma_wait3A_102, %dma_wait3A_103] : memref<10000x128xf32, #tpu.memory_space<vmem_shared>> -> memref<10000x128xf32, #tpu.memory_space<vmem_shared>>
      tpu.wait_indirect_dma semaphore(%arg14 : memref<!tpu.dma_semaphore, #tpu.memory_space<semaphore_mem>>) src(%arg10 : memref<80x128xf32, #tpu.memory_space<vmem>>) dst(%dma_wait3A_104 : memref<10000x128xf32, #tpu.memory_space<vmem_shared>>)
      %lt3A = arith.constant 61 : i32
      %lt3A_105 = arith.cmpi slt, %scan3A_56, %lt3A : i32
      %convert_element_type3A_106 = arith.extui %lt3A_105 : i1 to i32
      %cond3A_107 = arith.constant 0 : i32
      %cond3A_108 = arith.cmpi ne, %convert_element_type3A_106, %cond3A_107 : i32
      scf.if %cond3A_108 {
        %add3A_109 = arith.constant 2 : i32
        %add3A_110 = arith.addi %mul3A_58, %add3A_109 : i32
        %mul3A_111 = arith.constant 80 : i32
        %mul3A_112 = arith.muli %add3A_110, %mul3A_111 : i32
        %dma_start3A_113 = tpu.memref_slice %arg8[%mul3A_112] : memref<10000xi32, #tpu.memory_space<vmem>> -> memref<80xi32, #tpu.memory_space<vmem>>
        %dma_start3A_114 = arith.constant 0 : i32
        %dma_start3A_115 = arith.constant 0 : i32
        %dma_start3A_116 = tpu.memref_slice %arg2[%dma_start3A_114, %dma_start3A_115] : memref<10000x128xf32, #tpu.memory_space<hbm>> -> memref<10000x128xf32, #tpu.memory_space<hbm>>
        tpu.enqueue_indirect_dma source(%dma_start3A_116 : memref<10000x128xf32, #tpu.memory_space<hbm>>) target(%arg10 : memref<80x128xf32, #tpu.memory_space<vmem>>) offsets(%dma_start3A_113 : memref<80xi32, #tpu.memory_space<vmem>>) semaphore(%arg12 : memref<!tpu.dma_semaphore, #tpu.memory_space<semaphore_mem>>)
      } else {
      }
    }
    %scan3A_15 = arith.constant 62 : i32
    %dma_start3A_16 = arith.constant 9920 : i32
    %dma_start3A_17 = tpu.memref_slice %arg8[%dma_start3A_16] : memref<10000xi32, #tpu.memory_space<vmem>> -> memref<80xi32, #tpu.memory_space<vmem>>
    %dma_start3A_18 = arith.constant 0 : i32
    %dma_start3A_19 = arith.constant 0 : i32
    %dma_start3A_20 = tpu.memref_slice %arg2[%dma_start3A_18, %dma_start3A_19] : memref<10000x128xf32, #tpu.memory_space<hbm>> -> memref<10000x128xf32, #tpu.memory_space<hbm>>
    tpu.enqueue_indirect_dma source(%dma_start3A_20 : memref<10000x128xf32, #tpu.memory_space<hbm>>) target(%arg10 : memref<80x128xf32, #tpu.memory_space<vmem>>) offsets(%dma_start3A_17 : memref<80xi32, #tpu.memory_space<vmem>>) semaphore(%arg12 : memref<!tpu.dma_semaphore, #tpu.memory_space<semaphore_mem>>)
    %dma_wait3A = arith.constant 123 : i32
    %dma_wait3A_21 = arith.constant 0 : i32
    %dma_wait3A_22 = tpu.memref_slice %arg9[%dma_wait3A, %dma_wait3A_21] : memref<125x80xi32, #tpu.memory_space<vmem>> -> memref<1x80xi32, #tpu.memory_space<vmem>>
    %dma_wait3A_23 = tpu.memref_squeeze %dma_wait3A_22 : memref<1x80xi32, #tpu.memory_space<vmem>> -> memref<80xi32, #tpu.memory_space<vmem>>
    %dma_wait3A_24 = arith.constant 0 : i32
    %dma_wait3A_25 = arith.constant 0 : i32
    %dma_wait3A_26 = tpu.memref_slice %arg7[%dma_wait3A_24, %dma_wait3A_25] : memref<10000x128xf32, #tpu.memory_space<vmem_shared>> -> memref<10000x128xf32, #tpu.memory_space<vmem_shared>>
    tpu.wait_indirect_dma semaphore(%arg15 : memref<!tpu.dma_semaphore, #tpu.memory_space<semaphore_mem>>) src(%arg11 : memref<80x128xf32, #tpu.memory_space<vmem>>) dst(%dma_wait3A_26 : memref<10000x128xf32, #tpu.memory_space<vmem_shared>>)
    %dma_wait3A_27 = arith.constant 9920 : i32
    %dma_wait3A_28 = tpu.memref_slice %arg8[%dma_wait3A_27] : memref<10000xi32, #tpu.memory_space<vmem>> -> memref<80xi32, #tpu.memory_space<vmem>>
    %dma_wait3A_29 = arith.constant 0 : i32
    %dma_wait3A_30 = arith.constant 0 : i32
    %dma_wait3A_31 = tpu.memref_slice %arg2[%dma_wait3A_29, %dma_wait3A_30] : memref<10000x128xf32, #tpu.memory_space<hbm>> -> memref<10000x128xf32, #tpu.memory_space<hbm>>
    tpu.wait_indirect_dma semaphore(%arg12 : memref<!tpu.dma_semaphore, #tpu.memory_space<semaphore_mem>>) src(%dma_wait3A_31 : memref<10000x128xf32, #tpu.memory_space<hbm>>) dst(%arg10 : memref<80x128xf32, #tpu.memory_space<vmem>>)
    %dma_start3A_32 = arith.constant 124 : i32
    %dma_start3A_33 = arith.constant 0 : i32
    %dma_start3A_34 = tpu.memref_slice %arg9[%dma_start3A_32, %dma_start3A_33] : memref<125x80xi32, #tpu.memory_space<vmem>> -> memref<1x80xi32, #tpu.memory_space<vmem>>
    %dma_start3A_35 = tpu.memref_squeeze %dma_start3A_34 : memref<1x80xi32, #tpu.memory_space<vmem>> -> memref<80xi32, #tpu.memory_space<vmem>>
    %dma_start3A_36 = arith.constant 0 : i32
    %dma_start3A_37 = arith.constant 0 : i32
    %dma_start3A_38 = tpu.memref_slice %arg7[%dma_start3A_36, %dma_start3A_37] : memref<10000x128xf32, #tpu.memory_space<vmem_shared>> -> memref<10000x128xf32, #tpu.memory_space<vmem_shared>>
    tpu.enqueue_indirect_dma source(%arg10 : memref<80x128xf32, #tpu.memory_space<vmem>>) target(%dma_start3A_38 : memref<10000x128xf32, #tpu.memory_space<vmem_shared>>) offsets(%dma_start3A_35 : memref<80xi32, #tpu.memory_space<vmem>>) semaphore(%arg14 : memref<!tpu.dma_semaphore, #tpu.memory_space<semaphore_mem>>) {add = true}
    %dma_wait3A_39 = arith.constant 124 : i32
    %dma_wait3A_40 = arith.constant 0 : i32
    %dma_wait3A_41 = tpu.memref_slice %arg9[%dma_wait3A_39, %dma_wait3A_40] : memref<125x80xi32, #tpu.memory_space<vmem>> -> memref<1x80xi32, #tpu.memory_space<vmem>>
    %dma_wait3A_42 = tpu.memref_squeeze %dma_wait3A_41 : memref<1x80xi32, #tpu.memory_space<vmem>> -> memref<80xi32, #tpu.memory_space<vmem>>
    %dma_wait3A_43 = arith.constant 0 : i32
    %dma_wait3A_44 = arith.constant 0 : i32
    %dma_wait3A_45 = tpu.memref_slice %arg7[%dma_wait3A_43, %dma_wait3A_44] : memref<10000x128xf32, #tpu.memory_space<vmem_shared>> -> memref<10000x128xf32, #tpu.memory_space<vmem_shared>>
    tpu.wait_indirect_dma semaphore(%arg14 : memref<!tpu.dma_semaphore, #tpu.memory_space<semaphore_mem>>) src(%arg10 : memref<80x128xf32, #tpu.memory_space<vmem>>) dst(%dma_wait3A_45 : memref<10000x128xf32, #tpu.memory_space<vmem_shared>>)
    %barrier3A_46 = arith.constant 0 : index
    tpu.barrier barrier_id(%barrier3A_46)
    %mul3A_47 = arith.constant 624 : i32
    %mul3A_48 = arith.muli %arg1, %mul3A_47 : i32
    %mul3A_49 = arith.constant 624 : i32
    %mul3A_50 = arith.muli %arg1, %mul3A_49 : i32
    "tpu.region"() ({
      %run_scoped3A = tpu.sem_alloc : memref<!tpu.dma_semaphore, #tpu.memory_space<semaphore_mem>>
      %dma_start3A_56 = arith.constant 0 : i32
      %dma_start3A_57 = arith.constant 0 : i32
      %dma_start3A_58 = tpu.memref_slice %arg6[%arg0, %dma_start3A_56, %dma_start3A_57] : memref<2x10000x128xf32, #tpu.memory_space<hbm>> -> memref<1x10000x128xf32, #tpu.memory_space<hbm>>
      %dma_start3A_59 = tpu.memref_squeeze %dma_start3A_58 : memref<1x10000x128xf32, #tpu.memory_space<hbm>> -> memref<10000x128xf32, #tpu.memory_space<hbm>>
      %dma_start3A_60 = arith.constant 0 : i32
      %dma_start3A_61 = tpu.memref_slice %dma_start3A_59[%mul3A_50, %dma_start3A_60] : memref<10000x128xf32, #tpu.memory_space<hbm>> -> memref<624x128xf32, #tpu.memory_space<hbm>>
      %dma_start3A_62 = arith.constant 0 : i32
      %dma_start3A_63 = tpu.memref_slice %arg7[%mul3A_48, %dma_start3A_62] : memref<10000x128xf32, #tpu.memory_space<vmem_shared>> -> memref<624x128xf32, #tpu.memory_space<vmem_shared>>
      tpu.enqueue_dma source(%dma_start3A_63 : memref<624x128xf32, #tpu.memory_space<vmem_shared>>) target(%dma_start3A_61 : memref<624x128xf32, #tpu.memory_space<hbm>>) target_semaphore(%run_scoped3A : memref<!tpu.dma_semaphore, #tpu.memory_space<semaphore_mem>>)
      %dma_wait3A_64 = arith.constant 0 : i32
      %dma_wait3A_65 = arith.constant 0 : i32
      %dma_wait3A_66 = tpu.memref_slice %arg6[%arg0, %dma_wait3A_64, %dma_wait3A_65] : memref<2x10000x128xf32, #tpu.memory_space<hbm>> -> memref<1x10000x128xf32, #tpu.memory_space<hbm>>
      %dma_wait3A_67 = tpu.memref_squeeze %dma_wait3A_66 : memref<1x10000x128xf32, #tpu.memory_space<hbm>> -> memref<10000x128xf32, #tpu.memory_space<hbm>>
      %dma_wait3A_68 = arith.constant 0 : i32
      %dma_wait3A_69 = tpu.memref_slice %dma_wait3A_67[%mul3A_50, %dma_wait3A_68] : memref<10000x128xf32, #tpu.memory_space<hbm>> -> memref<624x128xf32, #tpu.memory_space<hbm>>
      %dma_wait3A_70 = arith.constant 0 : i32
      %dma_wait3A_71 = tpu.memref_slice %arg7[%mul3A_48, %dma_wait3A_70] : memref<10000x128xf32, #tpu.memory_space<vmem_shared>> -> memref<624x128xf32, #tpu.memory_space<vmem_shared>>
      tpu.wait_dma2 semaphore(%run_scoped3A : memref<!tpu.dma_semaphore, #tpu.memory_space<semaphore_mem>>) src(%dma_wait3A_71 : memref<624x128xf32, #tpu.memory_space<vmem_shared>>) dst(%dma_wait3A_69 : memref<624x128xf32, #tpu.memory_space<hbm>>)
      tpu.yield
    }) : () -> ()
    %eq3A_51 = arith.constant 15 : i32
    %eq3A_52 = arith.cmpi eq, %arg1, %eq3A_51 : i32
    %convert_element_type3A_53 = arith.extui %eq3A_52 : i1 to i32
    %cond3A_54 = arith.constant 0 : i32
    %cond3A_55 = arith.cmpi ne, %convert_element_type3A_53, %cond3A_54 : i32
    scf.if %cond3A_55 {
      "tpu.region"() ({
        %run_scoped3A = tpu.sem_alloc : memref<!tpu.dma_semaphore, #tpu.memory_space<semaphore_mem>>
        %dma_start3A_56 = arith.constant 0 : i32
        %dma_start3A_57 = arith.constant 0 : i32
        %dma_start3A_58 = tpu.memref_slice %arg6[%arg0, %dma_start3A_56, %dma_start3A_57] : memref<2x10000x128xf32, #tpu.memory_space<hbm>> -> memref<1x10000x128xf32, #tpu.memory_space<hbm>>
        %dma_start3A_59 = tpu.memref_squeeze %dma_start3A_58 : memref<1x10000x128xf32, #tpu.memory_space<hbm>> -> memref<10000x128xf32, #tpu.memory_space<hbm>>
        %dma_start3A_60 = arith.constant 9984 : i32
        %dma_start3A_61 = arith.constant 0 : i32
        %dma_start3A_62 = tpu.memref_slice %dma_start3A_59[%dma_start3A_60, %dma_start3A_61] : memref<10000x128xf32, #tpu.memory_space<hbm>> -> memref<16x128xf32, #tpu.memory_space<hbm>>
        %dma_start3A_63 = arith.constant 9984 : i32
        %dma_start3A_64 = arith.constant 0 : i32
        %dma_start3A_65 = tpu.memref_slice %arg7[%dma_start3A_63, %dma_start3A_64] : memref<10000x128xf32, #tpu.memory_space<vmem_shared>> -> memref<16x128xf32, #tpu.memory_space<vmem_shared>>
        tpu.enqueue_dma source(%dma_start3A_65 : memref<16x128xf32, #tpu.memory_space<vmem_shared>>) target(%dma_start3A_62 : memref<16x128xf32, #tpu.memory_space<hbm>>) target_semaphore(%run_scoped3A : memref<!tpu.dma_semaphore, #tpu.memory_space<semaphore_mem>>)
        %dma_wait3A_66 = arith.constant 0 : i32
        %dma_wait3A_67 = arith.constant 0 : i32
        %dma_wait3A_68 = tpu.memref_slice %arg6[%arg0, %dma_wait3A_66, %dma_wait3A_67] : memref<2x10000x128xf32, #tpu.memory_space<hbm>> -> memref<1x10000x128xf32, #tpu.memory_space<hbm>>
        %dma_wait3A_69 = tpu.memref_squeeze %dma_wait3A_68 : memref<1x10000x128xf32, #tpu.memory_space<hbm>> -> memref<10000x128xf32, #tpu.memory_space<hbm>>
        %dma_wait3A_70 = arith.constant 9984 : i32
        %dma_wait3A_71 = arith.constant 0 : i32
        %dma_wait3A_72 = tpu.memref_slice %dma_wait3A_69[%dma_wait3A_70, %dma_wait3A_71] : memref<10000x128xf32, #tpu.memory_space<hbm>> -> memref<16x128xf32, #tpu.memory_space<hbm>>
        %dma_wait3A_73 = arith.constant 9984 : i32
        %dma_wait3A_74 = arith.constant 0 : i32
        %dma_wait3A_75 = tpu.memref_slice %arg7[%dma_wait3A_73, %dma_wait3A_74] : memref<10000x128xf32, #tpu.memory_space<vmem_shared>> -> memref<16x128xf32, #tpu.memory_space<vmem_shared>>
        tpu.wait_dma2 semaphore(%run_scoped3A : memref<!tpu.dma_semaphore, #tpu.memory_space<semaphore_mem>>) src(%dma_wait3A_75 : memref<16x128xf32, #tpu.memory_space<vmem_shared>>) dst(%dma_wait3A_72 : memref<16x128xf32, #tpu.memory_space<hbm>>)
        tpu.yield
      }) : () -> ()
    } else {
    }
    return
  }
}

#map = affine_map<(d0, d1) -> (0, 0)>
#map1 = affine_map<(d0, d1) -> (0, 0, 0)>
module attributes {stable_mosaic.version = 14 : i64} {
  func.func @agg(%arg0: i32, %arg1: i32, %arg2: memref<10000x128xf32, #tpu.memory_space<hbm>>, %arg3: memref<32x10000xi32, #tpu.memory_space<hbm>>, %arg4: memref<32x125x80xi32, #tpu.memory_space<hbm>>, %arg5: memref<10000x128xf32, #tpu.memory_space<hbm>>, %arg6: memref<2x10000x128xf32, #tpu.memory_space<hbm>>, %arg7: memref<10000x128xf32, #tpu.memory_space<vmem_shared>>, %arg8: memref<10000xi32, #tpu.memory_space<vmem>>, %arg9: memref<125x80xi32, #tpu.memory_space<vmem>>, %arg10: memref<80x128xf32, #tpu.memory_space<vmem>>, %arg11: memref<80x128xf32, #tpu.memory_space<vmem>>, %arg12: memref<!tpu.dma_semaphore, #tpu.memory_space<semaphore_mem>>, %arg13: memref<!tpu.dma_semaphore, #tpu.memory_space<semaphore_mem>>, %arg14: memref<!tpu.dma_semaphore, #tpu.memory_space<semaphore_mem>>, %arg15: memref<!tpu.dma_semaphore, #tpu.memory_space<semaphore_mem>>) attributes {dimension_semantics = [#tpu.dimension_semantics<core_parallel>, #tpu.dimension_semantics<subcore_parallel>], iteration_bounds = array<i64: 2, 16>, scalar_prefetch = 0 : i64, scratch_operands = 9 : i64, tpu.core_type = #tpu.core_type<sc_vector_subcore>, window_params = [{transform_indices = #map}, {transform_indices = #map}, {transform_indices = #map1}, {transform_indices = #map}, {transform_indices = #map1}]} {
    %mul3A = arith.constant 16 : i32
    %mul3A_0 = arith.muli %arg0, %mul3A : i32
    %add3A = arith.addi %mul3A_0, %arg1 : i32
    %mul3A_1 = arith.constant 624 : i32
    %mul3A_2 = arith.muli %arg1, %mul3A_1 : i32
    %mul3A_3 = arith.constant 624 : i32
    %mul3A_4 = arith.muli %arg1, %mul3A_3 : i32
    "tpu.region"() ({
      %run_scoped3A = tpu.sem_alloc : memref<!tpu.dma_semaphore, #tpu.memory_space<semaphore_mem>>
      %dma_start3A_56 = arith.constant 0 : i32
      %dma_start3A_57 = tpu.memref_slice %arg7[%mul3A_4, %dma_start3A_56] : memref<10000x128xf32, #tpu.memory_space<vmem_shared>> -> memref<624x128xf32, #tpu.memory_space<vmem_shared>>
      %dma_start3A_58 = arith.constant 0 : i32
      %dma_start3A_59 = tpu.memref_slice %arg5[%mul3A_2, %dma_start3A_58] : memref<10000x128xf32, #tpu.memory_space<hbm>> -> memref<624x128xf32, #tpu.memory_space<hbm>>
      tpu.enqueue_dma source(%dma_start3A_59 : memref<624x128xf32, #tpu.memory_space<hbm>>) target(%dma_start3A_57 : memref<624x128xf32, #tpu.memory_space<vmem_shared>>) target_semaphore(%run_scoped3A : memref<!tpu.dma_semaphore, #tpu.memory_space<semaphore_mem>>)
      %dma_wait3A_60 = arith.constant 0 : i32
      %dma_wait3A_61 = tpu.memref_slice %arg7[%mul3A_4, %dma_wait3A_60] : memref<10000x128xf32, #tpu.memory_space<vmem_shared>> -> memref<624x128xf32, #tpu.memory_space<vmem_shared>>
      %dma_wait3A_62 = arith.constant 0 : i32
      %dma_wait3A_63 = tpu.memref_slice %arg5[%mul3A_2, %dma_wait3A_62] : memref<10000x128xf32, #tpu.memory_space<hbm>> -> memref<624x128xf32, #tpu.memory_space<hbm>>
      tpu.wait_dma2 semaphore(%run_scoped3A : memref<!tpu.dma_semaphore, #tpu.memory_space<semaphore_mem>>) src(%dma_wait3A_63 : memref<624x128xf32, #tpu.memory_space<hbm>>) dst(%dma_wait3A_61 : memref<624x128xf32, #tpu.memory_space<vmem_shared>>)
      tpu.yield
    }) : () -> ()
    %eq3A = arith.constant 15 : i32
    %eq3A_5 = arith.cmpi eq, %arg1, %eq3A : i32
    %convert_element_type3A = arith.extui %eq3A_5 : i1 to i32
    %cond3A = arith.constant 0 : i32
    %cond3A_6 = arith.cmpi ne, %convert_element_type3A, %cond3A : i32
    scf.if %cond3A_6 {
      "tpu.region"() ({
        %run_scoped3A = tpu.sem_alloc : memref<!tpu.dma_semaphore, #tpu.memory_space<semaphore_mem>>
        %dma_start3A_56 = arith.constant 9984 : i32
        %dma_start3A_57 = arith.constant 0 : i32
        %dma_start3A_58 = tpu.memref_slice %arg7[%dma_start3A_56, %dma_start3A_57] : memref<10000x128xf32, #tpu.memory_space<vmem_shared>> -> memref<16x128xf32, #tpu.memory_space<vmem_shared>>
        %dma_start3A_59 = arith.constant 9984 : i32
        %dma_start3A_60 = arith.constant 0 : i32
        %dma_start3A_61 = tpu.memref_slice %arg5[%dma_start3A_59, %dma_start3A_60] : memref<10000x128xf32, #tpu.memory_space<hbm>> -> memref<16x128xf32, #tpu.memory_space<hbm>>
        tpu.enqueue_dma source(%dma_start3A_61 : memref<16x128xf32, #tpu.memory_space<hbm>>) target(%dma_start3A_58 : memref<16x128xf32, #tpu.memory_space<vmem_shared>>) target_semaphore(%run_scoped3A : memref<!tpu.dma_semaphore, #tpu.memory_space<semaphore_mem>>)
        %dma_wait3A_62 = arith.constant 9984 : i32
        %dma_wait3A_63 = arith.constant 0 : i32
        %dma_wait3A_64 = tpu.memref_slice %arg7[%dma_wait3A_62, %dma_wait3A_63] : memref<10000x128xf32, #tpu.memory_space<vmem_shared>> -> memref<16x128xf32, #tpu.memory_space<vmem_shared>>
        %dma_wait3A_65 = arith.constant 9984 : i32
        %dma_wait3A_66 = arith.constant 0 : i32
        %dma_wait3A_67 = tpu.memref_slice %arg5[%dma_wait3A_65, %dma_wait3A_66] : memref<10000x128xf32, #tpu.memory_space<hbm>> -> memref<16x128xf32, #tpu.memory_space<hbm>>
        tpu.wait_dma2 semaphore(%run_scoped3A : memref<!tpu.dma_semaphore, #tpu.memory_space<semaphore_mem>>) src(%dma_wait3A_67 : memref<16x128xf32, #tpu.memory_space<hbm>>) dst(%dma_wait3A_64 : memref<16x128xf32, #tpu.memory_space<vmem_shared>>)
        tpu.yield
      }) : () -> ()
    } else {
    }
    %barrier3A = arith.constant 0 : index
    tpu.barrier barrier_id(%barrier3A)
    "tpu.region"() ({
      %run_scoped3A = tpu.sem_alloc : memref<!tpu.dma_semaphore, #tpu.memory_space<semaphore_mem>>
      %dma_start3A_56 = arith.constant 0 : i32
      %dma_start3A_57 = tpu.memref_slice %arg3[%add3A, %dma_start3A_56] : memref<32x10000xi32, #tpu.memory_space<hbm>> -> memref<1x10000xi32, #tpu.memory_space<hbm>>
      %dma_start3A_58 = tpu.memref_squeeze %dma_start3A_57 : memref<1x10000xi32, #tpu.memory_space<hbm>> -> memref<10000xi32, #tpu.memory_space<hbm>>
      %dma_start3A_59 = arith.constant 0 : i32
      %dma_start3A_60 = tpu.memref_slice %arg3[%add3A, %dma_start3A_59] : memref<32x10000xi32, #tpu.memory_space<hbm>> -> memref<1x10000xi32, #tpu.memory_space<hbm>>
      %dma_start3A_61 = tpu.memref_squeeze %dma_start3A_60 : memref<1x10000xi32, #tpu.memory_space<hbm>> -> memref<10000xi32, #tpu.memory_space<hbm>>
      tpu.enqueue_dma source(%dma_start3A_61 : memref<10000xi32, #tpu.memory_space<hbm>>) target(%arg8 : memref<10000xi32, #tpu.memory_space<vmem>>) target_semaphore(%run_scoped3A : memref<!tpu.dma_semaphore, #tpu.memory_space<semaphore_mem>>)
      %dma_wait3A_62 = arith.constant 0 : i32
      %dma_wait3A_63 = tpu.memref_slice %arg3[%add3A, %dma_wait3A_62] : memref<32x10000xi32, #tpu.memory_space<hbm>> -> memref<1x10000xi32, #tpu.memory_space<hbm>>
      %dma_wait3A_64 = tpu.memref_squeeze %dma_wait3A_63 : memref<1x10000xi32, #tpu.memory_space<hbm>> -> memref<10000xi32, #tpu.memory_space<hbm>>
      %dma_wait3A_65 = arith.constant 0 : i32
      %dma_wait3A_66 = tpu.memref_slice %arg3[%add3A, %dma_wait3A_65] : memref<32x10000xi32, #tpu.memory_space<hbm>> -> memref<1x10000xi32, #tpu.memory_space<hbm>>
      %dma_wait3A_67 = tpu.memref_squeeze %dma_wait3A_66 : memref<1x10000xi32, #tpu.memory_space<hbm>> -> memref<10000xi32, #tpu.memory_space<hbm>>
      tpu.wait_dma2 semaphore(%run_scoped3A : memref<!tpu.dma_semaphore, #tpu.memory_space<semaphore_mem>>) src(%dma_wait3A_67 : memref<10000xi32, #tpu.memory_space<hbm>>) dst(%arg8 : memref<10000xi32, #tpu.memory_space<vmem>>)
      tpu.yield
    }) : () -> ()
    "tpu.region"() ({
      %run_scoped3A = tpu.sem_alloc : memref<!tpu.dma_semaphore, #tpu.memory_space<semaphore_mem>>
      %dma_start3A_56 = arith.constant 0 : i32
      %dma_start3A_57 = arith.constant 0 : i32
      %dma_start3A_58 = tpu.memref_slice %arg4[%add3A, %dma_start3A_56, %dma_start3A_57] : memref<32x125x80xi32, #tpu.memory_space<hbm>> -> memref<1x125x80xi32, #tpu.memory_space<hbm>>
      %dma_start3A_59 = tpu.memref_squeeze %dma_start3A_58 : memref<1x125x80xi32, #tpu.memory_space<hbm>> -> memref<125x80xi32, #tpu.memory_space<hbm>>
      %dma_start3A_60 = arith.constant 0 : i32
      %dma_start3A_61 = arith.constant 0 : i32
      %dma_start3A_62 = tpu.memref_slice %arg4[%add3A, %dma_start3A_60, %dma_start3A_61] : memref<32x125x80xi32, #tpu.memory_space<hbm>> -> memref<1x125x80xi32, #tpu.memory_space<hbm>>
      %dma_start3A_63 = tpu.memref_squeeze %dma_start3A_62 : memref<1x125x80xi32, #tpu.memory_space<hbm>> -> memref<125x80xi32, #tpu.memory_space<hbm>>
      tpu.enqueue_dma source(%dma_start3A_63 : memref<125x80xi32, #tpu.memory_space<hbm>>) target(%arg9 : memref<125x80xi32, #tpu.memory_space<vmem>>) target_semaphore(%run_scoped3A : memref<!tpu.dma_semaphore, #tpu.memory_space<semaphore_mem>>)
      %dma_wait3A_64 = arith.constant 0 : i32
      %dma_wait3A_65 = arith.constant 0 : i32
      %dma_wait3A_66 = tpu.memref_slice %arg4[%add3A, %dma_wait3A_64, %dma_wait3A_65] : memref<32x125x80xi32, #tpu.memory_space<hbm>> -> memref<1x125x80xi32, #tpu.memory_space<hbm>>
      %dma_wait3A_67 = tpu.memref_squeeze %dma_wait3A_66 : memref<1x125x80xi32, #tpu.memory_space<hbm>> -> memref<125x80xi32, #tpu.memory_space<hbm>>
      %dma_wait3A_68 = arith.constant 0 : i32
      %dma_wait3A_69 = arith.constant 0 : i32
      %dma_wait3A_70 = tpu.memref_slice %arg4[%add3A, %dma_wait3A_68, %dma_wait3A_69] : memref<32x125x80xi32, #tpu.memory_space<hbm>> -> memref<1x125x80xi32, #tpu.memory_space<hbm>>
      %dma_wait3A_71 = tpu.memref_squeeze %dma_wait3A_70 : memref<1x125x80xi32, #tpu.memory_space<hbm>> -> memref<125x80xi32, #tpu.memory_space<hbm>>
      tpu.wait_dma2 semaphore(%run_scoped3A : memref<!tpu.dma_semaphore, #tpu.memory_space<semaphore_mem>>) src(%dma_wait3A_71 : memref<125x80xi32, #tpu.memory_space<hbm>>) dst(%arg9 : memref<125x80xi32, #tpu.memory_space<vmem>>)
      tpu.yield
    }) : () -> ()
    %dma_start3A = arith.constant 0 : i32
    %dma_start3A_7 = tpu.memref_slice %arg8[%dma_start3A] : memref<10000xi32, #tpu.memory_space<vmem>> -> memref<80xi32, #tpu.memory_space<vmem>>
    %dma_start3A_8 = arith.constant 0 : i32
    %dma_start3A_9 = arith.constant 0 : i32
    %dma_start3A_10 = tpu.memref_slice %arg2[%dma_start3A_8, %dma_start3A_9] : memref<10000x128xf32, #tpu.memory_space<hbm>> -> memref<10000x128xf32, #tpu.memory_space<hbm>>
    tpu.enqueue_indirect_dma source(%dma_start3A_10 : memref<10000x128xf32, #tpu.memory_space<hbm>>) target(%arg10 : memref<80x128xf32, #tpu.memory_space<vmem>>) offsets(%dma_start3A_7 : memref<80xi32, #tpu.memory_space<vmem>>) semaphore(%arg12 : memref<!tpu.dma_semaphore, #tpu.memory_space<semaphore_mem>>)
    %scan3A = arith.constant 0 : i32
    %scan3A_11 = arith.constant 0 : i32
    %scan3A_12 = arith.constant 62 : i32
    %scan3A_13 = arith.addi %scan3A_11, %scan3A_12 : i32
    %scan3A_14 = arith.constant 1 : i32
    scf.for %scan3A_56 = %scan3A_11 to %scan3A_13 step %scan3A_14  : i32 {
      %mul3A_57 = arith.constant 2 : i32
      %mul3A_58 = arith.muli %mul3A_57, %scan3A_56 : i32
      %gt3A = arith.constant 0 : i32
      %gt3A_59 = arith.cmpi sgt, %scan3A_56, %gt3A : i32
      %convert_element_type3A_60 = arith.extui %gt3A_59 : i1 to i32
      %cond3A_61 = arith.constant 0 : i32
      %cond3A_62 = arith.cmpi ne, %convert_element_type3A_60, %cond3A_61 : i32
      scf.if %cond3A_62 {
        %sub3A = arith.constant 1 : i32
        %sub3A_109 = arith.subi %mul3A_58, %sub3A : i32
        %dma_wait3A_110 = arith.constant 0 : i32
        %dma_wait3A_111 = tpu.memref_slice %arg9[%sub3A_109, %dma_wait3A_110] : memref<125x80xi32, #tpu.memory_space<vmem>> -> memref<1x80xi32, #tpu.memory_space<vmem>>
        %dma_wait3A_112 = tpu.memref_squeeze %dma_wait3A_111 : memref<1x80xi32, #tpu.memory_space<vmem>> -> memref<80xi32, #tpu.memory_space<vmem>>
        %dma_wait3A_113 = arith.constant 0 : i32
        %dma_wait3A_114 = arith.constant 0 : i32
        %dma_wait3A_115 = tpu.memref_slice %arg7[%dma_wait3A_113, %dma_wait3A_114] : memref<10000x128xf32, #tpu.memory_space<vmem_shared>> -> memref<10000x128xf32, #tpu.memory_space<vmem_shared>>
        tpu.wait_indirect_dma semaphore(%arg15 : memref<!tpu.dma_semaphore, #tpu.memory_space<semaphore_mem>>) src(%arg11 : memref<80x128xf32, #tpu.memory_space<vmem>>) dst(%dma_wait3A_115 : memref<10000x128xf32, #tpu.memory_space<vmem_shared>>)
      } else {
      }
      %add3A_63 = arith.constant 1 : i32
      %add3A_64 = arith.addi %mul3A_58, %add3A_63 : i32
      %mul3A_65 = arith.constant 80 : i32
      %mul3A_66 = arith.muli %add3A_64, %mul3A_65 : i32
      %dma_start3A_67 = tpu.memref_slice %arg8[%mul3A_66] : memref<10000xi32, #tpu.memory_space<vmem>> -> memref<80xi32, #tpu.memory_space<vmem>>
      %dma_start3A_68 = arith.constant 0 : i32
      %dma_start3A_69 = arith.constant 0 : i32
      %dma_start3A_70 = tpu.memref_slice %arg2[%dma_start3A_68, %dma_start3A_69] : memref<10000x128xf32, #tpu.memory_space<hbm>> -> memref<10000x128xf32, #tpu.memory_space<hbm>>
      tpu.enqueue_indirect_dma source(%dma_start3A_70 : memref<10000x128xf32, #tpu.memory_space<hbm>>) target(%arg11 : memref<80x128xf32, #tpu.memory_space<vmem>>) offsets(%dma_start3A_67 : memref<80xi32, #tpu.memory_space<vmem>>) semaphore(%arg13 : memref<!tpu.dma_semaphore, #tpu.memory_space<semaphore_mem>>)
      %mul3A_71 = arith.constant 80 : i32
      %mul3A_72 = arith.muli %mul3A_58, %mul3A_71 : i32
      %dma_wait3A_73 = tpu.memref_slice %arg8[%mul3A_72] : memref<10000xi32, #tpu.memory_space<vmem>> -> memref<80xi32, #tpu.memory_space<vmem>>
      %dma_wait3A_74 = arith.constant 0 : i32
      %dma_wait3A_75 = arith.constant 0 : i32
      %dma_wait3A_76 = tpu.memref_slice %arg2[%dma_wait3A_74, %dma_wait3A_75] : memref<10000x128xf32, #tpu.memory_space<hbm>> -> memref<10000x128xf32, #tpu.memory_space<hbm>>
      tpu.wait_indirect_dma semaphore(%arg12 : memref<!tpu.dma_semaphore, #tpu.memory_space<semaphore_mem>>) src(%dma_wait3A_76 : memref<10000x128xf32, #tpu.memory_space<hbm>>) dst(%arg10 : memref<80x128xf32, #tpu.memory_space<vmem>>)
      %dma_start3A_77 = arith.constant 0 : i32
      %dma_start3A_78 = tpu.memref_slice %arg9[%mul3A_58, %dma_start3A_77] : memref<125x80xi32, #tpu.memory_space<vmem>> -> memref<1x80xi32, #tpu.memory_space<vmem>>
      %dma_start3A_79 = tpu.memref_squeeze %dma_start3A_78 : memref<1x80xi32, #tpu.memory_space<vmem>> -> memref<80xi32, #tpu.memory_space<vmem>>
      %dma_start3A_80 = arith.constant 0 : i32
      %dma_start3A_81 = arith.constant 0 : i32
      %dma_start3A_82 = tpu.memref_slice %arg7[%dma_start3A_80, %dma_start3A_81] : memref<10000x128xf32, #tpu.memory_space<vmem_shared>> -> memref<10000x128xf32, #tpu.memory_space<vmem_shared>>
      tpu.enqueue_indirect_dma source(%arg10 : memref<80x128xf32, #tpu.memory_space<vmem>>) target(%dma_start3A_82 : memref<10000x128xf32, #tpu.memory_space<vmem_shared>>) offsets(%dma_start3A_79 : memref<80xi32, #tpu.memory_space<vmem>>) semaphore(%arg14 : memref<!tpu.dma_semaphore, #tpu.memory_space<semaphore_mem>>) {add = true}
      %add3A_83 = arith.constant 1 : i32
      %add3A_84 = arith.addi %mul3A_58, %add3A_83 : i32
      %mul3A_85 = arith.constant 80 : i32
      %mul3A_86 = arith.muli %add3A_84, %mul3A_85 : i32
      %dma_wait3A_87 = tpu.memref_slice %arg8[%mul3A_86] : memref<10000xi32, #tpu.memory_space<vmem>> -> memref<80xi32, #tpu.memory_space<vmem>>
      %dma_wait3A_88 = arith.constant 0 : i32
      %dma_wait3A_89 = arith.constant 0 : i32
      %dma_wait3A_90 = tpu.memref_slice %arg2[%dma_wait3A_88, %dma_wait3A_89] : memref<10000x128xf32, #tpu.memory_space<hbm>> -> memref<10000x128xf32, #tpu.memory_space<hbm>>
      tpu.wait_indirect_dma semaphore(%arg13 : memref<!tpu.dma_semaphore, #tpu.memory_space<semaphore_mem>>) src(%dma_wait3A_90 : memref<10000x128xf32, #tpu.memory_space<hbm>>) dst(%arg11 : memref<80x128xf32, #tpu.memory_space<vmem>>)
      %add3A_91 = arith.constant 1 : i32
      %add3A_92 = arith.addi %mul3A_58, %add3A_91 : i32
      %dma_start3A_93 = arith.constant 0 : i32
      %dma_start3A_94 = tpu.memref_slice %arg9[%add3A_92, %dma_start3A_93] : memref<125x80xi32, #tpu.memory_space<vmem>> -> memref<1x80xi32, #tpu.memory_space<vmem>>
      %dma_start3A_95 = tpu.memref_squeeze %dma_start3A_94 : memref<1x80xi32, #tpu.memory_space<vmem>> -> memref<80xi32, #tpu.memory_space<vmem>>
      %dma_start3A_96 = arith.constant 0 : i32
      %dma_start3A_97 = arith.constant 0 : i32
      %dma_start3A_98 = tpu.memref_slice %arg7[%dma_start3A_96, %dma_start3A_97] : memref<10000x128xf32, #tpu.memory_space<vmem_shared>> -> memref<10000x128xf32, #tpu.memory_space<vmem_shared>>
      tpu.enqueue_indirect_dma source(%arg11 : memref<80x128xf32, #tpu.memory_space<vmem>>) target(%dma_start3A_98 : memref<10000x128xf32, #tpu.memory_space<vmem_shared>>) offsets(%dma_start3A_95 : memref<80xi32, #tpu.memory_space<vmem>>) semaphore(%arg15 : memref<!tpu.dma_semaphore, #tpu.memory_space<semaphore_mem>>) {add = true}
      %dma_wait3A_99 = arith.constant 0 : i32
      %dma_wait3A_100 = tpu.memref_slice %arg9[%mul3A_58, %dma_wait3A_99] : memref<125x80xi32, #tpu.memory_space<vmem>> -> memref<1x80xi32, #tpu.memory_space<vmem>>
      %dma_wait3A_101 = tpu.memref_squeeze %dma_wait3A_100 : memref<1x80xi32, #tpu.memory_space<vmem>> -> memref<80xi32, #tpu.memory_space<vmem>>
      %dma_wait3A_102 = arith.constant 0 : i32
      %dma_wait3A_103 = arith.constant 0 : i32
      %dma_wait3A_104 = tpu.memref_slice %arg7[%dma_wait3A_102, %dma_wait3A_103] : memref<10000x128xf32, #tpu.memory_space<vmem_shared>> -> memref<10000x128xf32, #tpu.memory_space<vmem_shared>>
      tpu.wait_indirect_dma semaphore(%arg14 : memref<!tpu.dma_semaphore, #tpu.memory_space<semaphore_mem>>) src(%arg10 : memref<80x128xf32, #tpu.memory_space<vmem>>) dst(%dma_wait3A_104 : memref<10000x128xf32, #tpu.memory_space<vmem_shared>>)
      %lt3A = arith.constant 61 : i32
      %lt3A_105 = arith.cmpi slt, %scan3A_56, %lt3A : i32
      %convert_element_type3A_106 = arith.extui %lt3A_105 : i1 to i32
      %cond3A_107 = arith.constant 0 : i32
      %cond3A_108 = arith.cmpi ne, %convert_element_type3A_106, %cond3A_107 : i32
      scf.if %cond3A_108 {
        %add3A_109 = arith.constant 2 : i32
        %add3A_110 = arith.addi %mul3A_58, %add3A_109 : i32
        %mul3A_111 = arith.constant 80 : i32
        %mul3A_112 = arith.muli %add3A_110, %mul3A_111 : i32
        %dma_start3A_113 = tpu.memref_slice %arg8[%mul3A_112] : memref<10000xi32, #tpu.memory_space<vmem>> -> memref<80xi32, #tpu.memory_space<vmem>>
        %dma_start3A_114 = arith.constant 0 : i32
        %dma_start3A_115 = arith.constant 0 : i32
        %dma_start3A_116 = tpu.memref_slice %arg2[%dma_start3A_114, %dma_start3A_115] : memref<10000x128xf32, #tpu.memory_space<hbm>> -> memref<10000x128xf32, #tpu.memory_space<hbm>>
        tpu.enqueue_indirect_dma source(%dma_start3A_116 : memref<10000x128xf32, #tpu.memory_space<hbm>>) target(%arg10 : memref<80x128xf32, #tpu.memory_space<vmem>>) offsets(%dma_start3A_113 : memref<80xi32, #tpu.memory_space<vmem>>) semaphore(%arg12 : memref<!tpu.dma_semaphore, #tpu.memory_space<semaphore_mem>>)
      } else {
      }
    }
    %scan3A_15 = arith.constant 62 : i32
    %dma_start3A_16 = arith.constant 9920 : i32
    %dma_start3A_17 = tpu.memref_slice %arg8[%dma_start3A_16] : memref<10000xi32, #tpu.memory_space<vmem>> -> memref<80xi32, #tpu.memory_space<vmem>>
    %dma_start3A_18 = arith.constant 0 : i32
    %dma_start3A_19 = arith.constant 0 : i32
    %dma_start3A_20 = tpu.memref_slice %arg2[%dma_start3A_18, %dma_start3A_19] : memref<10000x128xf32, #tpu.memory_space<hbm>> -> memref<10000x128xf32, #tpu.memory_space<hbm>>
    tpu.enqueue_indirect_dma source(%dma_start3A_20 : memref<10000x128xf32, #tpu.memory_space<hbm>>) target(%arg10 : memref<80x128xf32, #tpu.memory_space<vmem>>) offsets(%dma_start3A_17 : memref<80xi32, #tpu.memory_space<vmem>>) semaphore(%arg12 : memref<!tpu.dma_semaphore, #tpu.memory_space<semaphore_mem>>)
    %dma_wait3A = arith.constant 123 : i32
    %dma_wait3A_21 = arith.constant 0 : i32
    %dma_wait3A_22 = tpu.memref_slice %arg9[%dma_wait3A, %dma_wait3A_21] : memref<125x80xi32, #tpu.memory_space<vmem>> -> memref<1x80xi32, #tpu.memory_space<vmem>>
    %dma_wait3A_23 = tpu.memref_squeeze %dma_wait3A_22 : memref<1x80xi32, #tpu.memory_space<vmem>> -> memref<80xi32, #tpu.memory_space<vmem>>
    %dma_wait3A_24 = arith.constant 0 : i32
    %dma_wait3A_25 = arith.constant 0 : i32
    %dma_wait3A_26 = tpu.memref_slice %arg7[%dma_wait3A_24, %dma_wait3A_25] : memref<10000x128xf32, #tpu.memory_space<vmem_shared>> -> memref<10000x128xf32, #tpu.memory_space<vmem_shared>>
    tpu.wait_indirect_dma semaphore(%arg15 : memref<!tpu.dma_semaphore, #tpu.memory_space<semaphore_mem>>) src(%arg11 : memref<80x128xf32, #tpu.memory_space<vmem>>) dst(%dma_wait3A_26 : memref<10000x128xf32, #tpu.memory_space<vmem_shared>>)
    %dma_wait3A_27 = arith.constant 9920 : i32
    %dma_wait3A_28 = tpu.memref_slice %arg8[%dma_wait3A_27] : memref<10000xi32, #tpu.memory_space<vmem>> -> memref<80xi32, #tpu.memory_space<vmem>>
    %dma_wait3A_29 = arith.constant 0 : i32
    %dma_wait3A_30 = arith.constant 0 : i32
    %dma_wait3A_31 = tpu.memref_slice %arg2[%dma_wait3A_29, %dma_wait3A_30] : memref<10000x128xf32, #tpu.memory_space<hbm>> -> memref<10000x128xf32, #tpu.memory_space<hbm>>
    tpu.wait_indirect_dma semaphore(%arg12 : memref<!tpu.dma_semaphore, #tpu.memory_space<semaphore_mem>>) src(%dma_wait3A_31 : memref<10000x128xf32, #tpu.memory_space<hbm>>) dst(%arg10 : memref<80x128xf32, #tpu.memory_space<vmem>>)
    %dma_start3A_32 = arith.constant 124 : i32
    %dma_start3A_33 = arith.constant 0 : i32
    %dma_start3A_34 = tpu.memref_slice %arg9[%dma_start3A_32, %dma_start3A_33] : memref<125x80xi32, #tpu.memory_space<vmem>> -> memref<1x80xi32, #tpu.memory_space<vmem>>
    %dma_start3A_35 = tpu.memref_squeeze %dma_start3A_34 : memref<1x80xi32, #tpu.memory_space<vmem>> -> memref<80xi32, #tpu.memory_space<vmem>>
    %dma_start3A_36 = arith.constant 0 : i32
    %dma_start3A_37 = arith.constant 0 : i32
    %dma_start3A_38 = tpu.memref_slice %arg7[%dma_start3A_36, %dma_start3A_37] : memref<10000x128xf32, #tpu.memory_space<vmem_shared>> -> memref<10000x128xf32, #tpu.memory_space<vmem_shared>>
    tpu.enqueue_indirect_dma source(%arg10 : memref<80x128xf32, #tpu.memory_space<vmem>>) target(%dma_start3A_38 : memref<10000x128xf32, #tpu.memory_space<vmem_shared>>) offsets(%dma_start3A_35 : memref<80xi32, #tpu.memory_space<vmem>>) semaphore(%arg14 : memref<!tpu.dma_semaphore, #tpu.memory_space<semaphore_mem>>) {add = true}
    %dma_wait3A_39 = arith.constant 124 : i32
    %dma_wait3A_40 = arith.constant 0 : i32
    %dma_wait3A_41 = tpu.memref_slice %arg9[%dma_wait3A_39, %dma_wait3A_40] : memref<125x80xi32, #tpu.memory_space<vmem>> -> memref<1x80xi32, #tpu.memory_space<vmem>>
    %dma_wait3A_42 = tpu.memref_squeeze %dma_wait3A_41 : memref<1x80xi32, #tpu.memory_space<vmem>> -> memref<80xi32, #tpu.memory_space<vmem>>
    %dma_wait3A_43 = arith.constant 0 : i32
    %dma_wait3A_44 = arith.constant 0 : i32
    %dma_wait3A_45 = tpu.memref_slice %arg7[%dma_wait3A_43, %dma_wait3A_44] : memref<10000x128xf32, #tpu.memory_space<vmem_shared>> -> memref<10000x128xf32, #tpu.memory_space<vmem_shared>>
    tpu.wait_indirect_dma semaphore(%arg14 : memref<!tpu.dma_semaphore, #tpu.memory_space<semaphore_mem>>) src(%arg10 : memref<80x128xf32, #tpu.memory_space<vmem>>) dst(%dma_wait3A_45 : memref<10000x128xf32, #tpu.memory_space<vmem_shared>>)
    %barrier3A_46 = arith.constant 0 : index
    tpu.barrier barrier_id(%barrier3A_46)
    %mul3A_47 = arith.constant 624 : i32
    %mul3A_48 = arith.muli %arg1, %mul3A_47 : i32
    %mul3A_49 = arith.constant 624 : i32
    %mul3A_50 = arith.muli %arg1, %mul3A_49 : i32
    "tpu.region"() ({
      %run_scoped3A = tpu.sem_alloc : memref<!tpu.dma_semaphore, #tpu.memory_space<semaphore_mem>>
      %dma_start3A_56 = arith.constant 0 : i32
      %dma_start3A_57 = arith.constant 0 : i32
      %dma_start3A_58 = tpu.memref_slice %arg6[%arg0, %dma_start3A_56, %dma_start3A_57] : memref<2x10000x128xf32, #tpu.memory_space<hbm>> -> memref<1x10000x128xf32, #tpu.memory_space<hbm>>
      %dma_start3A_59 = tpu.memref_squeeze %dma_start3A_58 : memref<1x10000x128xf32, #tpu.memory_space<hbm>> -> memref<10000x128xf32, #tpu.memory_space<hbm>>
      %dma_start3A_60 = arith.constant 0 : i32
      %dma_start3A_61 = tpu.memref_slice %dma_start3A_59[%mul3A_50, %dma_start3A_60] : memref<10000x128xf32, #tpu.memory_space<hbm>> -> memref<624x128xf32, #tpu.memory_space<hbm>>
      %dma_start3A_62 = arith.constant 0 : i32
      %dma_start3A_63 = tpu.memref_slice %arg7[%mul3A_48, %dma_start3A_62] : memref<10000x128xf32, #tpu.memory_space<vmem_shared>> -> memref<624x128xf32, #tpu.memory_space<vmem_shared>>
      tpu.enqueue_dma source(%dma_start3A_63 : memref<624x128xf32, #tpu.memory_space<vmem_shared>>) target(%dma_start3A_61 : memref<624x128xf32, #tpu.memory_space<hbm>>) target_semaphore(%run_scoped3A : memref<!tpu.dma_semaphore, #tpu.memory_space<semaphore_mem>>)
      %dma_wait3A_64 = arith.constant 0 : i32
      %dma_wait3A_65 = arith.constant 0 : i32
      %dma_wait3A_66 = tpu.memref_slice %arg6[%arg0, %dma_wait3A_64, %dma_wait3A_65] : memref<2x10000x128xf32, #tpu.memory_space<hbm>> -> memref<1x10000x128xf32, #tpu.memory_space<hbm>>
      %dma_wait3A_67 = tpu.memref_squeeze %dma_wait3A_66 : memref<1x10000x128xf32, #tpu.memory_space<hbm>> -> memref<10000x128xf32, #tpu.memory_space<hbm>>
      %dma_wait3A_68 = arith.constant 0 : i32
      %dma_wait3A_69 = tpu.memref_slice %dma_wait3A_67[%mul3A_50, %dma_wait3A_68] : memref<10000x128xf32, #tpu.memory_space<hbm>> -> memref<624x128xf32, #tpu.memory_space<hbm>>
      %dma_wait3A_70 = arith.constant 0 : i32
      %dma_wait3A_71 = tpu.memref_slice %arg7[%mul3A_48, %dma_wait3A_70] : memref<10000x128xf32, #tpu.memory_space<vmem_shared>> -> memref<624x128xf32, #tpu.memory_space<vmem_shared>>
      tpu.wait_dma2 semaphore(%run_scoped3A : memref<!tpu.dma_semaphore, #tpu.memory_space<semaphore_mem>>) src(%dma_wait3A_71 : memref<624x128xf32, #tpu.memory_space<vmem_shared>>) dst(%dma_wait3A_69 : memref<624x128xf32, #tpu.memory_space<hbm>>)
      tpu.yield
    }) : () -> ()
    %eq3A_51 = arith.constant 15 : i32
    %eq3A_52 = arith.cmpi eq, %arg1, %eq3A_51 : i32
    %convert_element_type3A_53 = arith.extui %eq3A_52 : i1 to i32
    %cond3A_54 = arith.constant 0 : i32
    %cond3A_55 = arith.cmpi ne, %convert_element_type3A_53, %cond3A_54 : i32
    scf.if %cond3A_55 {
      "tpu.region"() ({
        %run_scoped3A = tpu.sem_alloc : memref<!tpu.dma_semaphore, #tpu.memory_space<semaphore_mem>>
        %dma_start3A_56 = arith.constant 0 : i32
        %dma_start3A_57 = arith.constant 0 : i32
        %dma_start3A_58 = tpu.memref_slice %arg6[%arg0, %dma_start3A_56, %dma_start3A_57] : memref<2x10000x128xf32, #tpu.memory_space<hbm>> -> memref<1x10000x128xf32, #tpu.memory_space<hbm>>
        %dma_start3A_59 = tpu.memref_squeeze %dma_start3A_58 : memref<1x10000x128xf32, #tpu.memory_space<hbm>> -> memref<10000x128xf32, #tpu.memory_space<hbm>>
        %dma_start3A_60 = arith.constant 9984 : i32
        %dma_start3A_61 = arith.constant 0 : i32
        %dma_start3A_62 = tpu.memref_slice %dma_start3A_59[%dma_start3A_60, %dma_start3A_61] : memref<10000x128xf32, #tpu.memory_space<hbm>> -> memref<16x128xf32, #tpu.memory_space<hbm>>
        %dma_start3A_63 = arith.constant 9984 : i32
        %dma_start3A_64 = arith.constant 0 : i32
        %dma_start3A_65 = tpu.memref_slice %arg7[%dma_start3A_63, %dma_start3A_64] : memref<10000x128xf32, #tpu.memory_space<vmem_shared>> -> memref<16x128xf32, #tpu.memory_space<vmem_shared>>
        tpu.enqueue_dma source(%dma_start3A_65 : memref<16x128xf32, #tpu.memory_space<vmem_shared>>) target(%dma_start3A_62 : memref<16x128xf32, #tpu.memory_space<hbm>>) target_semaphore(%run_scoped3A : memref<!tpu.dma_semaphore, #tpu.memory_space<semaphore_mem>>)
        %dma_wait3A_66 = arith.constant 0 : i32
        %dma_wait3A_67 = arith.constant 0 : i32
        %dma_wait3A_68 = tpu.memref_slice %arg6[%arg0, %dma_wait3A_66, %dma_wait3A_67] : memref<2x10000x128xf32, #tpu.memory_space<hbm>> -> memref<1x10000x128xf32, #tpu.memory_space<hbm>>
        %dma_wait3A_69 = tpu.memref_squeeze %dma_wait3A_68 : memref<1x10000x128xf32, #tpu.memory_space<hbm>> -> memref<10000x128xf32, #tpu.memory_space<hbm>>
        %dma_wait3A_70 = arith.constant 9984 : i32
        %dma_wait3A_71 = arith.constant 0 : i32
        %dma_wait3A_72 = tpu.memref_slice %dma_wait3A_69[%dma_wait3A_70, %dma_wait3A_71] : memref<10000x128xf32, #tpu.memory_space<hbm>> -> memref<16x128xf32, #tpu.memory_space<hbm>>
        %dma_wait3A_73 = arith.constant 9984 : i32
        %dma_wait3A_74 = arith.constant 0 : i32
        %dma_wait3A_75 = tpu.memref_slice %arg7[%dma_wait3A_73, %dma_wait3A_74] : memref<10000x128xf32, #tpu.memory_space<vmem_shared>> -> memref<16x128xf32, #tpu.memory_space<vmem_shared>>
        tpu.wait_dma2 semaphore(%run_scoped3A : memref<!tpu.dma_semaphore, #tpu.memory_space<semaphore_mem>>) src(%dma_wait3A_75 : memref<16x128xf32, #tpu.memory_space<vmem_shared>>) dst(%dma_wait3A_72 : memref<16x128xf32, #tpu.memory_space<hbm>>)
        tpu.yield
      }) : () -> ()
    } else {
    }
    return
  }
}

module attributes {stable_mosaic.version = 14 : i64} {
  func.func @_tc_layer_body(%arg0: memref<2x10000x128xf32, #tpu.memory_space<vmem>>, %arg1: memref<10000x128xf32, #tpu.memory_space<vmem>>, %arg2: memref<128x128xf32, #tpu.memory_space<vmem>>, %arg3: memref<1x128xf32, #tpu.memory_space<vmem>>, %arg4: memref<128x128xf32, #tpu.memory_space<vmem>>, %arg5: memref<1x128xf32, #tpu.memory_space<vmem>>, %arg6: memref<1x128xf32, #tpu.memory_space<vmem>>, %arg7: memref<10000x128xf32, #tpu.memory_space<vmem>>) attributes {dimension_semantics = [], scalar_prefetch = 0 : i64, scratch_operands = 0 : i64, tpu.core_type = #tpu.core_type<tc>} {
    %get3A = arith.constant 0 : index
    %get3A_0 = arith.constant 0 : index
    %get3A_1 = arith.constant 0 : index
    %get3A_2 = vector.load %arg0[%get3A, %get3A_0, %get3A_1] : memref<2x10000x128xf32, #tpu.memory_space<vmem>>, vector<1x10000x128xf32>
    %get3A_3 = vector.shape_cast %get3A_2 : vector<1x10000x128xf32> to vector<10000x128xf32>
    %get3A_4 = arith.constant 1 : index
    %get3A_5 = arith.constant 0 : index
    %get3A_6 = arith.constant 0 : index
    %get3A_7 = vector.load %arg0[%get3A_4, %get3A_5, %get3A_6] : memref<2x10000x128xf32, #tpu.memory_space<vmem>>, vector<1x10000x128xf32>
    %get3A_8 = vector.shape_cast %get3A_7 : vector<1x10000x128xf32> to vector<10000x128xf32>
    %add3A = arith.addf %get3A_3, %get3A_8 : vector<10000x128xf32>
    %get3A_9 = arith.constant 0 : index
    %get3A_10 = arith.constant 0 : index
    %get3A_11 = vector.load %arg1[%get3A_9, %get3A_10] : memref<10000x128xf32, #tpu.memory_space<vmem>>, vector<10000x128xf32>
    %get3A_12 = arith.constant 0 : index
    %get3A_13 = arith.constant 0 : index
    %get3A_14 = vector.load %arg2[%get3A_12, %get3A_13] : memref<128x128xf32, #tpu.memory_space<vmem>>, vector<128x128xf32>
    %dot_general3A = arith.constant dense<0.000000e+00> : vector<10000x128xf32>
    %dot_general3A_15 = tpu.matmul %add3A, %get3A_14, %dot_general3A {dimension_numbers = #tpu.dot_dimension_numbers<[1], [0], [0], [1], [0, 0, 1, 1], [], []>, transpose_lhs_hint = false} : vector<10000x128xf32>, vector<128x128xf32>, vector<10000x128xf32> -> vector<10000x128xf32>
    %get3A_16 = arith.constant 0 : index
    %get3A_17 = arith.constant 0 : index
    %get3A_18 = vector.load %arg4[%get3A_16, %get3A_17] : memref<128x128xf32, #tpu.memory_space<vmem>>, vector<128x128xf32>
    %dot_general3A_19 = arith.constant dense<0.000000e+00> : vector<10000x128xf32>
    %dot_general3A_20 = tpu.matmul %get3A_11, %get3A_18, %dot_general3A_19 {dimension_numbers = #tpu.dot_dimension_numbers<[1], [0], [0], [1], [0, 0, 1, 1], [], []>, transpose_lhs_hint = false} : vector<10000x128xf32>, vector<128x128xf32>, vector<10000x128xf32> -> vector<10000x128xf32>
    %add3A_21 = arith.addf %dot_general3A_15, %dot_general3A_20 : vector<10000x128xf32>
    %get3A_22 = arith.constant 0 : index
    %get3A_23 = arith.constant 0 : index
    %get3A_24 = vector.load %arg3[%get3A_22, %get3A_23] : memref<1x128xf32, #tpu.memory_space<vmem>>, vector<1x128xf32>
    %add3A_25 = vector.broadcast %get3A_24 : vector<1x128xf32> to vector<10000x128xf32>
    %add3A_26 = arith.addf %add3A_21, %add3A_25 : vector<10000x128xf32>
    %reduce_sum3A = arith.constant dense<0.000000e+00> : vector<128xf32>
    %reduce_sum3A_27 = vector.multi_reduction <add>, %add3A_26, %reduce_sum3A [0] : vector<10000x128xf32> to vector<128xf32>
    %broadcast_in_dim3A = vector.shape_cast %reduce_sum3A_27 : vector<128xf32> to vector<1x128xf32>
    %div3A = arith.constant 1.000000e+04 : f32
    %div3A_28 = vector.broadcast %div3A : f32 to vector<1x128xf32>
    %div3A_29 = arith.divf %broadcast_in_dim3A, %div3A_28 : vector<1x128xf32>
    %sub3A = vector.broadcast %div3A_29 : vector<1x128xf32> to vector<10000x128xf32>
    %sub3A_30 = arith.subf %add3A_26, %sub3A : vector<10000x128xf32>
    %integer_pow3A = arith.mulf %sub3A_30, %sub3A_30 : vector<10000x128xf32>
    %reduce_sum3A_31 = arith.constant dense<0.000000e+00> : vector<128xf32>
    %reduce_sum3A_32 = vector.multi_reduction <add>, %integer_pow3A, %reduce_sum3A_31 [0] : vector<10000x128xf32> to vector<128xf32>
    %broadcast_in_dim3A_33 = vector.shape_cast %reduce_sum3A_32 : vector<128xf32> to vector<1x128xf32>
    %div3A_34 = arith.constant 1.000000e+04 : f32
    %div3A_35 = vector.broadcast %div3A_34 : f32 to vector<1x128xf32>
    %div3A_36 = arith.divf %broadcast_in_dim3A_33, %div3A_35 : vector<1x128xf32>
    %get3A_37 = arith.constant 0 : index
    %get3A_38 = arith.constant 0 : index
    %get3A_39 = vector.load %arg5[%get3A_37, %get3A_38] : memref<1x128xf32, #tpu.memory_space<vmem>>, vector<1x128xf32>
    %sub3A_40 = vector.broadcast %div3A_29 : vector<1x128xf32> to vector<10000x128xf32>
    %sub3A_41 = arith.subf %add3A_26, %sub3A_40 : vector<10000x128xf32>
    %mul3A = vector.broadcast %get3A_39 : vector<1x128xf32> to vector<10000x128xf32>
    %mul3A_42 = arith.mulf %mul3A, %sub3A_41 : vector<10000x128xf32>
    %add3A_43 = arith.constant 9.99999974E-6 : f32
    %add3A_44 = vector.broadcast %add3A_43 : f32 to vector<1x128xf32>
    %add3A_45 = arith.addf %div3A_36, %add3A_44 : vector<1x128xf32>
    %rsqrt3A = math.rsqrt %add3A_45 : vector<1x128xf32>
    %mul3A_46 = vector.broadcast %rsqrt3A : vector<1x128xf32> to vector<10000x128xf32>
    %mul3A_47 = arith.mulf %mul3A_42, %mul3A_46 : vector<10000x128xf32>
    %get3A_48 = arith.constant 0 : index
    %get3A_49 = arith.constant 0 : index
    %get3A_50 = vector.load %arg6[%get3A_48, %get3A_49] : memref<1x128xf32, #tpu.memory_space<vmem>>, vector<1x128xf32>
    %add3A_51 = vector.broadcast %get3A_50 : vector<1x128xf32> to vector<10000x128xf32>
    %add3A_52 = arith.addf %mul3A_47, %add3A_51 : vector<10000x128xf32>
    %max3A = arith.constant 0.000000e+00 : f32
    %max3A_53 = vector.broadcast %max3A : f32 to vector<10000x128xf32>
    %max3A_54 = arith.maximumf %add3A_52, %max3A_53 : vector<10000x128xf32>
    %swap3A = arith.constant 0 : index
    %swap3A_55 = arith.constant 0 : index
    %swap3A_56 = vector.load %arg7[%swap3A, %swap3A_55] : memref<10000x128xf32, #tpu.memory_space<vmem>>, vector<10000x128xf32>
    tpu.vector_store %arg7[%swap3A, %swap3A_55], %max3A_54 {strides = array<i32>} : memref<10000x128xf32, #tpu.memory_space<vmem>>, vector<10000x128xf32>,
    return
  }
}

module attributes {stable_mosaic.version = 14 : i64} {
  func.func @_tc_final_body(%arg0: memref<2x10000x128xf32, #tpu.memory_space<vmem>>, %arg1: memref<10000x128xf32, #tpu.memory_space<vmem>>, %arg2: memref<128x128xf32, #tpu.memory_space<vmem>>, %arg3: memref<1x128xf32, #tpu.memory_space<vmem>>, %arg4: memref<128x128xf32, #tpu.memory_space<vmem>>, %arg5: memref<1x128xf32, #tpu.memory_space<vmem>>, %arg6: memref<1x128xf32, #tpu.memory_space<vmem>>, %arg7: memref<10000x1xi32, #tpu.memory_space<vmem>>, %arg8: memref<128x16xf32, #tpu.memory_space<vmem>>, %arg9: memref<1x16xf32, #tpu.memory_space<vmem>>, %arg10: memref<64x16xf32, #tpu.memory_space<vmem>>) attributes {dimension_semantics = [], scalar_prefetch = 0 : i64, scratch_operands = 0 : i64, tpu.core_type = #tpu.core_type<tc>} {
    %get3A = arith.constant 0 : index
    %get3A_0 = arith.constant 0 : index
    %get3A_1 = arith.constant 0 : index
    %get3A_2 = vector.load %arg0[%get3A, %get3A_0, %get3A_1] : memref<2x10000x128xf32, #tpu.memory_space<vmem>>, vector<1x10000x128xf32>
    %get3A_3 = vector.shape_cast %get3A_2 : vector<1x10000x128xf32> to vector<10000x128xf32>
    %get3A_4 = arith.constant 1 : index
    %get3A_5 = arith.constant 0 : index
    %get3A_6 = arith.constant 0 : index
    %get3A_7 = vector.load %arg0[%get3A_4, %get3A_5, %get3A_6] : memref<2x10000x128xf32, #tpu.memory_space<vmem>>, vector<1x10000x128xf32>
    %get3A_8 = vector.shape_cast %get3A_7 : vector<1x10000x128xf32> to vector<10000x128xf32>
    %add3A = arith.addf %get3A_3, %get3A_8 : vector<10000x128xf32>
    %get3A_9 = arith.constant 0 : index
    %get3A_10 = arith.constant 0 : index
    %get3A_11 = vector.load %arg1[%get3A_9, %get3A_10] : memref<10000x128xf32, #tpu.memory_space<vmem>>, vector<10000x128xf32>
    %get3A_12 = arith.constant 0 : index
    %get3A_13 = arith.constant 0 : index
    %get3A_14 = vector.load %arg2[%get3A_12, %get3A_13] : memref<128x128xf32, #tpu.memory_space<vmem>>, vector<128x128xf32>
    %dot_general3A = arith.constant dense<0.000000e+00> : vector<10000x128xf32>
    %dot_general3A_15 = tpu.matmul %add3A, %get3A_14, %dot_general3A {dimension_numbers = #tpu.dot_dimension_numbers<[1], [0], [0], [1], [0, 0, 1, 1], [], []>, transpose_lhs_hint = false} : vector<10000x128xf32>, vector<128x128xf32>, vector<10000x128xf32> -> vector<10000x128xf32>
    %get3A_16 = arith.constant 0 : index
    %get3A_17 = arith.constant 0 : index
    %get3A_18 = vector.load %arg4[%get3A_16, %get3A_17] : memref<128x128xf32, #tpu.memory_space<vmem>>, vector<128x128xf32>
    %dot_general3A_19 = arith.constant dense<0.000000e+00> : vector<10000x128xf32>
    %dot_general3A_20 = tpu.matmul %get3A_11, %get3A_18, %dot_general3A_19 {dimension_numbers = #tpu.dot_dimension_numbers<[1], [0], [0], [1], [0, 0, 1, 1], [], []>, transpose_lhs_hint = false} : vector<10000x128xf32>, vector<128x128xf32>, vector<10000x128xf32> -> vector<10000x128xf32>
    %add3A_21 = arith.addf %dot_general3A_15, %dot_general3A_20 : vector<10000x128xf32>
    %get3A_22 = arith.constant 0 : index
    %get3A_23 = arith.constant 0 : index
    %get3A_24 = vector.load %arg3[%get3A_22, %get3A_23] : memref<1x128xf32, #tpu.memory_space<vmem>>, vector<1x128xf32>
    %add3A_25 = vector.broadcast %get3A_24 : vector<1x128xf32> to vector<10000x128xf32>
    %add3A_26 = arith.addf %add3A_21, %add3A_25 : vector<10000x128xf32>
    %reduce_sum3A = arith.constant dense<0.000000e+00> : vector<128xf32>
    %reduce_sum3A_27 = vector.multi_reduction <add>, %add3A_26, %reduce_sum3A [0] : vector<10000x128xf32> to vector<128xf32>
    %broadcast_in_dim3A = vector.shape_cast %reduce_sum3A_27 : vector<128xf32> to vector<1x128xf32>
    %div3A = arith.constant 1.000000e+04 : f32
    %div3A_28 = vector.broadcast %div3A : f32 to vector<1x128xf32>
    %div3A_29 = arith.divf %broadcast_in_dim3A, %div3A_28 : vector<1x128xf32>
    %sub3A = vector.broadcast %div3A_29 : vector<1x128xf32> to vector<10000x128xf32>
    %sub3A_30 = arith.subf %add3A_26, %sub3A : vector<10000x128xf32>
    %integer_pow3A = arith.mulf %sub3A_30, %sub3A_30 : vector<10000x128xf32>
    %reduce_sum3A_31 = arith.constant dense<0.000000e+00> : vector<128xf32>
    %reduce_sum3A_32 = vector.multi_reduction <add>, %integer_pow3A, %reduce_sum3A_31 [0] : vector<10000x128xf32> to vector<128xf32>
    %broadcast_in_dim3A_33 = vector.shape_cast %reduce_sum3A_32 : vector<128xf32> to vector<1x128xf32>
    %div3A_34 = arith.constant 1.000000e+04 : f32
    %div3A_35 = vector.broadcast %div3A_34 : f32 to vector<1x128xf32>
    %div3A_36 = arith.divf %broadcast_in_dim3A_33, %div3A_35 : vector<1x128xf32>
    %get3A_37 = arith.constant 0 : index
    %get3A_38 = arith.constant 0 : index
    %get3A_39 = vector.load %arg5[%get3A_37, %get3A_38] : memref<1x128xf32, #tpu.memory_space<vmem>>, vector<1x128xf32>
    %sub3A_40 = vector.broadcast %div3A_29 : vector<1x128xf32> to vector<10000x128xf32>
    %sub3A_41 = arith.subf %add3A_26, %sub3A_40 : vector<10000x128xf32>
    %mul3A = vector.broadcast %get3A_39 : vector<1x128xf32> to vector<10000x128xf32>
    %mul3A_42 = arith.mulf %mul3A, %sub3A_41 : vector<10000x128xf32>
    %add3A_43 = arith.constant 9.99999974E-6 : f32
    %add3A_44 = vector.broadcast %add3A_43 : f32 to vector<1x128xf32>
    %add3A_45 = arith.addf %div3A_36, %add3A_44 : vector<1x128xf32>
    %rsqrt3A = math.rsqrt %add3A_45 : vector<1x128xf32>
    %mul3A_46 = vector.broadcast %rsqrt3A : vector<1x128xf32> to vector<10000x128xf32>
    %mul3A_47 = arith.mulf %mul3A_42, %mul3A_46 : vector<10000x128xf32>
    %get3A_48 = arith.constant 0 : index
    %get3A_49 = arith.constant 0 : index
    %get3A_50 = vector.load %arg6[%get3A_48, %get3A_49] : memref<1x128xf32, #tpu.memory_space<vmem>>, vector<1x128xf32>
    %add3A_51 = vector.broadcast %get3A_50 : vector<1x128xf32> to vector<10000x128xf32>
    %add3A_52 = arith.addf %mul3A_47, %add3A_51 : vector<10000x128xf32>
    %max3A = arith.constant 0.000000e+00 : f32
    %max3A_53 = vector.broadcast %max3A : f32 to vector<10000x128xf32>
    %max3A_54 = arith.maximumf %add3A_52, %max3A_53 : vector<10000x128xf32>
    %iota3A = tpu.iota {dimensions = array<i32: 1>} : vector<10000x64xi32>
    %get3A_55 = arith.constant 0 : index
    %get3A_56 = arith.constant 0 : index
    %get3A_57 = vector.load %arg7[%get3A_55, %get3A_56] : memref<10000x1xi32, #tpu.memory_space<vmem>>, vector<10000x1xi32>
    %eq3A = vector.broadcast %get3A_57 : vector<10000x1xi32> to vector<10000x64xi32>
    %eq3A_58 = arith.cmpi eq, %eq3A, %iota3A : vector<10000x64xi32>
    %convert_element_type3A = arith.extui %eq3A_58 : vector<10000x64xi1> to vector<10000x64xi32>
    %convert_element_type3A_59 = arith.sitofp %convert_element_type3A : vector<10000x64xi32> to vector<10000x64xf32>
    %dot_general3A_60 = arith.constant dense<0.000000e+00> : vector<64x128xf32>
    %dot_general3A_61 = tpu.matmul %convert_element_type3A_59, %max3A_54, %dot_general3A_60 {dimension_numbers = #tpu.dot_dimension_numbers<[0], [0], [1], [1], [0, 1, 1, 1], [], []>, transpose_lhs_hint = false} : vector<10000x64xf32>, vector<10000x128xf32>, vector<64x128xf32> -> vector<64x128xf32>
    %reduce_sum3A_62 = arith.constant dense<0.000000e+00> : vector<64xf32>
    %reduce_sum3A_63 = vector.multi_reduction <add>, %convert_element_type3A_59, %reduce_sum3A_62 [0] : vector<10000x64xf32> to vector<64xf32>
    %broadcast_in_dim3A_64 = vector.shape_cast %reduce_sum3A_63 : vector<64xf32> to vector<1x64xf32>
    %max3A_65 = arith.constant 1.000000e+00 : f32
    %max3A_66 = vector.broadcast %max3A_65 : f32 to vector<1x64xf32>
    %max3A_67 = arith.maximumf %broadcast_in_dim3A_64, %max3A_66 : vector<1x64xf32>
    %transpose3A = tpu.transpose %max3A_67, [1, 0] : vector<1x64xf32> -> vector<64x1xf32>
    %div3A_68 = vector.broadcast %transpose3A : vector<64x1xf32> to vector<64x128xf32>
    %div3A_69 = arith.divf %dot_general3A_61, %div3A_68 : vector<64x128xf32>
    %get3A_70 = arith.constant 0 : index
    %get3A_71 = arith.constant 0 : index
    %get3A_72 = vector.load %arg8[%get3A_70, %get3A_71] : memref<128x16xf32, #tpu.memory_space<vmem>>, vector<128x16xf32>
    %dot_general3A_73 = arith.constant dense<0.000000e+00> : vector<64x16xf32>
    %dot_general3A_74 = tpu.matmul %div3A_69, %get3A_72, %dot_general3A_73 {dimension_numbers = #tpu.dot_dimension_numbers<[1], [0], [0], [1], [0, 0, 1, 1], [], []>, transpose_lhs_hint = false} : vector<64x128xf32>, vector<128x16xf32>, vector<64x16xf32> -> vector<64x16xf32>
    %get3A_75 = arith.constant 0 : index
    %get3A_76 = arith.constant 0 : index
    %get3A_77 = vector.load %arg9[%get3A_75, %get3A_76] : memref<1x16xf32, #tpu.memory_space<vmem>>, vector<1x16xf32>
    %add3A_78 = vector.broadcast %get3A_77 : vector<1x16xf32> to vector<64x16xf32>
    %add3A_79 = arith.addf %dot_general3A_74, %add3A_78 : vector<64x16xf32>
    %swap3A = arith.constant 0 : index
    %swap3A_80 = arith.constant 0 : index
    %swap3A_81 = vector.load %arg10[%swap3A, %swap3A_80] : memref<64x16xf32, #tpu.memory_space<vmem>>, vector<64x16xf32>
    tpu.vector_store %arg10[%swap3A, %swap3A_80], %add3A_79 {strides = array<i32>} : memref<64x16xf32, #tpu.memory_space<vmem>>, vector<64x16xf32>,
    return
  }
}

</mosaic_0001>

<sc_bundles>
// kernel: kernel.12.cloned.1.call-start
scs
__scs_entry_jumppad:
0x0: {  	(pc) =	sbr.rel $0x88, $3  }
0x1: {  	(tag) =	ssettag $0x0;
	lr =	simm.s32 $0x1  }
0x2: {  	[smem:$0x3F97] =	sst lr;
	_ =	strace $0xD0000000  }
0x3: {  	_ = 	snop  }
0x4: {  	_ = 	snop  }
0x5: {  	_ = 	snop  }
0x6: {  	_ = 	snop  }
0x7: {  	_ = 	snop  }
__scs_overlays_trampoline_lowered:
0x8: {  	[smem:$0x3FA6] =	sst s0  }
0x9: {  	[smem:$0x3FA7] =	sst s1  }
0xa: {  	[smem:$0x3FA8] =	sst s2  }
0xb: {  	[smem:$0x3FA9] =	sst s3  }
0xc: {  	[smem:$0x3FAA] =	sst s4  }
0xd: {  	[smem:$0x3FAB] =	sst s5  }
0xe: {  	[smem:$0x3FAC] =	sst s6  }
0xf: {  	[smem:$0x3FAD] =	sst s7  }
0x10: {  	[smem:$0x3FAE] =	sst s8  }
0x11: {  	[smem:$0x3FAF] =	sst s9;
	s0 =	simm.s32 @!p0 $0x0  }
0x12: {  	s1 =	sld [smem:$0x3F95];
	s0 =	simm.s32 @p0 $0x1  }
0x13: {  	[smem:$0x3FB0] =	sst s0;
	s0 =	simm.s32 @!p1 $0x0  }
0x14: {  	s2 =	sld [smem:$0x3F94];
	s0 =	simm.s32 @p1 $0x1  }
0x15: {  	[smem:$0x3FB1] =	sst s0;
	s0 =	simm.s32 @!p2 $0x0  }
0x16: {  	s3 =	sld [smem:$0x3FDB];
	s0 =	simm.s32 @p2 $0x1  }
0x17: {  	s4 =	simm.s32 $0x1BF5;
	[smem:$0x3FB3] =	sst s0  }
0x18: {  	s0 =	sld [smem:$0x3F96];
	_ =	swait.ge [sflag:s4], $0x0  }
0x19: {  	s7 =	sld [smem:$0x3F97]  }
0x1a: {  	s8 =	sadd.s32 $0xFFFFE003, lr  }
0x1b: {  	s9 =	sadd.s32 $0xFFFFFEF7, lr;
	s5 =	simm.s32 $0xFFFFFFFF;
	p2 =	slt.u32 s8, $0xFFFFF086  }
0x1c: {  	p1 =	slt.u32 s9, $0xF7A;
	s5 =	simm.s32 @!p2 $0x0  }
0x1d: {  	s5 =	simm.s32 @p1 $0x1;
	p0 =	seq.s32 s7, s2  }
0x1e: {  	s7 =	smul.u32 @!p0 $0xF7A, s2;
	p2 =	seq.s32 @!p0 s5, $0x0  }
0x1f: {  	s9 =	smul.u32 $0xF7A, s1;
	s8 =	simm.s32 @!p0 $0x1BF5;
	p2 =	por !p2, p0  }
0x20: {  	[sflag:s8] =	ssyncset.s32 @!p0 $0xFFFFF086;
	s6 =	sadd.s32 @!p0 s3, s7;
	s7 =	simm.s32 @!p0 $0x108  }
0x21: {  	s3 =	sadd.s32 s3, s9;
	s6 =	sadd.s32 @!p0 $0x88, s6;
	s7 =	simm.s32 @p2 $0x1082  }
0x22: {  	[simem:s7], [sflag:s8] =	dma.local @!p0 [hbm:s6], $0xF7A  }
0x23: {  	s9 =	sor.u32 $0xD0000000, s2;
	s6 =	simm.s32 $0x108;
	_ =	swait.ge @!p0 [sflag:s8], $0x0  }
0x24: {  	s3 =	sadd.s32 $0x88, s3;
	s6 =	simm.s32 @!p1 $0x1082;
	[sflag:s4] =	ssyncset.s32 $0xFFFFF086  }
0x25: {  	[simem:s6], [sflag:s4] =	dma.local [hbm:s3], $0xF7A  }
0x26: {  	[smem:$0x3F97] =	sst s1;
	(tag) =	ssettag s2;
	_ =	strace s9  }
0x27: {  	s1 =	sld [smem:$0x3FA7]  }
0x28: {  	s2 =	sld [smem:$0x3FA8]  }
0x29: {  	s4 =	sld [smem:$0x3FAA]  }
0x2a: {  	p0 =	seq.s32 s5, $0x0;
	s5 =	sld [smem:$0x3FAB]  }
0x2b: {  	s6 =	sld [smem:$0x3FAC]  }
0x2c: {  	s7 =	sld [smem:$0x3FAD]  }
0x2d: {  	s3 =	simm.s32 $0x108;
	s8 =	sld [smem:$0x3FAE]  }
0x2e: {  	s3 =	simm.s32 @!p0 $0x1082;
	s9 =	sld [smem:$0x3FAF]  }
0x2f: {  	lr =	sadd.s32 s0, s3;
	s0 =	sld [smem:$0x3FA6]  }
0x30: {  	s3 =	sld [smem:$0x3FA9]  }
0x31: {  	[smem:$0x3FB2] =	sst s10  }
0x32: {  	s10 =	sld [smem:$0x3FB0];
	_ =	sdelay $0x3  }
0x33: {  	p0 =	seq.s32 s10, $0x1;
	s10 =	sld [smem:$0x3FB2];
	_ =	sdelay $0x3  }
0x34: {  	[smem:$0x3FB2] =	sst s10  }
0x35: {  	s10 =	sld [smem:$0x3FB1];
	_ =	sdelay $0x3  }
0x36: {  	p1 =	seq.s32 s10, $0x1;
	s10 =	sld [smem:$0x3FB2];
	_ =	sdelay $0x3  }
0x37: {  	[smem:$0x3FB2] =	sst s10  }
0x38: {  	s10 =	sld [smem:$0x3FB3]  }
0x39: {  	_ = 	snop;
	(pc) =	sbr.ind lr, $3  }
0x3a: {  	_ = 	snop  }
0x3b: {  	_ = 	snop  }
0x3c: {  	p2 =	seq.s32 s10, $0x1;
	s10 =	sld [smem:$0x3FB2]  }
0x3d: {  	_ =	shalt  }
0x3e: {  	_ =	shalt  }
0x3f: {  	_ =	shalt  }
0x40: {  	_ =	shalt  }
0x41: {  	_ =	shalt  }
0x42: {  	_ =	shalt  }
0x43: {  	_ =	shalt  }
0x44: {  	_ =	shalt  }
0x45: {  	_ =	shalt  }
0x46: {  	_ =	shalt  }
0x47: {  	_ =	shalt  }
0x48: {  	_ =	shalt  }
0x49: {  	_ =	shalt  }
0x4a: {  	_ =	shalt  }
0x4b: {  	_ =	shalt  }
0x4c: {  	_ =	shalt  }
0x4d: {  	_ =	shalt  }
0x4e: {  	_ =	shalt  }
0x4f: {  	_ =	shalt  }
0x50: {  	_ =	shalt  }
0x51: {  	_ =	shalt  }
0x52: {  	_ =	shalt  }
0x53: {  	_ =	shalt  }
0x54: {  	_ =	shalt  }
0x55: {  	_ =	shalt  }
0x56: {  	_ =	shalt  }
0x57: {  	_ =	shalt  }
0x58: {  	_ =	shalt  }
0x59: {  	_ =	shalt  }
0x5a: {  	_ =	shalt  }
0x5b: {  	_ =	shalt  }
0x5c: {  	_ =	shalt  }
0x5d: {  	_ =	shalt  }
0x5e: {  	_ =	shalt  }
0x5f: {  	_ =	shalt  }
0x60: {  	_ =	shalt  }
0x61: {  	_ =	shalt  }
0x62: {  	_ =	shalt  }
0x63: {  	_ =	shalt  }
0x64: {  	_ =	shalt  }
0x65: {  	_ =	shalt  }
0x66: {  	_ =	shalt  }
0x67: {  	_ =	shalt  }
0x68: {  	_ =	shalt  }
0x69: {  	_ =	shalt  }
0x6a: {  	_ =	shalt  }
0x6b: {  	_ =	shalt  }
0x6c: {  	_ =	shalt  }
0x6d: {  	_ =	shalt  }
0x6e: {  	_ =	shalt  }
0x6f: {  	_ =	shalt  }
0x70: {  	_ =	shalt  }
0x71: {  	_ =	shalt  }
0x72: {  	_ =	shalt  }
0x73: {  	_ =	shalt  }
0x74: {  	_ =	shalt  }
0x75: {  	_ =	shalt  }
0x76: {  	_ =	shalt  }
0x77: {  	_ =	shalt  }
0x78: {  	_ =	shalt  }
0x79: {  	_ =	shalt  }
0x7a: {  	_ =	shalt  }
0x7b: {  	_ =	shalt  }
0x7c: {  	_ =	shalt  }
0x7d: {  	_ =	shalt  }
0x7e: {  	_ =	shalt  }
0x7f: {  	_ =	shalt  }
0x80: {  	_ =	shalt  }
0x81: {  	_ =	shalt  }
0x82: {  	_ =	shalt  }
0x83: {  	_ =	shalt  }
0x84: {  	_ =	shalt  }
0x85: {  	_ =	shalt  }
0x86: {  	_ =	shalt  }
0x87: {  	_ =	shalt  }
.Lfunc_end0:
.L_simem_size_0:
called_computation_lowered:
.L_overlay_start_0:
0x88: {  	s2 =	sld [smem:$0x3FD9]  }
0x89: {  	s3 =	sld [smem:$0x3FFE];
	_ =	sdelay $0x1  }
0x8a: {  	s1 =	srdreg.scid  }
0x8b: {  	s0 =	sand.u32 $0x1, s1  }
0x8c: {  	s17 =	sshll.u32 s0, $0xA;
	s2 =	sadd.s32 s3, s2  }
0x8d: {  	s2 =	sadd.s32 s2, s17  }
0x8e: {  	[smem:$0x3FBE] =	sst s2  }
0x8f: {  	_ = 	snop  }
0x90: {  	s2 =	sld [smem:$0x3FC9];
	(tm) =	ssettm $0x1  }
0x91: {  	s18 =	sld [smem:$0x3FFB];
	_ =	sdelay $0x3  }
0x92: {  	_ =	strace s18  }
0x93: {  	s3 =	sld [smem:$0x3FFC];
	_ =	sdelay $0x3  }
0x94: {  	_ =	strace s3  }
0x95: {  	s3 =	sld [smem:$0x3FFD];
	_ =	sdelay $0x3  }
0x96: {  	_ =	strace s3  }
0x97: {  	_ =	strace $0x8FFFFFFF  }
0x98: {  	s19 =	sld [smem:$0x3FDB];
	_ =	sdelay $0x1  }
0x99: {  	s4 =	simm.s32 $_scs_section_size  }
0x9a: {  	s5 =	simm.s32 $_size__tile_overlayer_lowered;
	s6 =	simm.s32 $_tile_overlayer_lowered  }
0x9b: {  	s22 =	simm.s32 $0x1BFF;
	s21 =	sshll.u32 s6, $0x1;
	s3 =	sadd.s32 s4, s19  }
0x9c: {  	s7 =	simm.s32 $0x0;
	s20 =	sshll.u32 s5, $0x1;
	s5 =	sadd.s32 s21, s3  }
0x9d: {  	[timem:s7], [sflag:s22] =	dma.local [hbm:s5], s20  }
0x9e: {  	_ =	swait.ge [sflag:s22], s20  }
0x9f: {  	s4 =	ssub.s32 $0x0, s20;
	[sflag:s22] =	ssyncset.done $0x0  }
0xa0: {  	[sflag:s22] =	ssyncadd.s32 s4;
	_ =	sdelay $0x1  }
0xa1: {  	s23 =	simm.s32 $0x1B8B  }
0xa2: {  	_ =	swait.ge [sflag:s23], $0x1  }
0xa3: {  	[sflag:s23] =	ssyncset.done $0x0  }
0xa4: {  	s25 =	simm.s32 $0x1B8E;
	s24 =	sld [smem:$0x3FFE];
	[sflag:s23] =	ssyncadd.s32 $0xFFFFFFFF  }
0xa5: {  	s26 =	simm.s32 $execute0_lowered;
	[smem:$0x3FD2] =	sst s25  }
0xa6: {  	s5 =	sshll.u32 s26, $0x1;
	_ =	strace $0x80000046;
	[dreg:$0x1] =	wrdreg $0xFFFFFFFF  }
0xa7: {  	s28 =	simm.s32 $_size_execute0_lowered;
	s3 =	sadd.s32 s3, s5;
	[dreg:$0x0] =	wrdreg $0x0  }
0xa8: {  	s5 =	sshll.u32 s28, $0x1;
	[dreg:$0x2] =	wrdreg s3  }
0xa9: {  	[dreg:$0x3] =	wrdreg s5  }
0xaa: {  	[dreg:$0x4] =	wrdreg $0xC0  }
0xab: {  	_ =	task [dreg:s7], $0x5FFFF  }
0xac: {  	[dreg:$0x1] =	wrdreg $0xFFFFFFFF  }
0xad: {  	[dreg:$0x0] =	wrdreg $0x60  }
0xae: {  	[dreg:$0x2] =	wrdreg s2  }
0xaf: {  	[dreg:$0x3] =	wrdreg s24  }
0xb0: {  	[dreg:$0x4] =	wrdreg $0x0  }
0xb1: {  	[dreg:$0x5] =	wrdreg $0x9  }
0xb2: {  	_ =	task.clear_ibuf [dreg:s7], $0x6FFFF;
	_ =	strace $0x90000046  }
0xb3: {  	s29 =	simm.s32 $0x9;
	_ =	strace $0x80000048  }
0xb4: {  	_ =	swait.ge [sflag:s29], $0x1  }
0xb5: {  	[sflag:s29] =	ssyncadd.s32 $0xFFFFFFFF  }
0xb6: {  	_ =	strace $0x90000048  }
0xb7: {  	_ =	sfence  }
0xb8: {  	s30 =	sld [smem:$0x0];
	_ =	sdelay $0x2  }
0xb9: {  	s31 =	sshll.u32 s1, $0xD;
	s1 =	sshrl.u32 s1, $0x2  }
0xba: {  	s3 =	sand.u32 $0x4000, s31;
	s1 =	sadd.s32 s1, s30  }
0xbb: {  	s0 =	sor.u32 s3, s0;
	s1 =	sshll.u32 s1, $0x11  }
0xbc: {  	s0 =	sor.u32 s1, s0  }
0xbd: {  	s0 =	sadd.s32 $0x8F2B, s0  }
0xbe: {  	[sflag:s0] =	ssyncadd.remote.s32 $0x1  }
0xbf: {  	_ =	sfence.sel $0xFFFF  }
0xc0: {  	[dreg:$0x0] =	wrdreg $0xFFFFFFFF;
	(pc) =	sbr.abs _section_cstart, $3  }
0xc1: {  	[dreg:$0x1] =	wrdreg $0xFFFFFFFF  }
0xc2: {  	_ =	task.clear_ibuf [dreg:s7], $0x2FFFF;
	_ =	strace $0x9FFFFFFF  }
0xc3: {  	(tm) =	ssettm $0x7FFFFFFF  }
tec
execute0_lowered:
.L_overlay_start_1:
0x0: {  	(tag) =	ssettag $0x1  }
0x1: {  	s0 =	srdreg.scid;
	s1 =	rddreg [dreg:$0x0]  }
0x2: {  	s14 =	stileid.u32;
	s4 =	rddreg [dreg:$0x1]  }
0x3: {  	s3 =	rddreg [dreg:$0x2];
	s7 =	simm.s32 $0x0;
	s18 =	simm.s32 $0x13880  }
0x4: {  	s19 =	simm.s32 $0x16000;
	s20 =	simm.s32 $0x50;
	s21 =	simm.s32 $0x1A000  }
0x5: {  	s28 =	simm.s32 $0x3;
	s29 =	simm.s32 $0x13920;
	s30 =	simm.s32 $0x4  }
0x6: {  	s31 =	simm.s32 $0x15F40;
	s0 =	sand.u32 $0x1, s0;
	s6 =	sshll.u32 s14, $0x7  }
0x7: {  	[smem:$0x7FF] =	sst s7;
	s23 =	smul.u32 $0x4E000, s14;
	s26 =	sshll.u32 s14, $0x6  }
0x8: {  	s15 =	sadd.s32 $0x138000, s3;
	p0 =	sne.s32 s14, $0xF;
	s2 =	sshll.u32 s0, $0x4  }
0x9: {  	s6 =	sand.u32 $0x380, s6;
	_ =	strace $0x80000047;
	s22 =	smul.u32 $0x27100, s0  }
0xa: {  	s0 =	ssub.s32 $0x2, s0;
	s7 =	sor.u32 $0x1C05, s26;
	s15 =	sshrl.u32 @!p0 s15, $0x3  }
0xb: {  	s26 =	simm.s32 $0x16080;
	s2 =	sor.u32 s14, s2;
	s24 =	sshrl.u32 s0, $0x1  }
0xc: {  	s25 =	sshrl.u32 s23, $0x2;
	s23 =	simm.s32 $0x1C800;
	s5 =	sshrl.u32 s2, $0x3  }
0xd: {  	s2 =	sshll.u32 s2, $0xB;
	s11 =	sadd.s32 s22, s4;
	s0 =	ssub.s32 s0, s24  }
0xe: {  	s13 =	sadd.s32 s25, s3;
	s24 =	simm.s32 $0x1;
	s5 =	smul.u32 $0x13C00, s5  }
0xf: {  	s25 =	simm.s32 $0x2;
	s2 =	sadd.s32 s2, s4;
	s11 =	sadd.s32 $0x45400, s11  }
.Ltmp0:
0x10: {  	s12 =	smax.u32 s0, $0x1;
	s5 =	sor.u32 s6, s5;
	(pc) =	sbr.rel .LBB2_1-.Ltmp0, $4  }
0x11: {  	s13 =	sshrl.u32 s13, $0x3;
	s6 =	sshrl.u32 s5, $0x3;
	s5 =	smul.u32 $0x2700, s14  }
0x12: {  	s0 =	simm.s32 $0x0;
	s10 =	sadd.s32 $0x4400, s2;
	s2 =	simm.s32 $0x19E00  }
0x13: {  	s14 =	simm.s32 $0x5;
	s9 =	sadd.s32 s6, s4;
	s8 =	sadd.s32 s5, s4  }
0x14: {  	s9 =	sadd.s32 $0x14400, s9;
	s6 =	sadd.s32 $0x1E200, s8;
	s8 =	sadd.s32 $0x45200, s4  }
.LBB2_4:
0x15: {  	[tilespmem:s21], [sflag:$0x1] =	stream.indirect.gather [hbm4b:s1+s20], $0x80, s31, s20, $0xb8;
	[tilespmem:$0x1F000] =	vst v63  }
0x16: {  	_ =	swait.ge [sflag:s30], $0x2800  }
0x17: {  	[sflag:s30] =	ssyncset.done $0x0  }
0x18: {  	[sflag:s30] =	ssyncadd.s32 $0xFFFFD800  }
0x19: {  	_ =	swait.ge [sflag:s24], $0x2800  }
0x1a: {  	[sflag:s24] =	ssyncset.done $0x0  }
0x1b: {  	[sflag:s24] =	ssyncadd.s32 $0xFFFFD800  }
0x1c: {  	[spmem:s3] =	stream.indirect.scatter.add.f32 [tilespmem:s21], [sflag:$0x3], $0x80, s2, s20, $0xb8;
	[tilespmem:$0x1F000] =	vst v63  }
0x1d: {  	_ =	swait.ge [sflag:s28], $0x2800  }
0x1e: {  	[sflag:s28] =	ssyncset.done $0x0  }
0x1f: {  	[sflag:s28] =	ssyncadd.s32 $0xFFFFD800  }
0x20: {  	s4 =	sadd.s32 s5, s11;
	[bflag:$0x0] =	sbarrier.arrive $0xFFFF  }
0x21: {  	[hbm:s4], [sflag:s7] =	dma.local [spmem:s13], $0x2700  }
0x22: {  	_ =	swait.ge [sflag:s14], $0x2700  }
0x23: {  	s0 =	sadd.s32 $0x1, s0;
	[sflag:s14] =	ssyncset.done $0x0  }
0x24: {  	p1 =	sne.s32 s0, s12;
	s4 =	sadd.s32 @!p0 $0x27000, s11;
	[sflag:s14] =	ssyncadd.s32 $0xFFFFD900  }
0x25: {  	[hbm:s4], [sflag:s7] =	dma.local @!p0 [spmem:s15], $0x100  }
.Ltmp1:
0x26: {  	_ = 	snop;
	(pc) =	sbr.rel @!p1 .LBB2_5-.Ltmp1, $4  }
0x27: {  	s4 =	simm.s32 @!p0 $0x5  }
0x28: {  	_ =	swait.ge @!p0 [sflag:s4], $0x100  }
0x29: {  	[sflag:s4] =	ssyncset.done @!p0 $0x0  }
0x2a: {  	[sflag:s4] =	ssyncadd.s32 @!p0 $0xFFFFFF00  }
.LBB2_1:
0x2b: {  	[spmem:s13], [sflag:s7] =	dma.local [hbm:s6], $0x2700  }
0x2c: {  	_ =	swait.ge [sflag:s14], $0x2700  }
0x2d: {  	[sflag:s14] =	ssyncset.done $0x0  }
0x2e: {  	s4 =	simm.s32 @!p0 $0x5;
	[sflag:s14] =	ssyncadd.s32 $0xFFFFD900  }
0x2f: {  	[spmem:s15], [sflag:s7] =	dma.local @!p0 [hbm:s8], $0x100  }
0x30: {  	_ =	swait.ge @!p0 [sflag:s4], $0x100  }
0x31: {  	[sflag:s4] =	ssyncset.done @!p0 $0x0  }
0x32: {  	[sflag:s4] =	ssyncadd.s32 @!p0 $0xFFFFFF00  }
0x33: {  	s22 =	simm.s32 $0x80;
	s16 =	simm.s32 $0x400;
	[bflag:$0x0] =	sbarrier.arrive $0xFFFF  }
0x34: {  	[tilespmem:s18], [sflag:$0x5] =	stream.strided.gather [hbm4b:s9+s22], $0x2780, s16, s22, $0x38;
	[tilespmem:$0x1F000] =	vst v63  }
0x35: {  	_ =	swait.ge [sflag:s14], $0x2780  }
0x36: {  	[sflag:s14] =	ssyncset.done $0x0  }
0x37: {  	s17 =	simm.s32 $0x0;
	[sflag:s14] =	ssyncadd.s32 $0xFFFFD880  }
0x38: {  	[tilespmem:s19], [sflag:$0x5] =	stream.linear.gather [hbm4b:s10+s17], $0x3E80, $0x38;
	[tilespmem:$0x1F000] =	vst v63  }
0x39: {  	_ =	swait.ge [sflag:s14], $0x3E80  }
0x3a: {  	[sflag:s14] =	ssyncset.done $0x0  }
0x3b: {  	[sflag:s14] =	ssyncadd.s32 $0xFFFFC180  }
0x3c: {  	[tilespmem:s21], [sflag:$0x1] =	stream.indirect.gather [hbm4b:s1+s20], $0x80, s18, s20, $0xb8;
	[tilespmem:$0x1F000] =	vst v63  }
0x3d: {  	s22 =	simm.s32 $0x138D0  }
0x3e: {  	[tilespmem:s23], [sflag:$0x2] =	stream.indirect.gather [hbm4b:s1+s20], $0x80, s22, s20, $0xb8;
	[tilespmem:$0x1F000] =	vst v63  }
0x3f: {  	_ =	swait.ge [sflag:s24], $0x2800  }
0x40: {  	[sflag:s24] =	ssyncset.done $0x0  }
0x41: {  	[sflag:s24] =	ssyncadd.s32 $0xFFFFD800  }
0x42: {  	[spmem:s3] =	stream.indirect.scatter.add.f32 [tilespmem:s21], [sflag:$0x3], $0x80, s19, s20, $0xb8;
	[tilespmem:$0x1F000] =	vst v63  }
0x43: {  	_ =	swait.ge [sflag:s25], $0x2800  }
0x44: {  	[sflag:s25] =	ssyncset.done $0x0  }
0x45: {  	[sflag:s25] =	ssyncadd.s32 $0xFFFFD800  }
0x46: {  	[spmem:s3] =	stream.indirect.scatter.add.f32 [tilespmem:s23], [sflag:$0x4], $0x80, s26, s20, $0xb8;
	[tilespmem:$0x1F000] =	vst v63  }
0x47: {  	_ =	swait.ge [sflag:s28], $0x2800  }
0x48: {  	[sflag:s28] =	ssyncset.done $0x0  }
0x49: {  	s4 =	simm.s32 $0x139C0;
	s16 =	simm.s32 $0xFFFF1000;
	[sflag:s28] =	ssyncadd.s32 $0xFFFFD800  }
0x4a: {  	[tilespmem:s21], [sflag:$0x1] =	stream.indirect.gather [hbm4b:s1+s20], $0x80, s29, s20, $0xb8;
	[tilespmem:$0x1F000] =	vst v63  }
.LBB2_2:
0x4b: {  	_ =	swait.ge [sflag:s30], $0x2800  }
0x4c: {  	[sflag:s30] =	ssyncset.done $0x0  }
0x4d: {  	s17 =	sadd.s32 $0xFFFFFFB0, s4;
	[sflag:s30] =	ssyncadd.s32 $0xFFFFD800  }
0x4e: {  	[tilespmem:s23], [sflag:$0x2] =	stream.indirect.gather [hbm4b:s1+s20], $0x80, s17, s20, $0xb8;
	[tilespmem:$0x1F000] =	vst v63  }
0x4f: {  	_ =	swait.ge [sflag:s24], $0x2800  }
0x50: {  	s17 =	sshra.s32 s16, $0x2;
	[sflag:s24] =	ssyncset.done $0x0  }
0x51: {  	s22 =	sadd.s32 $0x19D00, s17;
	[sflag:s24] =	ssyncadd.s32 $0xFFFFD800  }
0x52: {  	[spmem:s3] =	stream.indirect.scatter.add.f32 [tilespmem:s21], [sflag:$0x3], $0x80, s22, s20, $0xb8;
	[tilespmem:$0x1F000] =	vst v63  }
0x53: {  	_ =	swait.ge [sflag:s25], $0x2800  }
0x54: {  	p1 =	seq.s32 s16, $0x0;
	[sflag:s25] =	ssyncset.done $0x0  }
.Ltmp2:
0x55: {  	s17 =	sadd.s32 $0x19D80, s17;
	[sflag:s25] =	ssyncadd.s32 $0xFFFFD800;
	(pc) =	sbr.rel @p1 .LBB2_4-.Ltmp2, $4  }
0x56: {  	[spmem:s3] =	stream.indirect.scatter.add.f32 [tilespmem:s23], [sflag:$0x4], $0x80, s17, s20, $0xb8;
	[tilespmem:$0x1F000] =	vst v63  }
0x57: {  	_ =	swait.ge [sflag:s28], $0x2800  }
0x58: {  	[sflag:s28] =	ssyncset.done $0x0  }
0x59: {  	[sflag:s28] =	ssyncadd.s32 $0xFFFFD800  }
.Ltmp3:
0x5a: {  	(pc) =	sbr.rel .LBB2_2-.Ltmp3, $3  }
0x5b: {  	_ =	sdelay $0x1  }
0x5c: {  	[tilespmem:s21], [sflag:$0x1] =	stream.indirect.gather [hbm4b:s1+s20], $0x80, s4, s20, $0xb8;
	[tilespmem:$0x1F000] =	vst v63  }
0x5d: {  	s4 =	sadd.s32 $0xA0, s4;
	s16 =	sadd.s32 $0x400, s16  }
.LBB2_5:
0x5e: {  	_ =	sfence.sel $0x180000  }
0x5f: {  	[bflag:$0x0] =	sbarrier.arrive $0xFFFF  }
0x60: {  	_ =	strace $0x90000047  }
0x61: {  	s0 =	stileid.u32;
	[bflag:$0x2] =	sbarrier.arrive $0xFFFF  }
0x62: {  	p0 =	sne.s32 s0, $0x0;
	s0 =	rddreg [dreg:$0x3]  }
0x63: {  	s0 =	sadd.s32 @!p0 $0x100000, s0  }
0x64: {  	[sflag:s0] =	ssyncadd.tile.s32 @!p0 $0x1;
	_ =	shalt  }
.Lfunc_end2:
_tile_overlayer_lowered:
.L_overlay_start_2:
0x65: {  	(tag) =	ssettag $0x2  }
0x66: {  	s0 =	rddreg [dreg:$0x0];
	s2 =	stileid.u32  }
0x67: {  	s1 =	rddreg [dreg:$0x1];
	p0 =	sne.s32 s2, $0x0  }
0x68: {  	s3 =	rddreg [dreg:$0x2];
	[bflag:$0x3] =	sbarrier.arrive $0xFFFF;
	s2 =	simm.s32 @!p0 $0x1C05  }
0x69: {  	[timem:s3], [sflag:s2] =	dma.local @!p0 [hbm:s0], s1  }
0x6a: {  	s0 =	simm.s32 @!p0 $0x5  }
0x6b: {  	_ =	swait.ge @!p0 [sflag:s0], s1  }
0x6c: {  	s1 =	ssub.s32 @!p0 $0x0, s1;
	[sflag:s0] =	ssyncset.done @!p0 $0x0  }
0x6d: {  	[sflag:s0] =	ssyncadd.s32 @!p0 s1  }
0x6e: {  	[bflag:$0x3] =	sbarrier.arrive $0xFFFF  }
0x6f: {  	_ =	shalt  }

// kernel: kernel.15.cloned.1.call-start
scs
__scs_entry_jumppad:
0x0: {  	(pc) =	sbr.rel $0x88, $3  }
0x1: {  	(tag) =	ssettag $0x0;
	lr =	simm.s32 $0x1  }
0x2: {  	[smem:$0x3F97] =	sst lr;
	_ =	strace $0xD0000000  }
0x3: {  	_ = 	snop  }
0x4: {  	_ = 	snop  }
0x5: {  	_ = 	snop  }
0x6: {  	_ = 	snop  }
0x7: {  	_ = 	snop  }
__scs_overlays_trampoline_lowered:
0x8: {  	[smem:$0x3FA6] =	sst s0  }
0x9: {  	[smem:$0x3FA7] =	sst s1  }
0xa: {  	[smem:$0x3FA8] =	sst s2  }
0xb: {  	[smem:$0x3FA9] =	sst s3  }
0xc: {  	[smem:$0x3FAA] =	sst s4  }
0xd: {  	[smem:$0x3FAB] =	sst s5  }
0xe: {  	[smem:$0x3FAC] =	sst s6  }
0xf: {  	[smem:$0x3FAD] =	sst s7  }
0x10: {  	[smem:$0x3FAE] =	sst s8  }
0x11: {  	[smem:$0x3FAF] =	sst s9;
	s0 =	simm.s32 @!p0 $0x0  }
0x12: {  	s1 =	sld [smem:$0x3F95];
	s0 =	simm.s32 @p0 $0x1  }
0x13: {  	[smem:$0x3FB0] =	sst s0;
	s0 =	simm.s32 @!p1 $0x0  }
0x14: {  	s2 =	sld [smem:$0x3F94];
	s0 =	simm.s32 @p1 $0x1  }
0x15: {  	[smem:$0x3FB1] =	sst s0;
	s0 =	simm.s32 @!p2 $0x0  }
0x16: {  	s3 =	sld [smem:$0x3FDB];
	s0 =	simm.s32 @p2 $0x1  }
0x17: {  	s4 =	simm.s32 $0x1BF5;
	[smem:$0x3FB3] =	sst s0  }
0x18: {  	s0 =	sld [smem:$0x3F96];
	_ =	swait.ge [sflag:s4], $0x0  }
0x19: {  	s7 =	sld [smem:$0x3F97]  }
0x1a: {  	s8 =	sadd.s32 $0xFFFFE003, lr  }
0x1b: {  	s9 =	sadd.s32 $0xFFFFFEF7, lr;
	s5 =	simm.s32 $0xFFFFFFFF;
	p2 =	slt.u32 s8, $0xFFFFF086  }
0x1c: {  	p1 =	slt.u32 s9, $0xF7A;
	s5 =	simm.s32 @!p2 $0x0  }
0x1d: {  	s5 =	simm.s32 @p1 $0x1;
	p0 =	seq.s32 s7, s2  }
0x1e: {  	s7 =	smul.u32 @!p0 $0xF7A, s2;
	p2 =	seq.s32 @!p0 s5, $0x0  }
0x1f: {  	s9 =	smul.u32 $0xF7A, s1;
	s8 =	simm.s32 @!p0 $0x1BF5;
	p2 =	por !p2, p0  }
0x20: {  	[sflag:s8] =	ssyncset.s32 @!p0 $0xFFFFF086;
	s6 =	sadd.s32 @!p0 s3, s7;
	s7 =	simm.s32 @!p0 $0x108  }
0x21: {  	s3 =	sadd.s32 s3, s9;
	s6 =	sadd.s32 @!p0 $0x88, s6;
	s7 =	simm.s32 @p2 $0x1082  }
0x22: {  	[simem:s7], [sflag:s8] =	dma.local @!p0 [hbm:s6], $0xF7A  }
0x23: {  	s9 =	sor.u32 $0xD0000000, s2;
	s6 =	simm.s32 $0x108;
	_ =	swait.ge @!p0 [sflag:s8], $0x0  }
0x24: {  	s3 =	sadd.s32 $0x88, s3;
	s6 =	simm.s32 @!p1 $0x1082;
	[sflag:s4] =	ssyncset.s32 $0xFFFFF086  }
0x25: {  	[simem:s6], [sflag:s4] =	dma.local [hbm:s3], $0xF7A  }
0x26: {  	[smem:$0x3F97] =	sst s1;
	(tag) =	ssettag s2;
	_ =	strace s9  }
0x27: {  	s1 =	sld [smem:$0x3FA7]  }
0x28: {  	s2 =	sld [smem:$0x3FA8]  }
0x29: {  	s4 =	sld [smem:$0x3FAA]  }
0x2a: {  	p0 =	seq.s32 s5, $0x0;
	s5 =	sld [smem:$0x3FAB]  }
0x2b: {  	s6 =	sld [smem:$0x3FAC]  }
0x2c: {  	s7 =	sld [smem:$0x3FAD]  }
0x2d: {  	s3 =	simm.s32 $0x108;
	s8 =	sld [smem:$0x3FAE]  }
0x2e: {  	s3 =	simm.s32 @!p0 $0x1082;
	s9 =	sld [smem:$0x3FAF]  }
0x2f: {  	lr =	sadd.s32 s0, s3;
	s0 =	sld [smem:$0x3FA6]  }
0x30: {  	s3 =	sld [smem:$0x3FA9]  }
0x31: {  	[smem:$0x3FB2] =	sst s10  }
0x32: {  	s10 =	sld [smem:$0x3FB0];
	_ =	sdelay $0x3  }
0x33: {  	p0 =	seq.s32 s10, $0x1;
	s10 =	sld [smem:$0x3FB2];
	_ =	sdelay $0x3  }
0x34: {  	[smem:$0x3FB2] =	sst s10  }
0x35: {  	s10 =	sld [smem:$0x3FB1];
	_ =	sdelay $0x3  }
0x36: {  	p1 =	seq.s32 s10, $0x1;
	s10 =	sld [smem:$0x3FB2];
	_ =	sdelay $0x3  }
0x37: {  	[smem:$0x3FB2] =	sst s10  }
0x38: {  	s10 =	sld [smem:$0x3FB3]  }
0x39: {  	_ = 	snop;
	(pc) =	sbr.ind lr, $3  }
0x3a: {  	_ = 	snop  }
0x3b: {  	_ = 	snop  }
0x3c: {  	p2 =	seq.s32 s10, $0x1;
	s10 =	sld [smem:$0x3FB2]  }
0x3d: {  	_ =	shalt  }
0x3e: {  	_ =	shalt  }
0x3f: {  	_ =	shalt  }
0x40: {  	_ =	shalt  }
0x41: {  	_ =	shalt  }
0x42: {  	_ =	shalt  }
0x43: {  	_ =	shalt  }
0x44: {  	_ =	shalt  }
0x45: {  	_ =	shalt  }
0x46: {  	_ =	shalt  }
0x47: {  	_ =	shalt  }
0x48: {  	_ =	shalt  }
0x49: {  	_ =	shalt  }
0x4a: {  	_ =	shalt  }
0x4b: {  	_ =	shalt  }
0x4c: {  	_ =	shalt  }
0x4d: {  	_ =	shalt  }
0x4e: {  	_ =	shalt  }
0x4f: {  	_ =	shalt  }
0x50: {  	_ =	shalt  }
0x51: {  	_ =	shalt  }
0x52: {  	_ =	shalt  }
0x53: {  	_ =	shalt  }
0x54: {  	_ =	shalt  }
0x55: {  	_ =	shalt  }
0x56: {  	_ =	shalt  }
0x57: {  	_ =	shalt  }
0x58: {  	_ =	shalt  }
0x59: {  	_ =	shalt  }
0x5a: {  	_ =	shalt  }
0x5b: {  	_ =	shalt  }
0x5c: {  	_ =	shalt  }
0x5d: {  	_ =	shalt  }
0x5e: {  	_ =	shalt  }
0x5f: {  	_ =	shalt  }
0x60: {  	_ =	shalt  }
0x61: {  	_ =	shalt  }
0x62: {  	_ =	shalt  }
0x63: {  	_ =	shalt  }
0x64: {  	_ =	shalt  }
0x65: {  	_ =	shalt  }
0x66: {  	_ =	shalt  }
0x67: {  	_ =	shalt  }
0x68: {  	_ =	shalt  }
0x69: {  	_ =	shalt  }
0x6a: {  	_ =	shalt  }
0x6b: {  	_ =	shalt  }
0x6c: {  	_ =	shalt  }
0x6d: {  	_ =	shalt  }
0x6e: {  	_ =	shalt  }
0x6f: {  	_ =	shalt  }
0x70: {  	_ =	shalt  }
0x71: {  	_ =	shalt  }
0x72: {  	_ =	shalt  }
0x73: {  	_ =	shalt  }
0x74: {  	_ =	shalt  }
0x75: {  	_ =	shalt  }
0x76: {  	_ =	shalt  }
0x77: {  	_ =	shalt  }
0x78: {  	_ =	shalt  }
0x79: {  	_ =	shalt  }
0x7a: {  	_ =	shalt  }
0x7b: {  	_ =	shalt  }
0x7c: {  	_ =	shalt  }
0x7d: {  	_ =	shalt  }
0x7e: {  	_ =	shalt  }
0x7f: {  	_ =	shalt  }
0x80: {  	_ =	shalt  }
0x81: {  	_ =	shalt  }
0x82: {  	_ =	shalt  }
0x83: {  	_ =	shalt  }
0x84: {  	_ =	shalt  }
0x85: {  	_ =	shalt  }
0x86: {  	_ =	shalt  }
0x87: {  	_ =	shalt  }
.Lfunc_end0:
.L_simem_size_0:
called_computation.1_lowered:
.L_overlay_start_0:
0x88: {  	s2 =	sld [smem:$0x3FD9]  }
0x89: {  	s3 =	sld [smem:$0x3FFE];
	_ =	sdelay $0x1  }
0x8a: {  	s1 =	srdreg.scid  }
0x8b: {  	s0 =	sand.u32 $0x1, s1  }
0x8c: {  	s16 =	sshll.u32 s0, $0xA;
	s2 =	sadd.s32 s3, s2  }
0x8d: {  	s2 =	sadd.s32 s2, s16  }
0x8e: {  	[smem:$0x3FBE] =	sst s2  }
0x8f: {  	_ = 	snop  }
0x90: {  	(tm) =	ssettm $0x1  }
0x91: {  	s17 =	sld [smem:$0x3FFB];
	_ =	sdelay $0x3  }
0x92: {  	_ =	strace s17  }
0x93: {  	s2 =	sld [smem:$0x3FFC];
	_ =	sdelay $0x3  }
0x94: {  	_ =	strace s2  }
0x95: {  	s2 =	sld [smem:$0x3FFD];
	_ =	sdelay $0x3  }
0x96: {  	_ =	strace s2  }
0x97: {  	_ =	strace $0x8FFFFFFF  }
0x98: {  	s18 =	sld [smem:$0x3FDB];
	_ =	sdelay $0x1  }
0x99: {  	s19 =	simm.s32 $_scs_section_size  }
0x9a: {  	s4 =	simm.s32 $_size__tile_overlayer_lowered;
	s5 =	simm.s32 $_tile_overlayer_lowered  }
0x9b: {  	s22 =	simm.s32 $0x1BFF;
	s21 =	sshll.u32 s5, $0x1;
	s2 =	sadd.s32 s19, s18  }
0x9c: {  	s6 =	simm.s32 $0x0;
	s20 =	sshll.u32 s4, $0x1;
	s4 =	sadd.s32 s21, s2  }
0x9d: {  	[timem:s6], [sflag:s22] =	dma.local [hbm:s4], s20  }
0x9e: {  	_ =	swait.ge [sflag:s22], s20  }
0x9f: {  	s3 =	ssub.s32 $0x0, s20;
	[sflag:s22] =	ssyncset.done $0x0  }
0xa0: {  	[sflag:s22] =	ssyncadd.s32 s3;
	_ =	sdelay $0x1  }
0xa1: {  	s23 =	simm.s32 $0x1B8B  }
0xa2: {  	_ =	swait.ge [sflag:s23], $0x1  }
0xa3: {  	[sflag:s23] =	ssyncset.done $0x0  }
0xa4: {  	s25 =	simm.s32 $0x1B8E;
	s24 =	sld [smem:$0x3FFE];
	[sflag:s23] =	ssyncadd.s32 $0xFFFFFFFF  }
0xa5: {  	s26 =	simm.s32 $execute0_lowered;
	[smem:$0x3FD2] =	sst s25  }
0xa6: {  	s4 =	sshll.u32 s26, $0x1;
	_ =	strace $0x80000049;
	[dreg:$0x1] =	wrdreg $0xFFFFFFFF  }
0xa7: {  	s28 =	simm.s32 $_size_execute0_lowered;
	s2 =	sadd.s32 s2, s4;
	[dreg:$0x0] =	wrdreg $0x0  }
0xa8: {  	s4 =	sshll.u32 s28, $0x1;
	[dreg:$0x2] =	wrdreg s2  }
0xa9: {  	[dreg:$0x3] =	wrdreg s4  }
0xaa: {  	[dreg:$0x4] =	wrdreg $0xC0  }
0xab: {  	_ =	task [dreg:s6], $0x5FFFF  }
0xac: {  	[dreg:$0x1] =	wrdreg $0xFFFFFFFF  }
0xad: {  	[dreg:$0x0] =	wrdreg $0x60  }
0xae: {  	[dreg:$0x2] =	wrdreg s24  }
0xaf: {  	[dreg:$0x3] =	wrdreg $0x0  }
0xb0: {  	[dreg:$0x4] =	wrdreg $0x9  }
0xb1: {  	_ =	task.clear_ibuf [dreg:s6], $0x5FFFF;
	_ =	strace $0x90000049  }
0xb2: {  	s29 =	simm.s32 $0x9;
	_ =	strace $0x8000004B  }
0xb3: {  	_ =	swait.ge [sflag:s29], $0x1  }
0xb4: {  	[sflag:s29] =	ssyncadd.s32 $0xFFFFFFFF  }
0xb5: {  	_ =	strace $0x9000004B  }
0xb6: {  	_ =	sfence  }
0xb7: {  	s30 =	sld [smem:$0x0];
	_ =	sdelay $0x2  }
0xb8: {  	s31 =	sshll.u32 s1, $0xD;
	s1 =	sshrl.u32 s1, $0x2  }
0xb9: {  	s3 =	sand.u32 $0x4000, s31;
	s1 =	sadd.s32 s1, s30  }
0xba: {  	s0 =	sor.u32 s3, s0;
	s1 =	sshll.u32 s1, $0x11  }
0xbb: {  	s0 =	sor.u32 s1, s0  }
0xbc: {  	s0 =	sadd.s32 $0x8F2B, s0  }
0xbd: {  	[sflag:s0] =	ssyncadd.remote.s32 $0x1  }
0xbe: {  	_ =	sfence.sel $0xFFFF  }
0xbf: {  	[dreg:$0x0] =	wrdreg $0xFFFFFFFF;
	(pc) =	sbr.abs _section_cstart, $3  }
0xc0: {  	[dreg:$0x1] =	wrdreg $0xFFFFFFFF  }
0xc1: {  	_ =	task.clear_ibuf [dreg:s6], $0x2FFFF;
	_ =	strace $0x9FFFFFFF  }
0xc2: {  	(tm) =	ssettm $0x7FFFFFFF  }
0xc3: {  	_ =	shalt  }
tec
execute0_lowered:
.L_overlay_start_1:
0x0: {  	(tag) =	ssettag $0x1  }
0x1: {  	s0 =	srdreg.scid;
	s1 =	rddreg [dreg:$0x0]  }
0x2: {  	s14 =	stileid.u32;
	s2 =	rddreg [dreg:$0x1]  }
0x3: {  	s6 =	simm.s32 $0x0;
	s18 =	simm.s32 $0x13880;
	s19 =	simm.s32 $0x16000  }
0x4: {  	s20 =	simm.s32 $0x50;
	s21 =	simm.s32 $0x1A000;
	s28 =	simm.s32 $0x3  }
0x5: {  	s29 =	simm.s32 $0x13920;
	s30 =	simm.s32 $0x4;
	s31 =	simm.s32 $0x15F40  }
0x6: {  	s0 =	sand.u32 $0x1, s0;
	s5 =	sshll.u32 s14, $0x7;
	[smem:$0x7FF] =	sst s6  }
0x7: {  	s7 =	smul.u32 $0x4E000, s14;
	s26 =	sshll.u32 s14, $0x6;
	s15 =	sadd.s32 $0x138000, s2  }
0x8: {  	p0 =	sne.s32 s14, $0xF;
	s3 =	sshll.u32 s0, $0x4;
	s5 =	sand.u32 $0x380, s5  }
0x9: {  	_ =	strace $0x8000004A;
	s23 =	smul.u32 $0x27100, s0;
	s0 =	ssub.s32 $0x2, s0  }
0xa: {  	s15 =	sshrl.u32 @!p0 s15, $0x3;
	s3 =	sor.u32 s14, s3;
	s24 =	sshrl.u32 s0, $0x1  }
0xb: {  	s25 =	sshrl.u32 s7, $0x2;
	s7 =	sor.u32 $0x1C05, s26;
	s26 =	simm.s32 $0x16080  }
0xc: {  	s4 =	sshrl.u32 s3, $0x3;
	s3 =	sshll.u32 s3, $0xB;
	s11 =	sadd.s32 s23, s1  }
0xd: {  	s0 =	ssub.s32 s0, s24;
	s13 =	sadd.s32 s25, s2;
	s23 =	simm.s32 $0x1C800  }
0xe: {  	s24 =	simm.s32 $0x1;
	s25 =	simm.s32 $0x2;
	s4 =	smul.u32 $0x13C00, s4  }
0xf: {  	s3 =	sadd.s32 s3, s1;
	s11 =	sadd.s32 $0x6C600, s11;
	s12 =	smax.u32 s0, $0x1  }
.Ltmp0:
0x10: {  	s13 =	sshrl.u32 s13, $0x3;
	s5 =	sor.u32 s5, s4;
	(pc) =	sbr.rel .LBB2_1-.Ltmp0, $4  }
0x11: {  	s0 =	simm.s32 $0x0;
	s22 =	sshrl.u32 s5, $0x3;
	s5 =	smul.u32 $0x2700, s14  }
0x12: {  	s10 =	sadd.s32 $0x4400, s3;
	s4 =	sadd.s32 $0x45400, s1;
	s9 =	sadd.s32 s22, s1  }
0x13: {  	s14 =	simm.s32 $0x5;
	s8 =	sadd.s32 s5, s1;
	s9 =	sadd.s32 $0x14400, s9  }
0x14: {  	s6 =	sadd.s32 $0x1E200, s8;
	s8 =	sadd.s32 $0x45200, s1;
	s1 =	simm.s32 $0x19E00  }
.LBB2_4:
0x15: {  	[tilespmem:s21], [sflag:$0x1] =	stream.indirect.gather [hbm4b:s4+s20], $0x80, s31, s20, $0xb8;
	[tilespmem:$0x1F000] =	vst v63  }
0x16: {  	_ =	swait.ge [sflag:s30], $0x2800  }
0x17: {  	[sflag:s30] =	ssyncset.done $0x0  }
0x18: {  	[sflag:s30] =	ssyncadd.s32 $0xFFFFD800  }
0x19: {  	_ =	swait.ge [sflag:s24], $0x2800  }
0x1a: {  	[sflag:s24] =	ssyncset.done $0x0  }
0x1b: {  	[sflag:s24] =	ssyncadd.s32 $0xFFFFD800  }
0x1c: {  	[spmem:s2] =	stream.indirect.scatter.add.f32 [tilespmem:s21], [sflag:$0x3], $0x80, s1, s20, $0xb8;
	[tilespmem:$0x1F000] =	vst v63  }
0x1d: {  	_ =	swait.ge [sflag:s28], $0x2800  }
0x1e: {  	[sflag:s28] =	ssyncset.done $0x0  }
0x1f: {  	[sflag:s28] =	ssyncadd.s32 $0xFFFFD800  }
0x20: {  	s3 =	sadd.s32 s5, s11;
	[bflag:$0x0] =	sbarrier.arrive $0xFFFF  }
0x21: {  	[hbm:s3], [sflag:s7] =	dma.local [spmem:s13], $0x2700  }
0x22: {  	_ =	swait.ge [sflag:s14], $0x2700  }
0x23: {  	s0 =	sadd.s32 $0x1, s0;
	[sflag:s14] =	ssyncset.done $0x0  }
0x24: {  	p1 =	sne.s32 s0, s12;
	s3 =	sadd.s32 @!p0 $0x27000, s11;
	[sflag:s14] =	ssyncadd.s32 $0xFFFFD900  }
0x25: {  	[hbm:s3], [sflag:s7] =	dma.local @!p0 [spmem:s15], $0x100  }
.Ltmp1:
0x26: {  	_ = 	snop;
	(pc) =	sbr.rel @!p1 .LBB2_5-.Ltmp1, $4  }
0x27: {  	s3 =	simm.s32 @!p0 $0x5  }
0x28: {  	_ =	swait.ge @!p0 [sflag:s3], $0x100  }
0x29: {  	[sflag:s3] =	ssyncset.done @!p0 $0x0  }
0x2a: {  	[sflag:s3] =	ssyncadd.s32 @!p0 $0xFFFFFF00  }
.LBB2_1:
0x2b: {  	[spmem:s13], [sflag:s7] =	dma.local [hbm:s6], $0x2700  }
0x2c: {  	_ =	swait.ge [sflag:s14], $0x2700  }
0x2d: {  	[sflag:s14] =	ssyncset.done $0x0  }
0x2e: {  	s3 =	simm.s32 @!p0 $0x5;
	[sflag:s14] =	ssyncadd.s32 $0xFFFFD900  }
0x2f: {  	[spmem:s15], [sflag:s7] =	dma.local @!p0 [hbm:s8], $0x100  }
0x30: {  	_ =	swait.ge @!p0 [sflag:s3], $0x100  }
0x31: {  	[sflag:s3] =	ssyncset.done @!p0 $0x0  }
0x32: {  	[sflag:s3] =	ssyncadd.s32 @!p0 $0xFFFFFF00  }
0x33: {  	s22 =	simm.s32 $0x80;
	s16 =	simm.s32 $0x400;
	[bflag:$0x0] =	sbarrier.arrive $0xFFFF  }
0x34: {  	[tilespmem:s18], [sflag:$0x5] =	stream.strided.gather [hbm4b:s9+s22], $0x2780, s16, s22, $0x38;
	[tilespmem:$0x1F000] =	vst v63  }
0x35: {  	_ =	swait.ge [sflag:s14], $0x2780  }
0x36: {  	[sflag:s14] =	ssyncset.done $0x0  }
0x37: {  	s17 =	simm.s32 $0x0;
	[sflag:s14] =	ssyncadd.s32 $0xFFFFD880  }
0x38: {  	[tilespmem:s19], [sflag:$0x5] =	stream.linear.gather [hbm4b:s10+s17], $0x3E80, $0x38;
	[tilespmem:$0x1F000] =	vst v63  }
0x39: {  	_ =	swait.ge [sflag:s14], $0x3E80  }
0x3a: {  	[sflag:s14] =	ssyncset.done $0x0  }
0x3b: {  	[sflag:s14] =	ssyncadd.s32 $0xFFFFC180  }
0x3c: {  	[tilespmem:s21], [sflag:$0x1] =	stream.indirect.gather [hbm4b:s4+s20], $0x80, s18, s20, $0xb8;
	[tilespmem:$0x1F000] =	vst v63  }
0x3d: {  	s22 =	simm.s32 $0x138D0  }
0x3e: {  	[tilespmem:s23], [sflag:$0x2] =	stream.indirect.gather [hbm4b:s4+s20], $0x80, s22, s20, $0xb8;
	[tilespmem:$0x1F000] =	vst v63  }
0x3f: {  	_ =	swait.ge [sflag:s24], $0x2800  }
0x40: {  	[sflag:s24] =	ssyncset.done $0x0  }
0x41: {  	[sflag:s24] =	ssyncadd.s32 $0xFFFFD800  }
0x42: {  	[spmem:s2] =	stream.indirect.scatter.add.f32 [tilespmem:s21], [sflag:$0x3], $0x80, s19, s20, $0xb8;
	[tilespmem:$0x1F000] =	vst v63  }
0x43: {  	_ =	swait.ge [sflag:s25], $0x2800  }
0x44: {  	[sflag:s25] =	ssyncset.done $0x0  }
0x45: {  	[sflag:s25] =	ssyncadd.s32 $0xFFFFD800  }
0x46: {  	[spmem:s2] =	stream.indirect.scatter.add.f32 [tilespmem:s23], [sflag:$0x4], $0x80, s26, s20, $0xb8;
	[tilespmem:$0x1F000] =	vst v63  }
0x47: {  	_ =	swait.ge [sflag:s28], $0x2800  }
0x48: {  	[sflag:s28] =	ssyncset.done $0x0  }
0x49: {  	s3 =	simm.s32 $0x139C0;
	s16 =	simm.s32 $0xFFFF1000;
	[sflag:s28] =	ssyncadd.s32 $0xFFFFD800  }
0x4a: {  	[tilespmem:s21], [sflag:$0x1] =	stream.indirect.gather [hbm4b:s4+s20], $0x80, s29, s20, $0xb8;
	[tilespmem:$0x1F000] =	vst v63  }
.LBB2_2:
0x4b: {  	_ =	swait.ge [sflag:s30], $0x2800  }
0x4c: {  	[sflag:s30] =	ssyncset.done $0x0  }
0x4d: {  	s17 =	sadd.s32 $0xFFFFFFB0, s3;
	[sflag:s30] =	ssyncadd.s32 $0xFFFFD800  }
0x4e: {  	[tilespmem:s23], [sflag:$0x2] =	stream.indirect.gather [hbm4b:s4+s20], $0x80, s17, s20, $0xb8;
	[tilespmem:$0x1F000] =	vst v63  }
0x4f: {  	_ =	swait.ge [sflag:s24], $0x2800  }
0x50: {  	s17 =	sshra.s32 s16, $0x2;
	[sflag:s24] =	ssyncset.done $0x0  }
0x51: {  	s22 =	sadd.s32 $0x19D00, s17;
	[sflag:s24] =	ssyncadd.s32 $0xFFFFD800  }
0x52: {  	[spmem:s2] =	stream.indirect.scatter.add.f32 [tilespmem:s21], [sflag:$0x3], $0x80, s22, s20, $0xb8;
	[tilespmem:$0x1F000] =	vst v63  }
0x53: {  	_ =	swait.ge [sflag:s25], $0x2800  }
0x54: {  	p1 =	seq.s32 s16, $0x0;
	[sflag:s25] =	ssyncset.done $0x0  }
.Ltmp2:
0x55: {  	s17 =	sadd.s32 $0x19D80, s17;
	[sflag:s25] =	ssyncadd.s32 $0xFFFFD800;
	(pc) =	sbr.rel @p1 .LBB2_4-.Ltmp2, $4  }
0x56: {  	[spmem:s2] =	stream.indirect.scatter.add.f32 [tilespmem:s23], [sflag:$0x4], $0x80, s17, s20, $0xb8;
	[tilespmem:$0x1F000] =	vst v63  }
0x57: {  	_ =	swait.ge [sflag:s28], $0x2800  }
0x58: {  	[sflag:s28] =	ssyncset.done $0x0  }
0x59: {  	[sflag:s28] =	ssyncadd.s32 $0xFFFFD800  }
.Ltmp3:
0x5a: {  	(pc) =	sbr.rel .LBB2_2-.Ltmp3, $3  }
0x5b: {  	_ =	sdelay $0x1  }
0x5c: {  	[tilespmem:s21], [sflag:$0x1] =	stream.indirect.gather [hbm4b:s4+s20], $0x80, s3, s20, $0xb8;
	[tilespmem:$0x1F000] =	vst v63  }
0x5d: {  	s3 =	sadd.s32 $0xA0, s3;
	s16 =	sadd.s32 $0x400, s16  }
.LBB2_5:
0x5e: {  	_ =	sfence.sel $0x180000  }
0x5f: {  	[bflag:$0x0] =	sbarrier.arrive $0xFFFF  }
0x60: {  	_ =	strace $0x9000004A  }
0x61: {  	s0 =	stileid.u32;
	[bflag:$0x2] =	sbarrier.arrive $0xFFFF  }
0x62: {  	p0 =	sne.s32 s0, $0x0;
	s0 =	rddreg [dreg:$0x2]  }
0x63: {  	s0 =	sadd.s32 @!p0 $0x100000, s0  }
0x64: {  	[sflag:s0] =	ssyncadd.tile.s32 @!p0 $0x1;
	_ =	shalt  }
.Lfunc_end2:
_tile_overlayer_lowered:
.L_overlay_start_2:
0x65: {  	(tag) =	ssettag $0x2  }
0x66: {  	s0 =	rddreg [dreg:$0x0];
	s2 =	stileid.u32  }
0x67: {  	s1 =	rddreg [dreg:$0x1];
	p0 =	sne.s32 s2, $0x0  }
0x68: {  	s3 =	rddreg [dreg:$0x2];
	[bflag:$0x3] =	sbarrier.arrive $0xFFFF;
	s2 =	simm.s32 @!p0 $0x1C05  }
0x69: {  	[timem:s3], [sflag:s2] =	dma.local @!p0 [hbm:s0], s1  }
0x6a: {  	s0 =	simm.s32 @!p0 $0x5  }
0x6b: {  	_ =	swait.ge @!p0 [sflag:s0], s1  }
0x6c: {  	s1 =	ssub.s32 @!p0 $0x0, s1;
	[sflag:s0] =	ssyncset.done @!p0 $0x0  }
0x6d: {  	[sflag:s0] =	ssyncadd.s32 @!p0 s1  }
0x6e: {  	[bflag:$0x3] =	sbarrier.arrive $0xFFFF  }
0x6f: {  	_ =	shalt  }

// kernel: kernel.18.cloned.1.call-start
scs
__scs_entry_jumppad:
0x0: {  	(pc) =	sbr.rel $0x88, $3  }
0x1: {  	(tag) =	ssettag $0x0;
	lr =	simm.s32 $0x1  }
0x2: {  	[smem:$0x3F97] =	sst lr;
	_ =	strace $0xD0000000  }
0x3: {  	_ = 	snop  }
0x4: {  	_ = 	snop  }
0x5: {  	_ = 	snop  }
0x6: {  	_ = 	snop  }
0x7: {  	_ = 	snop  }
__scs_overlays_trampoline_lowered:
0x8: {  	[smem:$0x3FA6] =	sst s0  }
0x9: {  	[smem:$0x3FA7] =	sst s1  }
0xa: {  	[smem:$0x3FA8] =	sst s2  }
0xb: {  	[smem:$0x3FA9] =	sst s3  }
0xc: {  	[smem:$0x3FAA] =	sst s4  }
0xd: {  	[smem:$0x3FAB] =	sst s5  }
0xe: {  	[smem:$0x3FAC] =	sst s6  }
0xf: {  	[smem:$0x3FAD] =	sst s7  }
0x10: {  	[smem:$0x3FAE] =	sst s8  }
0x11: {  	[smem:$0x3FAF] =	sst s9;
	s0 =	simm.s32 @!p0 $0x0  }
0x12: {  	s1 =	sld [smem:$0x3F95];
	s0 =	simm.s32 @p0 $0x1  }
0x13: {  	[smem:$0x3FB0] =	sst s0;
	s0 =	simm.s32 @!p1 $0x0  }
0x14: {  	s2 =	sld [smem:$0x3F94];
	s0 =	simm.s32 @p1 $0x1  }
0x15: {  	[smem:$0x3FB1] =	sst s0;
	s0 =	simm.s32 @!p2 $0x0  }
0x16: {  	s3 =	sld [smem:$0x3FDB];
	s0 =	simm.s32 @p2 $0x1  }
0x17: {  	s4 =	simm.s32 $0x1BF5;
	[smem:$0x3FB3] =	sst s0  }
0x18: {  	s0 =	sld [smem:$0x3F96];
	_ =	swait.ge [sflag:s4], $0x0  }
0x19: {  	s7 =	sld [smem:$0x3F97]  }
0x1a: {  	s8 =	sadd.s32 $0xFFFFE003, lr  }
0x1b: {  	s9 =	sadd.s32 $0xFFFFFEF7, lr;
	s5 =	simm.s32 $0xFFFFFFFF;
	p2 =	slt.u32 s8, $0xFFFFF086  }
0x1c: {  	p1 =	slt.u32 s9, $0xF7A;
	s5 =	simm.s32 @!p2 $0x0  }
0x1d: {  	s5 =	simm.s32 @p1 $0x1;
	p0 =	seq.s32 s7, s2  }
0x1e: {  	s7 =	smul.u32 @!p0 $0xF7A, s2;
	p2 =	seq.s32 @!p0 s5, $0x0  }
0x1f: {  	s9 =	smul.u32 $0xF7A, s1;
	s8 =	simm.s32 @!p0 $0x1BF5;
	p2 =	por !p2, p0  }
0x20: {  	[sflag:s8] =	ssyncset.s32 @!p0 $0xFFFFF086;
	s6 =	sadd.s32 @!p0 s3, s7;
	s7 =	simm.s32 @!p0 $0x108  }
0x21: {  	s3 =	sadd.s32 s3, s9;
	s6 =	sadd.s32 @!p0 $0x88, s6;
	s7 =	simm.s32 @p2 $0x1082  }
0x22: {  	[simem:s7], [sflag:s8] =	dma.local @!p0 [hbm:s6], $0xF7A  }
0x23: {  	s9 =	sor.u32 $0xD0000000, s2;
	s6 =	simm.s32 $0x108;
	_ =	swait.ge @!p0 [sflag:s8], $0x0  }
0x24: {  	s3 =	sadd.s32 $0x88, s3;
	s6 =	simm.s32 @!p1 $0x1082;
	[sflag:s4] =	ssyncset.s32 $0xFFFFF086  }
0x25: {  	[simem:s6], [sflag:s4] =	dma.local [hbm:s3], $0xF7A  }
0x26: {  	[smem:$0x3F97] =	sst s1;
	(tag) =	ssettag s2;
	_ =	strace s9  }
0x27: {  	s1 =	sld [smem:$0x3FA7]  }
0x28: {  	s2 =	sld [smem:$0x3FA8]  }
0x29: {  	s4 =	sld [smem:$0x3FAA]  }
0x2a: {  	p0 =	seq.s32 s5, $0x0;
	s5 =	sld [smem:$0x3FAB]  }
0x2b: {  	s6 =	sld [smem:$0x3FAC]  }
0x2c: {  	s7 =	sld [smem:$0x3FAD]  }
0x2d: {  	s3 =	simm.s32 $0x108;
	s8 =	sld [smem:$0x3FAE]  }
0x2e: {  	s3 =	simm.s32 @!p0 $0x1082;
	s9 =	sld [smem:$0x3FAF]  }
0x2f: {  	lr =	sadd.s32 s0, s3;
	s0 =	sld [smem:$0x3FA6]  }
0x30: {  	s3 =	sld [smem:$0x3FA9]  }
0x31: {  	[smem:$0x3FB2] =	sst s10  }
0x32: {  	s10 =	sld [smem:$0x3FB0];
	_ =	sdelay $0x3  }
0x33: {  	p0 =	seq.s32 s10, $0x1;
	s10 =	sld [smem:$0x3FB2];
	_ =	sdelay $0x3  }
0x34: {  	[smem:$0x3FB2] =	sst s10  }
0x35: {  	s10 =	sld [smem:$0x3FB1];
	_ =	sdelay $0x3  }
0x36: {  	p1 =	seq.s32 s10, $0x1;
	s10 =	sld [smem:$0x3FB2];
	_ =	sdelay $0x3  }
0x37: {  	[smem:$0x3FB2] =	sst s10  }
0x38: {  	s10 =	sld [smem:$0x3FB3]  }
0x39: {  	_ = 	snop;
	(pc) =	sbr.ind lr, $3  }
0x3a: {  	_ = 	snop  }
0x3b: {  	_ = 	snop  }
0x3c: {  	p2 =	seq.s32 s10, $0x1;
	s10 =	sld [smem:$0x3FB2]  }
0x3d: {  	_ =	shalt  }
0x3e: {  	_ =	shalt  }
0x3f: {  	_ =	shalt  }
0x40: {  	_ =	shalt  }
0x41: {  	_ =	shalt  }
0x42: {  	_ =	shalt  }
0x43: {  	_ =	shalt  }
0x44: {  	_ =	shalt  }
0x45: {  	_ =	shalt  }
0x46: {  	_ =	shalt  }
0x47: {  	_ =	shalt  }
0x48: {  	_ =	shalt  }
0x49: {  	_ =	shalt  }
0x4a: {  	_ =	shalt  }
0x4b: {  	_ =	shalt  }
0x4c: {  	_ =	shalt  }
0x4d: {  	_ =	shalt  }
0x4e: {  	_ =	shalt  }
0x4f: {  	_ =	shalt  }
0x50: {  	_ =	shalt  }
0x51: {  	_ =	shalt  }
0x52: {  	_ =	shalt  }
0x53: {  	_ =	shalt  }
0x54: {  	_ =	shalt  }
0x55: {  	_ =	shalt  }
0x56: {  	_ =	shalt  }
0x57: {  	_ =	shalt  }
0x58: {  	_ =	shalt  }
0x59: {  	_ =	shalt  }
0x5a: {  	_ =	shalt  }
0x5b: {  	_ =	shalt  }
0x5c: {  	_ =	shalt  }
0x5d: {  	_ =	shalt  }
0x5e: {  	_ =	shalt  }
0x5f: {  	_ =	shalt  }
0x60: {  	_ =	shalt  }
0x61: {  	_ =	shalt  }
0x62: {  	_ =	shalt  }
0x63: {  	_ =	shalt  }
0x64: {  	_ =	shalt  }
0x65: {  	_ =	shalt  }
0x66: {  	_ =	shalt  }
0x67: {  	_ =	shalt  }
0x68: {  	_ =	shalt  }
0x69: {  	_ =	shalt  }
0x6a: {  	_ =	shalt  }
0x6b: {  	_ =	shalt  }
0x6c: {  	_ =	shalt  }
0x6d: {  	_ =	shalt  }
0x6e: {  	_ =	shalt  }
0x6f: {  	_ =	shalt  }
0x70: {  	_ =	shalt  }
0x71: {  	_ =	shalt  }
0x72: {  	_ =	shalt  }
0x73: {  	_ =	shalt  }
0x74: {  	_ =	shalt  }
0x75: {  	_ =	shalt  }
0x76: {  	_ =	shalt  }
0x77: {  	_ =	shalt  }
0x78: {  	_ =	shalt  }
0x79: {  	_ =	shalt  }
0x7a: {  	_ =	shalt  }
0x7b: {  	_ =	shalt  }
0x7c: {  	_ =	shalt  }
0x7d: {  	_ =	shalt  }
0x7e: {  	_ =	shalt  }
0x7f: {  	_ =	shalt  }
0x80: {  	_ =	shalt  }
0x81: {  	_ =	shalt  }
0x82: {  	_ =	shalt  }
0x83: {  	_ =	shalt  }
0x84: {  	_ =	shalt  }
0x85: {  	_ =	shalt  }
0x86: {  	_ =	shalt  }
0x87: {  	_ =	shalt  }
.Lfunc_end0:
.L_simem_size_0:
called_computation.2_lowered:
.L_overlay_start_0:
0x88: {  	s2 =	sld [smem:$0x3FD9]  }
0x89: {  	s3 =	sld [smem:$0x3FFE];
	_ =	sdelay $0x1  }
0x8a: {  	s1 =	srdreg.scid  }
0x8b: {  	s0 =	sand.u32 $0x1, s1  }
0x8c: {  	s16 =	sshll.u32 s0, $0xA;
	s2 =	sadd.s32 s3, s2  }
0x8d: {  	s2 =	sadd.s32 s2, s16  }
0x8e: {  	[smem:$0x3FBE] =	sst s2  }
0x8f: {  	_ = 	snop  }
0x90: {  	(tm) =	ssettm $0x1  }
0x91: {  	s17 =	sld [smem:$0x3FFB];
	_ =	sdelay $0x3  }
0x92: {  	_ =	strace s17  }
0x93: {  	s2 =	sld [smem:$0x3FFC];
	_ =	sdelay $0x3  }
0x94: {  	_ =	strace s2  }
0x95: {  	s2 =	sld [smem:$0x3FFD];
	_ =	sdelay $0x3  }
0x96: {  	_ =	strace s2  }
0x97: {  	_ =	strace $0x8FFFFFFF  }
0x98: {  	s18 =	sld [smem:$0x3FDB];
	_ =	sdelay $0x1  }
0x99: {  	s19 =	simm.s32 $_scs_section_size  }
0x9a: {  	s4 =	simm.s32 $_size__tile_overlayer_lowered;
	s5 =	simm.s32 $_tile_overlayer_lowered  }
0x9b: {  	s22 =	simm.s32 $0x1BFF;
	s21 =	sshll.u32 s5, $0x1;
	s2 =	sadd.s32 s19, s18  }
0x9c: {  	s6 =	simm.s32 $0x0;
	s20 =	sshll.u32 s4, $0x1;
	s4 =	sadd.s32 s21, s2  }
0x9d: {  	[timem:s6], [sflag:s22] =	dma.local [hbm:s4], s20  }
0x9e: {  	_ =	swait.ge [sflag:s22], s20  }
0x9f: {  	s3 =	ssub.s32 $0x0, s20;
	[sflag:s22] =	ssyncset.done $0x0  }
0xa0: {  	[sflag:s22] =	ssyncadd.s32 s3;
	_ =	sdelay $0x1  }
0xa1: {  	s23 =	simm.s32 $0x1B8B  }
0xa2: {  	_ =	swait.ge [sflag:s23], $0x1  }
0xa3: {  	[sflag:s23] =	ssyncset.done $0x0  }
0xa4: {  	s25 =	simm.s32 $0x1B8E;
	s24 =	sld [smem:$0x3FFE];
	[sflag:s23] =	ssyncadd.s32 $0xFFFFFFFF  }
0xa5: {  	s26 =	simm.s32 $execute0_lowered;
	[smem:$0x3FD2] =	sst s25  }
0xa6: {  	s4 =	sshll.u32 s26, $0x1;
	_ =	strace $0x8000004C;
	[dreg:$0x1] =	wrdreg $0xFFFFFFFF  }
0xa7: {  	s28 =	simm.s32 $_size_execute0_lowered;
	s2 =	sadd.s32 s2, s4;
	[dreg:$0x0] =	wrdreg $0x0  }
0xa8: {  	s4 =	sshll.u32 s28, $0x1;
	[dreg:$0x2] =	wrdreg s2  }
0xa9: {  	[dreg:$0x3] =	wrdreg s4  }
0xaa: {  	[dreg:$0x4] =	wrdreg $0xC0  }
0xab: {  	_ =	task [dreg:s6], $0x5FFFF  }
0xac: {  	[dreg:$0x1] =	wrdreg $0xFFFFFFFF  }
0xad: {  	[dreg:$0x0] =	wrdreg $0x60  }
0xae: {  	[dreg:$0x2] =	wrdreg s24  }
0xaf: {  	[dreg:$0x3] =	wrdreg $0x0  }
0xb0: {  	[dreg:$0x4] =	wrdreg $0x9  }
0xb1: {  	_ =	task.clear_ibuf [dreg:s6], $0x5FFFF;
	_ =	strace $0x9000004C  }
0xb2: {  	s29 =	simm.s32 $0x9;
	_ =	strace $0x8000004E  }
0xb3: {  	_ =	swait.ge [sflag:s29], $0x1  }
0xb4: {  	[sflag:s29] =	ssyncadd.s32 $0xFFFFFFFF  }
0xb5: {  	_ =	strace $0x9000004E  }
0xb6: {  	_ =	sfence  }
0xb7: {  	s30 =	sld [smem:$0x0];
	_ =	sdelay $0x2  }
0xb8: {  	s31 =	sshll.u32 s1, $0xD;
	s1 =	sshrl.u32 s1, $0x2  }
0xb9: {  	s3 =	sand.u32 $0x4000, s31;
	s1 =	sadd.s32 s1, s30  }
0xba: {  	s0 =	sor.u32 s3, s0;
	s1 =	sshll.u32 s1, $0x11  }
0xbb: {  	s0 =	sor.u32 s1, s0  }
0xbc: {  	s0 =	sadd.s32 $0x8F2B, s0  }
0xbd: {  	[sflag:s0] =	ssyncadd.remote.s32 $0x1  }
0xbe: {  	_ =	sfence.sel $0xFFFF  }
0xbf: {  	[dreg:$0x0] =	wrdreg $0xFFFFFFFF;
	(pc) =	sbr.abs _section_cstart, $3  }
0xc0: {  	[dreg:$0x1] =	wrdreg $0xFFFFFFFF  }
0xc1: {  	_ =	task.clear_ibuf [dreg:s6], $0x2FFFF;
	_ =	strace $0x9FFFFFFF  }
0xc2: {  	(tm) =	ssettm $0x7FFFFFFF  }
0xc3: {  	_ =	shalt  }
tec
execute0_lowered:
.L_overlay_start_1:
0x0: {  	(tag) =	ssettag $0x1  }
0x1: {  	s0 =	srdreg.scid;
	s1 =	rddreg [dreg:$0x0]  }
0x2: {  	s14 =	stileid.u32;
	s2 =	rddreg [dreg:$0x1]  }
0x3: {  	s6 =	simm.s32 $0x0;
	s18 =	simm.s32 $0x13880;
	s19 =	simm.s32 $0x16000  }
0x4: {  	s20 =	simm.s32 $0x50;
	s21 =	simm.s32 $0x1A000;
	s28 =	simm.s32 $0x3  }
0x5: {  	s29 =	simm.s32 $0x13920;
	s30 =	simm.s32 $0x4;
	s31 =	simm.s32 $0x15F40  }
0x6: {  	s0 =	sand.u32 $0x1, s0;
	s5 =	sshll.u32 s14, $0x7;
	[smem:$0x7FF] =	sst s6  }
0x7: {  	s7 =	smul.u32 $0x4E000, s14;
	s26 =	sshll.u32 s14, $0x6;
	s15 =	sadd.s32 $0x138000, s2  }
0x8: {  	p0 =	sne.s32 s14, $0xF;
	s3 =	sshll.u32 s0, $0x4;
	s5 =	sand.u32 $0x380, s5  }
0x9: {  	_ =	strace $0x8000004D;
	s23 =	smul.u32 $0x27100, s0;
	s0 =	ssub.s32 $0x2, s0  }
0xa: {  	s15 =	sshrl.u32 @!p0 s15, $0x3;
	s3 =	sor.u32 s14, s3;
	s24 =	sshrl.u32 s0, $0x1  }
0xb: {  	s25 =	sshrl.u32 s7, $0x2;
	s7 =	sor.u32 $0x1C05, s26;
	s26 =	simm.s32 $0x16080  }
0xc: {  	s4 =	sshrl.u32 s3, $0x3;
	s3 =	sshll.u32 s3, $0xB;
	s11 =	sadd.s32 s23, s1  }
0xd: {  	s0 =	ssub.s32 s0, s24;
	s13 =	sadd.s32 s25, s2;
	s23 =	simm.s32 $0x1C800  }
0xe: {  	s24 =	simm.s32 $0x1;
	s25 =	simm.s32 $0x2;
	s4 =	smul.u32 $0x13C00, s4  }
0xf: {  	s3 =	sadd.s32 s3, s1;
	s11 =	sadd.s32 $0x6C600, s11;
	s12 =	smax.u32 s0, $0x1  }
.Ltmp0:
0x10: {  	s13 =	sshrl.u32 s13, $0x3;
	s5 =	sor.u32 s5, s4;
	(pc) =	sbr.rel .LBB2_1-.Ltmp0, $4  }
0x11: {  	s0 =	simm.s32 $0x0;
	s22 =	sshrl.u32 s5, $0x3;
	s5 =	smul.u32 $0x2700, s14  }
0x12: {  	s10 =	sadd.s32 $0x4400, s3;
	s4 =	sadd.s32 $0x45400, s1;
	s9 =	sadd.s32 s22, s1  }
0x13: {  	s14 =	simm.s32 $0x5;
	s8 =	sadd.s32 s5, s1;
	s9 =	sadd.s32 $0x14400, s9  }
0x14: {  	s6 =	sadd.s32 $0x1E200, s8;
	s8 =	sadd.s32 $0x45200, s1;
	s1 =	simm.s32 $0x19E00  }
.LBB2_4:
0x15: {  	[tilespmem:s21], [sflag:$0x1] =	stream.indirect.gather [hbm4b:s4+s20], $0x80, s31, s20, $0xb8;
	[tilespmem:$0x1F000] =	vst v63  }
0x16: {  	_ =	swait.ge [sflag:s30], $0x2800  }
0x17: {  	[sflag:s30] =	ssyncset.done $0x0  }
0x18: {  	[sflag:s30] =	ssyncadd.s32 $0xFFFFD800  }
0x19: {  	_ =	swait.ge [sflag:s24], $0x2800  }
0x1a: {  	[sflag:s24] =	ssyncset.done $0x0  }
0x1b: {  	[sflag:s24] =	ssyncadd.s32 $0xFFFFD800  }
0x1c: {  	[spmem:s2] =	stream.indirect.scatter.add.f32 [tilespmem:s21], [sflag:$0x3], $0x80, s1, s20, $0xb8;
	[tilespmem:$0x1F000] =	vst v63  }
0x1d: {  	_ =	swait.ge [sflag:s28], $0x2800  }
0x1e: {  	[sflag:s28] =	ssyncset.done $0x0  }
0x1f: {  	[sflag:s28] =	ssyncadd.s32 $0xFFFFD800  }
0x20: {  	s3 =	sadd.s32 s5, s11;
	[bflag:$0x0] =	sbarrier.arrive $0xFFFF  }
0x21: {  	[hbm:s3], [sflag:s7] =	dma.local [spmem:s13], $0x2700  }
0x22: {  	_ =	swait.ge [sflag:s14], $0x2700  }
0x23: {  	s0 =	sadd.s32 $0x1, s0;
	[sflag:s14] =	ssyncset.done $0x0  }
0x24: {  	p1 =	sne.s32 s0, s12;
	s3 =	sadd.s32 @!p0 $0x27000, s11;
	[sflag:s14] =	ssyncadd.s32 $0xFFFFD900  }
0x25: {  	[hbm:s3], [sflag:s7] =	dma.local @!p0 [spmem:s15], $0x100  }
.Ltmp1:
0x26: {  	_ = 	snop;
	(pc) =	sbr.rel @!p1 .LBB2_5-.Ltmp1, $4  }
0x27: {  	s3 =	simm.s32 @!p0 $0x5  }
0x28: {  	_ =	swait.ge @!p0 [sflag:s3], $0x100  }
0x29: {  	[sflag:s3] =	ssyncset.done @!p0 $0x0  }
0x2a: {  	[sflag:s3] =	ssyncadd.s32 @!p0 $0xFFFFFF00  }
.LBB2_1:
0x2b: {  	[spmem:s13], [sflag:s7] =	dma.local [hbm:s6], $0x2700  }
0x2c: {  	_ =	swait.ge [sflag:s14], $0x2700  }
0x2d: {  	[sflag:s14] =	ssyncset.done $0x0  }
0x2e: {  	s3 =	simm.s32 @!p0 $0x5;
	[sflag:s14] =	ssyncadd.s32 $0xFFFFD900  }
0x2f: {  	[spmem:s15], [sflag:s7] =	dma.local @!p0 [hbm:s8], $0x100  }
0x30: {  	_ =	swait.ge @!p0 [sflag:s3], $0x100  }
0x31: {  	[sflag:s3] =	ssyncset.done @!p0 $0x0  }
0x32: {  	[sflag:s3] =	ssyncadd.s32 @!p0 $0xFFFFFF00  }
0x33: {  	s22 =	simm.s32 $0x80;
	s16 =	simm.s32 $0x400;
	[bflag:$0x0] =	sbarrier.arrive $0xFFFF  }
0x34: {  	[tilespmem:s18], [sflag:$0x5] =	stream.strided.gather [hbm4b:s9+s22], $0x2780, s16, s22, $0x38;
	[tilespmem:$0x1F000] =	vst v63  }
0x35: {  	_ =	swait.ge [sflag:s14], $0x2780  }
0x36: {  	[sflag:s14] =	ssyncset.done $0x0  }
0x37: {  	s17 =	simm.s32 $0x0;
	[sflag:s14] =	ssyncadd.s32 $0xFFFFD880  }
0x38: {  	[tilespmem:s19], [sflag:$0x5] =	stream.linear.gather [hbm4b:s10+s17], $0x3E80, $0x38;
	[tilespmem:$0x1F000] =	vst v63  }
0x39: {  	_ =	swait.ge [sflag:s14], $0x3E80  }
0x3a: {  	[sflag:s14] =	ssyncset.done $0x0  }
0x3b: {  	[sflag:s14] =	ssyncadd.s32 $0xFFFFC180  }
0x3c: {  	[tilespmem:s21], [sflag:$0x1] =	stream.indirect.gather [hbm4b:s4+s20], $0x80, s18, s20, $0xb8;
	[tilespmem:$0x1F000] =	vst v63  }
0x3d: {  	s22 =	simm.s32 $0x138D0  }
0x3e: {  	[tilespmem:s23], [sflag:$0x2] =	stream.indirect.gather [hbm4b:s4+s20], $0x80, s22, s20, $0xb8;
	[tilespmem:$0x1F000] =	vst v63  }
0x3f: {  	_ =	swait.ge [sflag:s24], $0x2800  }
0x40: {  	[sflag:s24] =	ssyncset.done $0x0  }
0x41: {  	[sflag:s24] =	ssyncadd.s32 $0xFFFFD800  }
0x42: {  	[spmem:s2] =	stream.indirect.scatter.add.f32 [tilespmem:s21], [sflag:$0x3], $0x80, s19, s20, $0xb8;
	[tilespmem:$0x1F000] =	vst v63  }
0x43: {  	_ =	swait.ge [sflag:s25], $0x2800  }
0x44: {  	[sflag:s25] =	ssyncset.done $0x0  }
0x45: {  	[sflag:s25] =	ssyncadd.s32 $0xFFFFD800  }
0x46: {  	[spmem:s2] =	stream.indirect.scatter.add.f32 [tilespmem:s23], [sflag:$0x4], $0x80, s26, s20, $0xb8;
	[tilespmem:$0x1F000] =	vst v63  }
0x47: {  	_ =	swait.ge [sflag:s28], $0x2800  }
0x48: {  	[sflag:s28] =	ssyncset.done $0x0  }
0x49: {  	s3 =	simm.s32 $0x139C0;
	s16 =	simm.s32 $0xFFFF1000;
	[sflag:s28] =	ssyncadd.s32 $0xFFFFD800  }
0x4a: {  	[tilespmem:s21], [sflag:$0x1] =	stream.indirect.gather [hbm4b:s4+s20], $0x80, s29, s20, $0xb8;
	[tilespmem:$0x1F000] =	vst v63  }
.LBB2_2:
0x4b: {  	_ =	swait.ge [sflag:s30], $0x2800  }
0x4c: {  	[sflag:s30] =	ssyncset.done $0x0  }
0x4d: {  	s17 =	sadd.s32 $0xFFFFFFB0, s3;
	[sflag:s30] =	ssyncadd.s32 $0xFFFFD800  }
0x4e: {  	[tilespmem:s23], [sflag:$0x2] =	stream.indirect.gather [hbm4b:s4+s20], $0x80, s17, s20, $0xb8;
	[tilespmem:$0x1F000] =	vst v63  }
0x4f: {  	_ =	swait.ge [sflag:s24], $0x2800  }
0x50: {  	s17 =	sshra.s32 s16, $0x2;
	[sflag:s24] =	ssyncset.done $0x0  }
0x51: {  	s22 =	sadd.s32 $0x19D00, s17;
	[sflag:s24] =	ssyncadd.s32 $0xFFFFD800  }
0x52: {  	[spmem:s2] =	stream.indirect.scatter.add.f32 [tilespmem:s21], [sflag:$0x3], $0x80, s22, s20, $0xb8;
	[tilespmem:$0x1F000] =	vst v63  }
0x53: {  	_ =	swait.ge [sflag:s25], $0x2800  }
0x54: {  	p1 =	seq.s32 s16, $0x0;
	[sflag:s25] =	ssyncset.done $0x0  }
.Ltmp2:
0x55: {  	s17 =	sadd.s32 $0x19D80, s17;
	[sflag:s25] =	ssyncadd.s32 $0xFFFFD800;
	(pc) =	sbr.rel @p1 .LBB2_4-.Ltmp2, $4  }
0x56: {  	[spmem:s2] =	stream.indirect.scatter.add.f32 [tilespmem:s23], [sflag:$0x4], $0x80, s17, s20, $0xb8;
	[tilespmem:$0x1F000] =	vst v63  }
0x57: {  	_ =	swait.ge [sflag:s28], $0x2800  }
0x58: {  	[sflag:s28] =	ssyncset.done $0x0  }
0x59: {  	[sflag:s28] =	ssyncadd.s32 $0xFFFFD800  }
.Ltmp3:
0x5a: {  	(pc) =	sbr.rel .LBB2_2-.Ltmp3, $3  }
0x5b: {  	_ =	sdelay $0x1  }
0x5c: {  	[tilespmem:s21], [sflag:$0x1] =	stream.indirect.gather [hbm4b:s4+s20], $0x80, s3, s20, $0xb8;
	[tilespmem:$0x1F000] =	vst v63  }
0x5d: {  	s3 =	sadd.s32 $0xA0, s3;
	s16 =	sadd.s32 $0x400, s16  }
.LBB2_5:
0x5e: {  	_ =	sfence.sel $0x180000  }
0x5f: {  	[bflag:$0x0] =	sbarrier.arrive $0xFFFF  }
0x60: {  	_ =	strace $0x9000004D  }
0x61: {  	s0 =	stileid.u32;
	[bflag:$0x2] =	sbarrier.arrive $0xFFFF  }
0x62: {  	p0 =	sne.s32 s0, $0x0;
	s0 =	rddreg [dreg:$0x2]  }
0x63: {  	s0 =	sadd.s32 @!p0 $0x100000, s0  }
0x64: {  	[sflag:s0] =	ssyncadd.tile.s32 @!p0 $0x1;
	_ =	shalt  }
.Lfunc_end2:
_tile_overlayer_lowered:
.L_overlay_start_2:
0x65: {  	(tag) =	ssettag $0x2  }
0x66: {  	s0 =	rddreg [dreg:$0x0];
	s2 =	stileid.u32  }
0x67: {  	s1 =	rddreg [dreg:$0x1];
	p0 =	sne.s32 s2, $0x0  }
0x68: {  	s3 =	rddreg [dreg:$0x2];
	[bflag:$0x3] =	sbarrier.arrive $0xFFFF;
	s2 =	simm.s32 @!p0 $0x1C05  }
0x69: {  	[timem:s3], [sflag:s2] =	dma.local @!p0 [hbm:s0], s1  }
0x6a: {  	s0 =	simm.s32 @!p0 $0x5  }
0x6b: {  	_ =	swait.ge @!p0 [sflag:s0], s1  }
0x6c: {  	s1 =	ssub.s32 @!p0 $0x0, s1;
	[sflag:s0] =	ssyncset.done @!p0 $0x0  }
0x6d: {  	[sflag:s0] =	ssyncadd.s32 @!p0 s1  }
0x6e: {  	[bflag:$0x3] =	sbarrier.arrive $0xFFFF  }
0x6f: {  	_ =	shalt  }

// kernel: kernel.21.cloned.1.call-start
scs
__scs_entry_jumppad:
0x0: {  	(pc) =	sbr.rel $0x88, $3  }
0x1: {  	(tag) =	ssettag $0x0;
	lr =	simm.s32 $0x1  }
0x2: {  	[smem:$0x3F97] =	sst lr;
	_ =	strace $0xD0000000  }
0x3: {  	_ = 	snop  }
0x4: {  	_ = 	snop  }
0x5: {  	_ = 	snop  }
0x6: {  	_ = 	snop  }
0x7: {  	_ = 	snop  }
__scs_overlays_trampoline_lowered:
0x8: {  	[smem:$0x3FA6] =	sst s0  }
0x9: {  	[smem:$0x3FA7] =	sst s1  }
0xa: {  	[smem:$0x3FA8] =	sst s2  }
0xb: {  	[smem:$0x3FA9] =	sst s3  }
0xc: {  	[smem:$0x3FAA] =	sst s4  }
0xd: {  	[smem:$0x3FAB] =	sst s5  }
0xe: {  	[smem:$0x3FAC] =	sst s6  }
0xf: {  	[smem:$0x3FAD] =	sst s7  }
0x10: {  	[smem:$0x3FAE] =	sst s8  }
0x11: {  	[smem:$0x3FAF] =	sst s9;
	s0 =	simm.s32 @!p0 $0x0  }
0x12: {  	s1 =	sld [smem:$0x3F95];
	s0 =	simm.s32 @p0 $0x1  }
0x13: {  	[smem:$0x3FB0] =	sst s0;
	s0 =	simm.s32 @!p1 $0x0  }
0x14: {  	s2 =	sld [smem:$0x3F94];
	s0 =	simm.s32 @p1 $0x1  }
0x15: {  	[smem:$0x3FB1] =	sst s0;
	s0 =	simm.s32 @!p2 $0x0  }
0x16: {  	s3 =	sld [smem:$0x3FDB];
	s0 =	simm.s32 @p2 $0x1  }
0x17: {  	s4 =	simm.s32 $0x1BF5;
	[smem:$0x3FB3] =	sst s0  }
0x18: {  	s0 =	sld [smem:$0x3F96];
	_ =	swait.ge [sflag:s4], $0x0  }
0x19: {  	s7 =	sld [smem:$0x3F97]  }
0x1a: {  	s8 =	sadd.s32 $0xFFFFE003, lr  }
0x1b: {  	s9 =	sadd.s32 $0xFFFFFEF7, lr;
	s5 =	simm.s32 $0xFFFFFFFF;
	p2 =	slt.u32 s8, $0xFFFFF086  }
0x1c: {  	p1 =	slt.u32 s9, $0xF7A;
	s5 =	simm.s32 @!p2 $0x0  }
0x1d: {  	s5 =	simm.s32 @p1 $0x1;
	p0 =	seq.s32 s7, s2  }
0x1e: {  	s7 =	smul.u32 @!p0 $0xF7A, s2;
	p2 =	seq.s32 @!p0 s5, $0x0  }
0x1f: {  	s9 =	smul.u32 $0xF7A, s1;
	s8 =	simm.s32 @!p0 $0x1BF5;
	p2 =	por !p2, p0  }
0x20: {  	[sflag:s8] =	ssyncset.s32 @!p0 $0xFFFFF086;
	s6 =	sadd.s32 @!p0 s3, s7;
	s7 =	simm.s32 @!p0 $0x108  }
0x21: {  	s3 =	sadd.s32 s3, s9;
	s6 =	sadd.s32 @!p0 $0x88, s6;
	s7 =	simm.s32 @p2 $0x1082  }
0x22: {  	[simem:s7], [sflag:s8] =	dma.local @!p0 [hbm:s6], $0xF7A  }
0x23: {  	s9 =	sor.u32 $0xD0000000, s2;
	s6 =	simm.s32 $0x108;
	_ =	swait.ge @!p0 [sflag:s8], $0x0  }
0x24: {  	s3 =	sadd.s32 $0x88, s3;
	s6 =	simm.s32 @!p1 $0x1082;
	[sflag:s4] =	ssyncset.s32 $0xFFFFF086  }
0x25: {  	[simem:s6], [sflag:s4] =	dma.local [hbm:s3], $0xF7A  }
0x26: {  	[smem:$0x3F97] =	sst s1;
	(tag) =	ssettag s2;
	_ =	strace s9  }
0x27: {  	s1 =	sld [smem:$0x3FA7]  }
0x28: {  	s2 =	sld [smem:$0x3FA8]  }
0x29: {  	s4 =	sld [smem:$0x3FAA]  }
0x2a: {  	p0 =	seq.s32 s5, $0x0;
	s5 =	sld [smem:$0x3FAB]  }
0x2b: {  	s6 =	sld [smem:$0x3FAC]  }
0x2c: {  	s7 =	sld [smem:$0x3FAD]  }
0x2d: {  	s3 =	simm.s32 $0x108;
	s8 =	sld [smem:$0x3FAE]  }
0x2e: {  	s3 =	simm.s32 @!p0 $0x1082;
	s9 =	sld [smem:$0x3FAF]  }
0x2f: {  	lr =	sadd.s32 s0, s3;
	s0 =	sld [smem:$0x3FA6]  }
0x30: {  	s3 =	sld [smem:$0x3FA9]  }
0x31: {  	[smem:$0x3FB2] =	sst s10  }
0x32: {  	s10 =	sld [smem:$0x3FB0];
	_ =	sdelay $0x3  }
0x33: {  	p0 =	seq.s32 s10, $0x1;
	s10 =	sld [smem:$0x3FB2];
	_ =	sdelay $0x3  }
0x34: {  	[smem:$0x3FB2] =	sst s10  }
0x35: {  	s10 =	sld [smem:$0x3FB1];
	_ =	sdelay $0x3  }
0x36: {  	p1 =	seq.s32 s10, $0x1;
	s10 =	sld [smem:$0x3FB2];
	_ =	sdelay $0x3  }
0x37: {  	[smem:$0x3FB2] =	sst s10  }
0x38: {  	s10 =	sld [smem:$0x3FB3]  }
0x39: {  	_ = 	snop;
	(pc) =	sbr.ind lr, $3  }
0x3a: {  	_ = 	snop  }
0x3b: {  	_ = 	snop  }
0x3c: {  	p2 =	seq.s32 s10, $0x1;
	s10 =	sld [smem:$0x3FB2]  }
0x3d: {  	_ =	shalt  }
0x3e: {  	_ =	shalt  }
0x3f: {  	_ =	shalt  }
0x40: {  	_ =	shalt  }
0x41: {  	_ =	shalt  }
0x42: {  	_ =	shalt  }
0x43: {  	_ =	shalt  }
0x44: {  	_ =	shalt  }
0x45: {  	_ =	shalt  }
0x46: {  	_ =	shalt  }
0x47: {  	_ =	shalt  }
0x48: {  	_ =	shalt  }
0x49: {  	_ =	shalt  }
0x4a: {  	_ =	shalt  }
0x4b: {  	_ =	shalt  }
0x4c: {  	_ =	shalt  }
0x4d: {  	_ =	shalt  }
0x4e: {  	_ =	shalt  }
0x4f: {  	_ =	shalt  }
0x50: {  	_ =	shalt  }
0x51: {  	_ =	shalt  }
0x52: {  	_ =	shalt  }
0x53: {  	_ =	shalt  }
0x54: {  	_ =	shalt  }
0x55: {  	_ =	shalt  }
0x56: {  	_ =	shalt  }
0x57: {  	_ =	shalt  }
0x58: {  	_ =	shalt  }
0x59: {  	_ =	shalt  }
0x5a: {  	_ =	shalt  }
0x5b: {  	_ =	shalt  }
0x5c: {  	_ =	shalt  }
0x5d: {  	_ =	shalt  }
0x5e: {  	_ =	shalt  }
0x5f: {  	_ =	shalt  }
0x60: {  	_ =	shalt  }
0x61: {  	_ =	shalt  }
0x62: {  	_ =	shalt  }
0x63: {  	_ =	shalt  }
0x64: {  	_ =	shalt  }
0x65: {  	_ =	shalt  }
0x66: {  	_ =	shalt  }
0x67: {  	_ =	shalt  }
0x68: {  	_ =	shalt  }
0x69: {  	_ =	shalt  }
0x6a: {  	_ =	shalt  }
0x6b: {  	_ =	shalt  }
0x6c: {  	_ =	shalt  }
0x6d: {  	_ =	shalt  }
0x6e: {  	_ =	shalt  }
0x6f: {  	_ =	shalt  }
0x70: {  	_ =	shalt  }
0x71: {  	_ =	shalt  }
0x72: {  	_ =	shalt  }
0x73: {  	_ =	shalt  }
0x74: {  	_ =	shalt  }
0x75: {  	_ =	shalt  }
0x76: {  	_ =	shalt  }
0x77: {  	_ =	shalt  }
0x78: {  	_ =	shalt  }
0x79: {  	_ =	shalt  }
0x7a: {  	_ =	shalt  }
0x7b: {  	_ =	shalt  }
0x7c: {  	_ =	shalt  }
0x7d: {  	_ =	shalt  }
0x7e: {  	_ =	shalt  }
0x7f: {  	_ =	shalt  }
0x80: {  	_ =	shalt  }
0x81: {  	_ =	shalt  }
0x82: {  	_ =	shalt  }
0x83: {  	_ =	shalt  }
0x84: {  	_ =	shalt  }
0x85: {  	_ =	shalt  }
0x86: {  	_ =	shalt  }
0x87: {  	_ =	shalt  }
.Lfunc_end0:
.L_simem_size_0:
called_computation.3_lowered:
.L_overlay_start_0:
0x88: {  	s2 =	sld [smem:$0x3FD9]  }
0x89: {  	s3 =	sld [smem:$0x3FFE];
	_ =	sdelay $0x1  }
0x8a: {  	s1 =	srdreg.scid  }
0x8b: {  	s0 =	sand.u32 $0x1, s1  }
0x8c: {  	s16 =	sshll.u32 s0, $0xA;
	s2 =	sadd.s32 s3, s2  }
0x8d: {  	s2 =	sadd.s32 s2, s16  }
0x8e: {  	[smem:$0x3FBE] =	sst s2  }
0x8f: {  	_ = 	snop  }
0x90: {  	(tm) =	ssettm $0x1  }
0x91: {  	s17 =	sld [smem:$0x3FFB];
	_ =	sdelay $0x3  }
0x92: {  	_ =	strace s17  }
0x93: {  	s2 =	sld [smem:$0x3FFC];
	_ =	sdelay $0x3  }
0x94: {  	_ =	strace s2  }
0x95: {  	s2 =	sld [smem:$0x3FFD];
	_ =	sdelay $0x3  }
0x96: {  	_ =	strace s2  }
0x97: {  	_ =	strace $0x8FFFFFFF  }
0x98: {  	s18 =	sld [smem:$0x3FDB];
	_ =	sdelay $0x1  }
0x99: {  	s19 =	simm.s32 $_scs_section_size  }
0x9a: {  	s4 =	simm.s32 $_size__tile_overlayer_lowered;
	s5 =	simm.s32 $_tile_overlayer_lowered  }
0x9b: {  	s22 =	simm.s32 $0x1BFF;
	s21 =	sshll.u32 s5, $0x1;
	s2 =	sadd.s32 s19, s18  }
0x9c: {  	s6 =	simm.s32 $0x0;
	s20 =	sshll.u32 s4, $0x1;
	s4 =	sadd.s32 s21, s2  }
0x9d: {  	[timem:s6], [sflag:s22] =	dma.local [hbm:s4], s20  }
0x9e: {  	_ =	swait.ge [sflag:s22], s20  }
0x9f: {  	s3 =	ssub.s32 $0x0, s20;
	[sflag:s22] =	ssyncset.done $0x0  }
0xa0: {  	[sflag:s22] =	ssyncadd.s32 s3;
	_ =	sdelay $0x1  }
0xa1: {  	s23 =	simm.s32 $0x1B8B  }
0xa2: {  	_ =	swait.ge [sflag:s23], $0x1  }
0xa3: {  	[sflag:s23] =	ssyncset.done $0x0  }
0xa4: {  	s25 =	simm.s32 $0x1B8E;
	s24 =	sld [smem:$0x3FFE];
	[sflag:s23] =	ssyncadd.s32 $0xFFFFFFFF  }
0xa5: {  	s26 =	simm.s32 $execute0_lowered;
	[smem:$0x3FD2] =	sst s25  }
0xa6: {  	s4 =	sshll.u32 s26, $0x1;
	_ =	strace $0x8000004F;
	[dreg:$0x1] =	wrdreg $0xFFFFFFFF  }
0xa7: {  	s28 =	simm.s32 $_size_execute0_lowered;
	s2 =	sadd.s32 s2, s4;
	[dreg:$0x0] =	wrdreg $0x0  }
0xa8: {  	s4 =	sshll.u32 s28, $0x1;
	[dreg:$0x2] =	wrdreg s2  }
0xa9: {  	[dreg:$0x3] =	wrdreg s4  }
0xaa: {  	[dreg:$0x4] =	wrdreg $0xC0  }
0xab: {  	_ =	task [dreg:s6], $0x5FFFF  }
0xac: {  	[dreg:$0x1] =	wrdreg $0xFFFFFFFF  }
0xad: {  	[dreg:$0x0] =	wrdreg $0x60  }
0xae: {  	[dreg:$0x2] =	wrdreg s24  }
0xaf: {  	[dreg:$0x3] =	wrdreg $0x0  }
0xb0: {  	[dreg:$0x4] =	wrdreg $0x9  }
0xb1: {  	_ =	task.clear_ibuf [dreg:s6], $0x5FFFF;
	_ =	strace $0x9000004F  }
0xb2: {  	s29 =	simm.s32 $0x9;
	_ =	strace $0x80000051  }
0xb3: {  	_ =	swait.ge [sflag:s29], $0x1  }
0xb4: {  	[sflag:s29] =	ssyncadd.s32 $0xFFFFFFFF  }
0xb5: {  	_ =	strace $0x90000051  }
0xb6: {  	_ =	sfence  }
0xb7: {  	s30 =	sld [smem:$0x0];
	_ =	sdelay $0x2  }
0xb8: {  	s31 =	sshll.u32 s1, $0xD;
	s1 =	sshrl.u32 s1, $0x2  }
0xb9: {  	s3 =	sand.u32 $0x4000, s31;
	s1 =	sadd.s32 s1, s30  }
0xba: {  	s0 =	sor.u32 s3, s0;
	s1 =	sshll.u32 s1, $0x11  }
0xbb: {  	s0 =	sor.u32 s1, s0  }
0xbc: {  	s0 =	sadd.s32 $0x8F2B, s0  }
0xbd: {  	[sflag:s0] =	ssyncadd.remote.s32 $0x1  }
0xbe: {  	_ =	sfence.sel $0xFFFF  }
0xbf: {  	[dreg:$0x0] =	wrdreg $0xFFFFFFFF;
	(pc) =	sbr.abs _section_cstart, $3  }
0xc0: {  	[dreg:$0x1] =	wrdreg $0xFFFFFFFF  }
0xc1: {  	_ =	task.clear_ibuf [dreg:s6], $0x2FFFF;
	_ =	strace $0x9FFFFFFF  }
0xc2: {  	(tm) =	ssettm $0x7FFFFFFF  }
0xc3: {  	_ =	shalt  }
tec
execute0_lowered:
.L_overlay_start_1:
0x0: {  	(tag) =	ssettag $0x1  }
0x1: {  	s0 =	srdreg.scid;
	s1 =	rddreg [dreg:$0x0]  }
0x2: {  	s14 =	stileid.u32;
	s2 =	rddreg [dreg:$0x1]  }
0x3: {  	s6 =	simm.s32 $0x0;
	s18 =	simm.s32 $0x13880;
	s19 =	simm.s32 $0x16000  }
0x4: {  	s20 =	simm.s32 $0x50;
	s21 =	simm.s32 $0x1A000;
	s28 =	simm.s32 $0x3  }
0x5: {  	s29 =	simm.s32 $0x13920;
	s30 =	simm.s32 $0x4;
	s31 =	simm.s32 $0x15F40  }
0x6: {  	s0 =	sand.u32 $0x1, s0;
	s5 =	sshll.u32 s14, $0x7;
	[smem:$0x7FF] =	sst s6  }
0x7: {  	s7 =	smul.u32 $0x4E000, s14;
	s26 =	sshll.u32 s14, $0x6;
	s15 =	sadd.s32 $0x138000, s2  }
0x8: {  	p0 =	sne.s32 s14, $0xF;
	s3 =	sshll.u32 s0, $0x4;
	s5 =	sand.u32 $0x380, s5  }
0x9: {  	_ =	strace $0x80000050;
	s23 =	smul.u32 $0x27100, s0;
	s0 =	ssub.s32 $0x2, s0  }
0xa: {  	s15 =	sshrl.u32 @!p0 s15, $0x3;
	s3 =	sor.u32 s14, s3;
	s24 =	sshrl.u32 s0, $0x1  }
0xb: {  	s25 =	sshrl.u32 s7, $0x2;
	s7 =	sor.u32 $0x1C05, s26;
	s26 =	simm.s32 $0x16080  }
0xc: {  	s4 =	sshrl.u32 s3, $0x3;
	s3 =	sshll.u32 s3, $0xB;
	s11 =	sadd.s32 s23, s1  }
0xd: {  	s0 =	ssub.s32 s0, s24;
	s13 =	sadd.s32 s25, s2;
	s23 =	simm.s32 $0x1C800  }
0xe: {  	s24 =	simm.s32 $0x1;
	s25 =	simm.s32 $0x2;
	s4 =	smul.u32 $0x13C00, s4  }
0xf: {  	s3 =	sadd.s32 s3, s1;
	s11 =	sadd.s32 $0x6C600, s11;
	s12 =	smax.u32 s0, $0x1  }
.Ltmp0:
0x10: {  	s13 =	sshrl.u32 s13, $0x3;
	s5 =	sor.u32 s5, s4;
	(pc) =	sbr.rel .LBB2_1-.Ltmp0, $4  }
0x11: {  	s0 =	simm.s32 $0x0;
	s22 =	sshrl.u32 s5, $0x3;
	s5 =	smul.u32 $0x2700, s14  }
0x12: {  	s10 =	sadd.s32 $0x4400, s3;
	s4 =	sadd.s32 $0x45400, s1;
	s9 =	sadd.s32 s22, s1  }
0x13: {  	s14 =	simm.s32 $0x5;
	s8 =	sadd.s32 s5, s1;
	s9 =	sadd.s32 $0x14400, s9  }
0x14: {  	s6 =	sadd.s32 $0x1E200, s8;
	s8 =	sadd.s32 $0x45200, s1;
	s1 =	simm.s32 $0x19E00  }
.LBB2_4:
0x15: {  	[tilespmem:s21], [sflag:$0x1] =	stream.indirect.gather [hbm4b:s4+s20], $0x80, s31, s20, $0xb8;
	[tilespmem:$0x1F000] =	vst v63  }
0x16: {  	_ =	swait.ge [sflag:s30], $0x2800  }
0x17: {  	[sflag:s30] =	ssyncset.done $0x0  }
0x18: {  	[sflag:s30] =	ssyncadd.s32 $0xFFFFD800  }
0x19: {  	_ =	swait.ge [sflag:s24], $0x2800  }
0x1a: {  	[sflag:s24] =	ssyncset.done $0x0  }
0x1b: {  	[sflag:s24] =	ssyncadd.s32 $0xFFFFD800  }
0x1c: {  	[spmem:s2] =	stream.indirect.scatter.add.f32 [tilespmem:s21], [sflag:$0x3], $0x80, s1, s20, $0xb8;
	[tilespmem:$0x1F000] =	vst v63  }
0x1d: {  	_ =	swait.ge [sflag:s28], $0x2800  }
0x1e: {  	[sflag:s28] =	ssyncset.done $0x0  }
0x1f: {  	[sflag:s28] =	ssyncadd.s32 $0xFFFFD800  }
0x20: {  	s3 =	sadd.s32 s5, s11;
	[bflag:$0x0] =	sbarrier.arrive $0xFFFF  }
0x21: {  	[hbm:s3], [sflag:s7] =	dma.local [spmem:s13], $0x2700  }
0x22: {  	_ =	swait.ge [sflag:s14], $0x2700  }
0x23: {  	s0 =	sadd.s32 $0x1, s0;
	[sflag:s14] =	ssyncset.done $0x0  }
0x24: {  	p1 =	sne.s32 s0, s12;
	s3 =	sadd.s32 @!p0 $0x27000, s11;
	[sflag:s14] =	ssyncadd.s32 $0xFFFFD900  }
0x25: {  	[hbm:s3], [sflag:s7] =	dma.local @!p0 [spmem:s15], $0x100  }
.Ltmp1:
0x26: {  	_ = 	snop;
	(pc) =	sbr.rel @!p1 .LBB2_5-.Ltmp1, $4  }
0x27: {  	s3 =	simm.s32 @!p0 $0x5  }
0x28: {  	_ =	swait.ge @!p0 [sflag:s3], $0x100  }
0x29: {  	[sflag:s3] =	ssyncset.done @!p0 $0x0  }
0x2a: {  	[sflag:s3] =	ssyncadd.s32 @!p0 $0xFFFFFF00  }
.LBB2_1:
0x2b: {  	[spmem:s13], [sflag:s7] =	dma.local [hbm:s6], $0x2700  }
0x2c: {  	_ =	swait.ge [sflag:s14], $0x2700  }
0x2d: {  	[sflag:s14] =	ssyncset.done $0x0  }
0x2e: {  	s3 =	simm.s32 @!p0 $0x5;
	[sflag:s14] =	ssyncadd.s32 $0xFFFFD900  }
0x2f: {  	[spmem:s15], [sflag:s7] =	dma.local @!p0 [hbm:s8], $0x100  }
0x30: {  	_ =	swait.ge @!p0 [sflag:s3], $0x100  }
0x31: {  	[sflag:s3] =	ssyncset.done @!p0 $0x0  }
0x32: {  	[sflag:s3] =	ssyncadd.s32 @!p0 $0xFFFFFF00  }
0x33: {  	s22 =	simm.s32 $0x80;
	s16 =	simm.s32 $0x400;
	[bflag:$0x0] =	sbarrier.arrive $0xFFFF  }
0x34: {  	[tilespmem:s18], [sflag:$0x5] =	stream.strided.gather [hbm4b:s9+s22], $0x2780, s16, s22, $0x38;
	[tilespmem:$0x1F000] =	vst v63  }
0x35: {  	_ =	swait.ge [sflag:s14], $0x2780  }
0x36: {  	[sflag:s14] =	ssyncset.done $0x0  }
0x37: {  	s17 =	simm.s32 $0x0;
	[sflag:s14] =	ssyncadd.s32 $0xFFFFD880  }
0x38: {  	[tilespmem:s19], [sflag:$0x5] =	stream.linear.gather [hbm4b:s10+s17], $0x3E80, $0x38;
	[tilespmem:$0x1F000] =	vst v63  }
0x39: {  	_ =	swait.ge [sflag:s14], $0x3E80  }
0x3a: {  	[sflag:s14] =	ssyncset.done $0x0  }
0x3b: {  	[sflag:s14] =	ssyncadd.s32 $0xFFFFC180  }
0x3c: {  	[tilespmem:s21], [sflag:$0x1] =	stream.indirect.gather [hbm4b:s4+s20], $0x80, s18, s20, $0xb8;
	[tilespmem:$0x1F000] =	vst v63  }
0x3d: {  	s22 =	simm.s32 $0x138D0  }
0x3e: {  	[tilespmem:s23], [sflag:$0x2] =	stream.indirect.gather [hbm4b:s4+s20], $0x80, s22, s20, $0xb8;
	[tilespmem:$0x1F000] =	vst v63  }
0x3f: {  	_ =	swait.ge [sflag:s24], $0x2800  }
0x40: {  	[sflag:s24] =	ssyncset.done $0x0  }
0x41: {  	[sflag:s24] =	ssyncadd.s32 $0xFFFFD800  }
0x42: {  	[spmem:s2] =	stream.indirect.scatter.add.f32 [tilespmem:s21], [sflag:$0x3], $0x80, s19, s20, $0xb8;
	[tilespmem:$0x1F000] =	vst v63  }
0x43: {  	_ =	swait.ge [sflag:s25], $0x2800  }
0x44: {  	[sflag:s25] =	ssyncset.done $0x0  }
0x45: {  	[sflag:s25] =	ssyncadd.s32 $0xFFFFD800  }
0x46: {  	[spmem:s2] =	stream.indirect.scatter.add.f32 [tilespmem:s23], [sflag:$0x4], $0x80, s26, s20, $0xb8;
	[tilespmem:$0x1F000] =	vst v63  }
0x47: {  	_ =	swait.ge [sflag:s28], $0x2800  }
0x48: {  	[sflag:s28] =	ssyncset.done $0x0  }
0x49: {  	s3 =	simm.s32 $0x139C0;
	s16 =	simm.s32 $0xFFFF1000;
	[sflag:s28] =	ssyncadd.s32 $0xFFFFD800  }
0x4a: {  	[tilespmem:s21], [sflag:$0x1] =	stream.indirect.gather [hbm4b:s4+s20], $0x80, s29, s20, $0xb8;
	[tilespmem:$0x1F000] =	vst v63  }
.LBB2_2:
0x4b: {  	_ =	swait.ge [sflag:s30], $0x2800  }
0x4c: {  	[sflag:s30] =	ssyncset.done $0x0  }
0x4d: {  	s17 =	sadd.s32 $0xFFFFFFB0, s3;
	[sflag:s30] =	ssyncadd.s32 $0xFFFFD800  }
0x4e: {  	[tilespmem:s23], [sflag:$0x2] =	stream.indirect.gather [hbm4b:s4+s20], $0x80, s17, s20, $0xb8;
	[tilespmem:$0x1F000] =	vst v63  }
0x4f: {  	_ =	swait.ge [sflag:s24], $0x2800  }
0x50: {  	s17 =	sshra.s32 s16, $0x2;
	[sflag:s24] =	ssyncset.done $0x0  }
0x51: {  	s22 =	sadd.s32 $0x19D00, s17;
	[sflag:s24] =	ssyncadd.s32 $0xFFFFD800  }
0x52: {  	[spmem:s2] =	stream.indirect.scatter.add.f32 [tilespmem:s21], [sflag:$0x3], $0x80, s22, s20, $0xb8;
	[tilespmem:$0x1F000] =	vst v63  }
0x53: {  	_ =	swait.ge [sflag:s25], $0x2800  }
0x54: {  	p1 =	seq.s32 s16, $0x0;
	[sflag:s25] =	ssyncset.done $0x0  }
.Ltmp2:
0x55: {  	s17 =	sadd.s32 $0x19D80, s17;
	[sflag:s25] =	ssyncadd.s32 $0xFFFFD800;
	(pc) =	sbr.rel @p1 .LBB2_4-.Ltmp2, $4  }
0x56: {  	[spmem:s2] =	stream.indirect.scatter.add.f32 [tilespmem:s23], [sflag:$0x4], $0x80, s17, s20, $0xb8;
	[tilespmem:$0x1F000] =	vst v63  }
0x57: {  	_ =	swait.ge [sflag:s28], $0x2800  }
0x58: {  	[sflag:s28] =	ssyncset.done $0x0  }
0x59: {  	[sflag:s28] =	ssyncadd.s32 $0xFFFFD800  }
.Ltmp3:
0x5a: {  	(pc) =	sbr.rel .LBB2_2-.Ltmp3, $3  }
0x5b: {  	_ =	sdelay $0x1  }
0x5c: {  	[tilespmem:s21], [sflag:$0x1] =	stream.indirect.gather [hbm4b:s4+s20], $0x80, s3, s20, $0xb8;
	[tilespmem:$0x1F000] =	vst v63  }
0x5d: {  	s3 =	sadd.s32 $0xA0, s3;
	s16 =	sadd.s32 $0x400, s16  }
.LBB2_5:
0x5e: {  	_ =	sfence.sel $0x180000  }
0x5f: {  	[bflag:$0x0] =	sbarrier.arrive $0xFFFF  }
0x60: {  	_ =	strace $0x90000050  }
0x61: {  	s0 =	stileid.u32;
	[bflag:$0x2] =	sbarrier.arrive $0xFFFF  }
0x62: {  	p0 =	sne.s32 s0, $0x0;
	s0 =	rddreg [dreg:$0x2]  }
0x63: {  	s0 =	sadd.s32 @!p0 $0x100000, s0  }
0x64: {  	[sflag:s0] =	ssyncadd.tile.s32 @!p0 $0x1;
	_ =	shalt  }
.Lfunc_end2:
_tile_overlayer_lowered:
.L_overlay_start_2:
0x65: {  	(tag) =	ssettag $0x2  }
0x66: {  	s0 =	rddreg [dreg:$0x0];
	s2 =	stileid.u32  }
0x67: {  	s1 =	rddreg [dreg:$0x1];
	p0 =	sne.s32 s2, $0x0  }
0x68: {  	s3 =	rddreg [dreg:$0x2];
	[bflag:$0x3] =	sbarrier.arrive $0xFFFF;
	s2 =	simm.s32 @!p0 $0x1C05  }
0x69: {  	[timem:s3], [sflag:s2] =	dma.local @!p0 [hbm:s0], s1  }
0x6a: {  	s0 =	simm.s32 @!p0 $0x5  }
0x6b: {  	_ =	swait.ge @!p0 [sflag:s0], s1  }
0x6c: {  	s1 =	ssub.s32 @!p0 $0x0, s1;
	[sflag:s0] =	ssyncset.done @!p0 $0x0  }
0x6d: {  	[sflag:s0] =	ssyncadd.s32 @!p0 s1  }
0x6e: {  	[bflag:$0x3] =	sbarrier.arrive $0xFFFF  }
0x6f: {  	_ =	shalt  }

// kernel: kernel.24.cloned.1.call-start
scs
__scs_entry_jumppad:
0x0: {  	(pc) =	sbr.rel $0x88, $3  }
0x1: {  	(tag) =	ssettag $0x0;
	lr =	simm.s32 $0x1  }
0x2: {  	[smem:$0x3F97] =	sst lr;
	_ =	strace $0xD0000000  }
0x3: {  	_ = 	snop  }
0x4: {  	_ = 	snop  }
0x5: {  	_ = 	snop  }
0x6: {  	_ = 	snop  }
0x7: {  	_ = 	snop  }
__scs_overlays_trampoline_lowered:
0x8: {  	[smem:$0x3FA6] =	sst s0  }
0x9: {  	[smem:$0x3FA7] =	sst s1  }
0xa: {  	[smem:$0x3FA8] =	sst s2  }
0xb: {  	[smem:$0x3FA9] =	sst s3  }
0xc: {  	[smem:$0x3FAA] =	sst s4  }
0xd: {  	[smem:$0x3FAB] =	sst s5  }
0xe: {  	[smem:$0x3FAC] =	sst s6  }
0xf: {  	[smem:$0x3FAD] =	sst s7  }
0x10: {  	[smem:$0x3FAE] =	sst s8  }
0x11: {  	[smem:$0x3FAF] =	sst s9;
	s0 =	simm.s32 @!p0 $0x0  }
0x12: {  	s1 =	sld [smem:$0x3F95];
	s0 =	simm.s32 @p0 $0x1  }
0x13: {  	[smem:$0x3FB0] =	sst s0;
	s0 =	simm.s32 @!p1 $0x0  }
0x14: {  	s2 =	sld [smem:$0x3F94];
	s0 =	simm.s32 @p1 $0x1  }
0x15: {  	[smem:$0x3FB1] =	sst s0;
	s0 =	simm.s32 @!p2 $0x0  }
0x16: {  	s3 =	sld [smem:$0x3FDB];
	s0 =	simm.s32 @p2 $0x1  }
0x17: {  	s4 =	simm.s32 $0x1BF5;
	[smem:$0x3FB3] =	sst s0  }
0x18: {  	s0 =	sld [smem:$0x3F96];
	_ =	swait.ge [sflag:s4], $0x0  }
0x19: {  	s7 =	sld [smem:$0x3F97]  }
0x1a: {  	s8 =	sadd.s32 $0xFFFFE003, lr  }
0x1b: {  	s9 =	sadd.s32 $0xFFFFFEF7, lr;
	s5 =	simm.s32 $0xFFFFFFFF;
	p2 =	slt.u32 s8, $0xFFFFF086  }
0x1c: {  	p1 =	slt.u32 s9, $0xF7A;
	s5 =	simm.s32 @!p2 $0x0  }
0x1d: {  	s5 =	simm.s32 @p1 $0x1;
	p0 =	seq.s32 s7, s2  }
0x1e: {  	s7 =	smul.u32 @!p0 $0xF7A, s2;
	p2 =	seq.s32 @!p0 s5, $0x0  }
0x1f: {  	s9 =	smul.u32 $0xF7A, s1;
	s8 =	simm.s32 @!p0 $0x1BF5;
	p2 =	por !p2, p0  }
0x20: {  	[sflag:s8] =	ssyncset.s32 @!p0 $0xFFFFF086;
	s6 =	sadd.s32 @!p0 s3, s7;
	s7 =	simm.s32 @!p0 $0x108  }
0x21: {  	s3 =	sadd.s32 s3, s9;
	s6 =	sadd.s32 @!p0 $0x88, s6;
	s7 =	simm.s32 @p2 $0x1082  }
0x22: {  	[simem:s7], [sflag:s8] =	dma.local @!p0 [hbm:s6], $0xF7A  }
0x23: {  	s9 =	sor.u32 $0xD0000000, s2;
	s6 =	simm.s32 $0x108;
	_ =	swait.ge @!p0 [sflag:s8], $0x0  }
0x24: {  	s3 =	sadd.s32 $0x88, s3;
	s6 =	simm.s32 @!p1 $0x1082;
	[sflag:s4] =	ssyncset.s32 $0xFFFFF086  }
0x25: {  	[simem:s6], [sflag:s4] =	dma.local [hbm:s3], $0xF7A  }
0x26: {  	[smem:$0x3F97] =	sst s1;
	(tag) =	ssettag s2;
	_ =	strace s9  }
0x27: {  	s1 =	sld [smem:$0x3FA7]  }
0x28: {  	s2 =	sld [smem:$0x3FA8]  }
0x29: {  	s4 =	sld [smem:$0x3FAA]  }
0x2a: {  	p0 =	seq.s32 s5, $0x0;
	s5 =	sld [smem:$0x3FAB]  }
0x2b: {  	s6 =	sld [smem:$0x3FAC]  }
0x2c: {  	s7 =	sld [smem:$0x3FAD]  }
0x2d: {  	s3 =	simm.s32 $0x108;
	s8 =	sld [smem:$0x3FAE]  }
0x2e: {  	s3 =	simm.s32 @!p0 $0x1082;
	s9 =	sld [smem:$0x3FAF]  }
0x2f: {  	lr =	sadd.s32 s0, s3;
	s0 =	sld [smem:$0x3FA6]  }
0x30: {  	s3 =	sld [smem:$0x3FA9]  }
0x31: {  	[smem:$0x3FB2] =	sst s10  }
0x32: {  	s10 =	sld [smem:$0x3FB0];
	_ =	sdelay $0x3  }
0x33: {  	p0 =	seq.s32 s10, $0x1;
	s10 =	sld [smem:$0x3FB2];
	_ =	sdelay $0x3  }
0x34: {  	[smem:$0x3FB2] =	sst s10  }
0x35: {  	s10 =	sld [smem:$0x3FB1];
	_ =	sdelay $0x3  }
0x36: {  	p1 =	seq.s32 s10, $0x1;
	s10 =	sld [smem:$0x3FB2];
	_ =	sdelay $0x3  }
0x37: {  	[smem:$0x3FB2] =	sst s10  }
0x38: {  	s10 =	sld [smem:$0x3FB3]  }
0x39: {  	_ = 	snop;
	(pc) =	sbr.ind lr, $3  }
0x3a: {  	_ = 	snop  }
0x3b: {  	_ = 	snop  }
0x3c: {  	p2 =	seq.s32 s10, $0x1;
	s10 =	sld [smem:$0x3FB2]  }
0x3d: {  	_ =	shalt  }
0x3e: {  	_ =	shalt  }
0x3f: {  	_ =	shalt  }
0x40: {  	_ =	shalt  }
0x41: {  	_ =	shalt  }
0x42: {  	_ =	shalt  }
0x43: {  	_ =	shalt  }
0x44: {  	_ =	shalt  }
0x45: {  	_ =	shalt  }
0x46: {  	_ =	shalt  }
0x47: {  	_ =	shalt  }
0x48: {  	_ =	shalt  }
0x49: {  	_ =	shalt  }
0x4a: {  	_ =	shalt  }
0x4b: {  	_ =	shalt  }
0x4c: {  	_ =	shalt  }
0x4d: {  	_ =	shalt  }
0x4e: {  	_ =	shalt  }
0x4f: {  	_ =	shalt  }
0x50: {  	_ =	shalt  }
0x51: {  	_ =	shalt  }
0x52: {  	_ =	shalt  }
0x53: {  	_ =	shalt  }
0x54: {  	_ =	shalt  }
0x55: {  	_ =	shalt  }
0x56: {  	_ =	shalt  }
0x57: {  	_ =	shalt  }
0x58: {  	_ =	shalt  }
0x59: {  	_ =	shalt  }
0x5a: {  	_ =	shalt  }
0x5b: {  	_ =	shalt  }
0x5c: {  	_ =	shalt  }
0x5d: {  	_ =	shalt  }
0x5e: {  	_ =	shalt  }
0x5f: {  	_ =	shalt  }
0x60: {  	_ =	shalt  }
0x61: {  	_ =	shalt  }
0x62: {  	_ =	shalt  }
0x63: {  	_ =	shalt  }
0x64: {  	_ =	shalt  }
0x65: {  	_ =	shalt  }
0x66: {  	_ =	shalt  }
0x67: {  	_ =	shalt  }
0x68: {  	_ =	shalt  }
0x69: {  	_ =	shalt  }
0x6a: {  	_ =	shalt  }
0x6b: {  	_ =	shalt  }
0x6c: {  	_ =	shalt  }
0x6d: {  	_ =	shalt  }
0x6e: {  	_ =	shalt  }
0x6f: {  	_ =	shalt  }
0x70: {  	_ =	shalt  }
0x71: {  	_ =	shalt  }
0x72: {  	_ =	shalt  }
0x73: {  	_ =	shalt  }
0x74: {  	_ =	shalt  }
0x75: {  	_ =	shalt  }
0x76: {  	_ =	shalt  }
0x77: {  	_ =	shalt  }
0x78: {  	_ =	shalt  }
0x79: {  	_ =	shalt  }
0x7a: {  	_ =	shalt  }
0x7b: {  	_ =	shalt  }
0x7c: {  	_ =	shalt  }
0x7d: {  	_ =	shalt  }
0x7e: {  	_ =	shalt  }
0x7f: {  	_ =	shalt  }
0x80: {  	_ =	shalt  }
0x81: {  	_ =	shalt  }
0x82: {  	_ =	shalt  }
0x83: {  	_ =	shalt  }
0x84: {  	_ =	shalt  }
0x85: {  	_ =	shalt  }
0x86: {  	_ =	shalt  }
0x87: {  	_ =	shalt  }
.Lfunc_end0:
.L_simem_size_0:
called_computation.4_lowered:
.L_overlay_start_0:
0x88: {  	s2 =	sld [smem:$0x3FD9]  }
0x89: {  	s3 =	sld [smem:$0x3FFE];
	_ =	sdelay $0x1  }
0x8a: {  	s1 =	srdreg.scid  }
0x8b: {  	s0 =	sand.u32 $0x1, s1  }
0x8c: {  	s16 =	sshll.u32 s0, $0xA;
	s2 =	sadd.s32 s3, s2  }
0x8d: {  	s2 =	sadd.s32 s2, s16  }
0x8e: {  	[smem:$0x3FBE] =	sst s2  }
0x8f: {  	_ = 	snop  }
0x90: {  	(tm) =	ssettm $0x1  }
0x91: {  	s17 =	sld [smem:$0x3FFB];
	_ =	sdelay $0x3  }
0x92: {  	_ =	strace s17  }
0x93: {  	s2 =	sld [smem:$0x3FFC];
	_ =	sdelay $0x3  }
0x94: {  	_ =	strace s2  }
0x95: {  	s2 =	sld [smem:$0x3FFD];
	_ =	sdelay $0x3  }
0x96: {  	_ =	strace s2  }
0x97: {  	_ =	strace $0x8FFFFFFF  }
0x98: {  	s18 =	sld [smem:$0x3FDB];
	_ =	sdelay $0x1  }
0x99: {  	s19 =	simm.s32 $_scs_section_size  }
0x9a: {  	s4 =	simm.s32 $_size__tile_overlayer_lowered;
	s5 =	simm.s32 $_tile_overlayer_lowered  }
0x9b: {  	s22 =	simm.s32 $0x1BFF;
	s21 =	sshll.u32 s5, $0x1;
	s2 =	sadd.s32 s19, s18  }
0x9c: {  	s6 =	simm.s32 $0x0;
	s20 =	sshll.u32 s4, $0x1;
	s4 =	sadd.s32 s21, s2  }
0x9d: {  	[timem:s6], [sflag:s22] =	dma.local [hbm:s4], s20  }
0x9e: {  	_ =	swait.ge [sflag:s22], s20  }
0x9f: {  	s3 =	ssub.s32 $0x0, s20;
	[sflag:s22] =	ssyncset.done $0x0  }
0xa0: {  	[sflag:s22] =	ssyncadd.s32 s3;
	_ =	sdelay $0x1  }
0xa1: {  	s23 =	simm.s32 $0x1B8B  }
0xa2: {  	_ =	swait.ge [sflag:s23], $0x1  }
0xa3: {  	[sflag:s23] =	ssyncset.done $0x0  }
0xa4: {  	s25 =	simm.s32 $0x1B8E;
	s24 =	sld [smem:$0x3FFE];
	[sflag:s23] =	ssyncadd.s32 $0xFFFFFFFF  }
0xa5: {  	s26 =	simm.s32 $execute0_lowered;
	[smem:$0x3FD2] =	sst s25  }
0xa6: {  	s4 =	sshll.u32 s26, $0x1;
	_ =	strace $0x80000052;
	[dreg:$0x1] =	wrdreg $0xFFFFFFFF  }
0xa7: {  	s28 =	simm.s32 $_size_execute0_lowered;
	s2 =	sadd.s32 s2, s4;
	[dreg:$0x0] =	wrdreg $0x0  }
0xa8: {  	s4 =	sshll.u32 s28, $0x1;
	[dreg:$0x2] =	wrdreg s2  }
0xa9: {  	[dreg:$0x3] =	wrdreg s4  }
0xaa: {  	[dreg:$0x4] =	wrdreg $0xC0  }
0xab: {  	_ =	task [dreg:s6], $0x5FFFF  }
0xac: {  	[dreg:$0x1] =	wrdreg $0xFFFFFFFF  }
0xad: {  	[dreg:$0x0] =	wrdreg $0x60  }
0xae: {  	[dreg:$0x2] =	wrdreg s24  }
0xaf: {  	[dreg:$0x3] =	wrdreg $0x0  }
0xb0: {  	[dreg:$0x4] =	wrdreg $0x9  }
0xb1: {  	_ =	task.clear_ibuf [dreg:s6], $0x5FFFF;
	_ =	strace $0x90000052  }
0xb2: {  	s29 =	simm.s32 $0x9;
	_ =	strace $0x80000054  }
0xb3: {  	_ =	swait.ge [sflag:s29], $0x1  }
0xb4: {  	[sflag:s29] =	ssyncadd.s32 $0xFFFFFFFF  }
0xb5: {  	_ =	strace $0x90000054  }
0xb6: {  	_ =	sfence  }
0xb7: {  	s30 =	sld [smem:$0x0];
	_ =	sdelay $0x2  }
0xb8: {  	s31 =	sshll.u32 s1, $0xD;
	s1 =	sshrl.u32 s1, $0x2  }
0xb9: {  	s3 =	sand.u32 $0x4000, s31;
	s1 =	sadd.s32 s1, s30  }
0xba: {  	s0 =	sor.u32 s3, s0;
	s1 =	sshll.u32 s1, $0x11  }
0xbb: {  	s0 =	sor.u32 s1, s0  }
0xbc: {  	s0 =	sadd.s32 $0x8F2B, s0  }
0xbd: {  	[sflag:s0] =	ssyncadd.remote.s32 $0x1  }
0xbe: {  	_ =	sfence.sel $0xFFFF  }
0xbf: {  	[dreg:$0x0] =	wrdreg $0xFFFFFFFF;
	(pc) =	sbr.abs _section_cstart, $3  }
0xc0: {  	[dreg:$0x1] =	wrdreg $0xFFFFFFFF  }
0xc1: {  	_ =	task.clear_ibuf [dreg:s6], $0x2FFFF;
	_ =	strace $0x9FFFFFFF  }
0xc2: {  	(tm) =	ssettm $0x7FFFFFFF  }
0xc3: {  	_ =	shalt  }
tec
execute0_lowered:
.L_overlay_start_1:
0x0: {  	(tag) =	ssettag $0x1  }
0x1: {  	s0 =	srdreg.scid;
	s1 =	rddreg [dreg:$0x0]  }
0x2: {  	s14 =	stileid.u32;
	s2 =	rddreg [dreg:$0x1]  }
0x3: {  	s6 =	simm.s32 $0x0;
	s18 =	simm.s32 $0x13880;
	s19 =	simm.s32 $0x16000  }
0x4: {  	s20 =	simm.s32 $0x50;
	s21 =	simm.s32 $0x1A000;
	s28 =	simm.s32 $0x3  }
0x5: {  	s29 =	simm.s32 $0x13920;
	s30 =	simm.s32 $0x4;
	s31 =	simm.s32 $0x15F40  }
0x6: {  	s0 =	sand.u32 $0x1, s0;
	s5 =	sshll.u32 s14, $0x7;
	[smem:$0x7FF] =	sst s6  }
0x7: {  	s7 =	smul.u32 $0x4E000, s14;
	s26 =	sshll.u32 s14, $0x6;
	s15 =	sadd.s32 $0x138000, s2  }
0x8: {  	p0 =	sne.s32 s14, $0xF;
	s3 =	sshll.u32 s0, $0x4;
	s5 =	sand.u32 $0x380, s5  }
0x9: {  	_ =	strace $0x80000053;
	s23 =	smul.u32 $0x27100, s0;
	s0 =	ssub.s32 $0x2, s0  }
0xa: {  	s15 =	sshrl.u32 @!p0 s15, $0x3;
	s3 =	sor.u32 s14, s3;
	s24 =	sshrl.u32 s0, $0x1  }
0xb: {  	s25 =	sshrl.u32 s7, $0x2;
	s7 =	sor.u32 $0x1C05, s26;
	s26 =	simm.s32 $0x16080  }
0xc: {  	s4 =	sshrl.u32 s3, $0x3;
	s3 =	sshll.u32 s3, $0xB;
	s11 =	sadd.s32 s23, s1  }
0xd: {  	s0 =	ssub.s32 s0, s24;
	s13 =	sadd.s32 s25, s2;
	s23 =	simm.s32 $0x1C800  }
0xe: {  	s24 =	simm.s32 $0x1;
	s25 =	simm.s32 $0x2;
	s4 =	smul.u32 $0x13C00, s4  }
0xf: {  	s3 =	sadd.s32 s3, s1;
	s11 =	sadd.s32 $0x6C600, s11;
	s12 =	smax.u32 s0, $0x1  }
.Ltmp0:
0x10: {  	s13 =	sshrl.u32 s13, $0x3;
	s5 =	sor.u32 s5, s4;
	(pc) =	sbr.rel .LBB2_1-.Ltmp0, $4  }
0x11: {  	s0 =	simm.s32 $0x0;
	s22 =	sshrl.u32 s5, $0x3;
	s5 =	smul.u32 $0x2700, s14  }
0x12: {  	s10 =	sadd.s32 $0x4400, s3;
	s4 =	sadd.s32 $0x45400, s1;
	s9 =	sadd.s32 s22, s1  }
0x13: {  	s14 =	simm.s32 $0x5;
	s8 =	sadd.s32 s5, s1;
	s9 =	sadd.s32 $0x14400, s9  }
0x14: {  	s6 =	sadd.s32 $0x1E200, s8;
	s8 =	sadd.s32 $0x45200, s1;
	s1 =	simm.s32 $0x19E00  }
.LBB2_4:
0x15: {  	[tilespmem:s21], [sflag:$0x1] =	stream.indirect.gather [hbm4b:s4+s20], $0x80, s31, s20, $0xb8;
	[tilespmem:$0x1F000] =	vst v63  }
0x16: {  	_ =	swait.ge [sflag:s30], $0x2800  }
0x17: {  	[sflag:s30] =	ssyncset.done $0x0  }
0x18: {  	[sflag:s30] =	ssyncadd.s32 $0xFFFFD800  }
0x19: {  	_ =	swait.ge [sflag:s24], $0x2800  }
0x1a: {  	[sflag:s24] =	ssyncset.done $0x0  }
0x1b: {  	[sflag:s24] =	ssyncadd.s32 $0xFFFFD800  }
0x1c: {  	[spmem:s2] =	stream.indirect.scatter.add.f32 [tilespmem:s21], [sflag:$0x3], $0x80, s1, s20, $0xb8;
	[tilespmem:$0x1F000] =	vst v63  }
0x1d: {  	_ =	swait.ge [sflag:s28], $0x2800  }
0x1e: {  	[sflag:s28] =	ssyncset.done $0x0  }
0x1f: {  	[sflag:s28] =	ssyncadd.s32 $0xFFFFD800  }
0x20: {  	s3 =	sadd.s32 s5, s11;
	[bflag:$0x0] =	sbarrier.arrive $0xFFFF  }
0x21: {  	[hbm:s3], [sflag:s7] =	dma.local [spmem:s13], $0x2700  }
0x22: {  	_ =	swait.ge [sflag:s14], $0x2700  }
0x23: {  	s0 =	sadd.s32 $0x1, s0;
	[sflag:s14] =	ssyncset.done $0x0  }
0x24: {  	p1 =	sne.s32 s0, s12;
	s3 =	sadd.s32 @!p0 $0x27000, s11;
	[sflag:s14] =	ssyncadd.s32 $0xFFFFD900  }
0x25: {  	[hbm:s3], [sflag:s7] =	dma.local @!p0 [spmem:s15], $0x100  }
.Ltmp1:
0x26: {  	_ = 	snop;
	(pc) =	sbr.rel @!p1 .LBB2_5-.Ltmp1, $4  }
0x27: {  	s3 =	simm.s32 @!p0 $0x5  }
0x28: {  	_ =	swait.ge @!p0 [sflag:s3], $0x100  }
0x29: {  	[sflag:s3] =	ssyncset.done @!p0 $0x0  }
0x2a: {  	[sflag:s3] =	ssyncadd.s32 @!p0 $0xFFFFFF00  }
.LBB2_1:
0x2b: {  	[spmem:s13], [sflag:s7] =	dma.local [hbm:s6], $0x2700  }
0x2c: {  	_ =	swait.ge [sflag:s14], $0x2700  }
0x2d: {  	[sflag:s14] =	ssyncset.done $0x0  }
0x2e: {  	s3 =	simm.s32 @!p0 $0x5;
	[sflag:s14] =	ssyncadd.s32 $0xFFFFD900  }
0x2f: {  	[spmem:s15], [sflag:s7] =	dma.local @!p0 [hbm:s8], $0x100  }
0x30: {  	_ =	swait.ge @!p0 [sflag:s3], $0x100  }
0x31: {  	[sflag:s3] =	ssyncset.done @!p0 $0x0  }
0x32: {  	[sflag:s3] =	ssyncadd.s32 @!p0 $0xFFFFFF00  }
0x33: {  	s22 =	simm.s32 $0x80;
	s16 =	simm.s32 $0x400;
	[bflag:$0x0] =	sbarrier.arrive $0xFFFF  }
0x34: {  	[tilespmem:s18], [sflag:$0x5] =	stream.strided.gather [hbm4b:s9+s22], $0x2780, s16, s22, $0x38;
	[tilespmem:$0x1F000] =	vst v63  }
0x35: {  	_ =	swait.ge [sflag:s14], $0x2780  }
0x36: {  	[sflag:s14] =	ssyncset.done $0x0  }
0x37: {  	s17 =	simm.s32 $0x0;
	[sflag:s14] =	ssyncadd.s32 $0xFFFFD880  }
0x38: {  	[tilespmem:s19], [sflag:$0x5] =	stream.linear.gather [hbm4b:s10+s17], $0x3E80, $0x38;
	[tilespmem:$0x1F000] =	vst v63  }
0x39: {  	_ =	swait.ge [sflag:s14], $0x3E80  }
0x3a: {  	[sflag:s14] =	ssyncset.done $0x0  }
0x3b: {  	[sflag:s14] =	ssyncadd.s32 $0xFFFFC180  }
0x3c: {  	[tilespmem:s21], [sflag:$0x1] =	stream.indirect.gather [hbm4b:s4+s20], $0x80, s18, s20, $0xb8;
	[tilespmem:$0x1F000] =	vst v63  }
0x3d: {  	s22 =	simm.s32 $0x138D0  }
0x3e: {  	[tilespmem:s23], [sflag:$0x2] =	stream.indirect.gather [hbm4b:s4+s20], $0x80, s22, s20, $0xb8;
	[tilespmem:$0x1F000] =	vst v63  }
0x3f: {  	_ =	swait.ge [sflag:s24], $0x2800  }
0x40: {  	[sflag:s24] =	ssyncset.done $0x0  }
0x41: {  	[sflag:s24] =	ssyncadd.s32 $0xFFFFD800  }
0x42: {  	[spmem:s2] =	stream.indirect.scatter.add.f32 [tilespmem:s21], [sflag:$0x3], $0x80, s19, s20, $0xb8;
	[tilespmem:$0x1F000] =	vst v63  }
0x43: {  	_ =	swait.ge [sflag:s25], $0x2800  }
0x44: {  	[sflag:s25] =	ssyncset.done $0x0  }
0x45: {  	[sflag:s25] =	ssyncadd.s32 $0xFFFFD800  }
0x46: {  	[spmem:s2] =	stream.indirect.scatter.add.f32 [tilespmem:s23], [sflag:$0x4], $0x80, s26, s20, $0xb8;
	[tilespmem:$0x1F000] =	vst v63  }
0x47: {  	_ =	swait.ge [sflag:s28], $0x2800  }
0x48: {  	[sflag:s28] =	ssyncset.done $0x0  }
0x49: {  	s3 =	simm.s32 $0x139C0;
	s16 =	simm.s32 $0xFFFF1000;
	[sflag:s28] =	ssyncadd.s32 $0xFFFFD800  }
0x4a: {  	[tilespmem:s21], [sflag:$0x1] =	stream.indirect.gather [hbm4b:s4+s20], $0x80, s29, s20, $0xb8;
	[tilespmem:$0x1F000] =	vst v63  }
.LBB2_2:
0x4b: {  	_ =	swait.ge [sflag:s30], $0x2800  }
0x4c: {  	[sflag:s30] =	ssyncset.done $0x0  }
0x4d: {  	s17 =	sadd.s32 $0xFFFFFFB0, s3;
	[sflag:s30] =	ssyncadd.s32 $0xFFFFD800  }
0x4e: {  	[tilespmem:s23], [sflag:$0x2] =	stream.indirect.gather [hbm4b:s4+s20], $0x80, s17, s20, $0xb8;
	[tilespmem:$0x1F000] =	vst v63  }
0x4f: {  	_ =	swait.ge [sflag:s24], $0x2800  }
0x50: {  	s17 =	sshra.s32 s16, $0x2;
	[sflag:s24] =	ssyncset.done $0x0  }
0x51: {  	s22 =	sadd.s32 $0x19D00, s17;
	[sflag:s24] =	ssyncadd.s32 $0xFFFFD800  }
0x52: {  	[spmem:s2] =	stream.indirect.scatter.add.f32 [tilespmem:s21], [sflag:$0x3], $0x80, s22, s20, $0xb8;
	[tilespmem:$0x1F000] =	vst v63  }
0x53: {  	_ =	swait.ge [sflag:s25], $0x2800  }
0x54: {  	p1 =	seq.s32 s16, $0x0;
	[sflag:s25] =	ssyncset.done $0x0  }
.Ltmp2:
0x55: {  	s17 =	sadd.s32 $0x19D80, s17;
	[sflag:s25] =	ssyncadd.s32 $0xFFFFD800;
	(pc) =	sbr.rel @p1 .LBB2_4-.Ltmp2, $4  }
0x56: {  	[spmem:s2] =	stream.indirect.scatter.add.f32 [tilespmem:s23], [sflag:$0x4], $0x80, s17, s20, $0xb8;
	[tilespmem:$0x1F000] =	vst v63  }
0x57: {  	_ =	swait.ge [sflag:s28], $0x2800  }
0x58: {  	[sflag:s28] =	ssyncset.done $0x0  }
0x59: {  	[sflag:s28] =	ssyncadd.s32 $0xFFFFD800  }
.Ltmp3:
0x5a: {  	(pc) =	sbr.rel .LBB2_2-.Ltmp3, $3  }
0x5b: {  	_ =	sdelay $0x1  }
0x5c: {  	[tilespmem:s21], [sflag:$0x1] =	stream.indirect.gather [hbm4b:s4+s20], $0x80, s3, s20, $0xb8;
	[tilespmem:$0x1F000] =	vst v63  }
0x5d: {  	s3 =	sadd.s32 $0xA0, s3;
	s16 =	sadd.s32 $0x400, s16  }
.LBB2_5:
0x5e: {  	_ =	sfence.sel $0x180000  }
0x5f: {  	[bflag:$0x0] =	sbarrier.arrive $0xFFFF  }
0x60: {  	_ =	strace $0x90000053  }
0x61: {  	s0 =	stileid.u32;
	[bflag:$0x2] =	sbarrier.arrive $0xFFFF  }
0x62: {  	p0 =	sne.s32 s0, $0x0;
	s0 =	rddreg [dreg:$0x2]  }
0x63: {  	s0 =	sadd.s32 @!p0 $0x100000, s0  }
0x64: {  	[sflag:s0] =	ssyncadd.tile.s32 @!p0 $0x1;
	_ =	shalt  }
.Lfunc_end2:
_tile_overlayer_lowered:
.L_overlay_start_2:
0x65: {  	(tag) =	ssettag $0x2  }
0x66: {  	s0 =	rddreg [dreg:$0x0];
	s2 =	stileid.u32  }
0x67: {  	s1 =	rddreg [dreg:$0x1];
	p0 =	sne.s32 s2, $0x0  }
0x68: {  	s3 =	rddreg [dreg:$0x2];
	[bflag:$0x3] =	sbarrier.arrive $0xFFFF;
	s2 =	simm.s32 @!p0 $0x1C05  }
0x69: {  	[timem:s3], [sflag:s2] =	dma.local @!p0 [hbm:s0], s1  }
0x6a: {  	s0 =	simm.s32 @!p0 $0x5  }
0x6b: {  	_ =	swait.ge @!p0 [sflag:s0], s1  }
0x6c: {  	s1 =	ssub.s32 @!p0 $0x0, s1;
	[sflag:s0] =	ssyncset.done @!p0 $0x0  }
0x6d: {  	[sflag:s0] =	ssyncadd.s32 @!p0 s1  }
0x6e: {  	[bflag:$0x3] =	sbarrier.arrive $0xFFFF  }
0x6f: {  	_ =	shalt  }

</sc_bundles>
